<compile_context>
chip_gen: v7x
topology: tpu7x:2x2x1
jax: 0.10.2.dev20260603
libtpu: 0.0.44.dev20260713+nightly
codegen_flags: <defaults>
</compile_context>

<pallas_src>
import functools

import jax
import jax.numpy as jnp
from jax import lax
from jax.experimental import pallas as pl
from jax.experimental.pallas import tpu as pltpu
from jax.experimental.pallas import tpu_sc as plsc
from jax._src.pallas import mpmd as _mpmd

_B, _N, _DIN, _DOUT, _C, _H, _W = 16, 512, 256, 32, 20, 256, 256
_CO = _C + _DOUT
_HW = _H * _W

_NC = 2
_NS = 16
_NWORK = _NC * _NS
_LANES = 16


def _tc_body(spatial_r, emb_r, y_r, x_r, mask_r, w_r, bp_r,
             out_r, idx_r, val_r):
    out_r[0] = spatial_r[0]

    proj = lax.dot_general(
        emb_r[0], w_r[...], (((1,), (0,)), ((), ())),
        precision=lax.Precision.HIGHEST,
        preferred_element_type=jnp.float32,
    )
    proj = jnp.maximum(proj + bp_r[...], 0.0)

    y = jnp.clip(y_r[0, 0], 0, _H - 1)
    x = jnp.clip(x_r[0, 0], 0, _W - 1)
    flat = y * _W + x

    eq = (flat[:, None] == flat[None, :]).astype(jnp.float32) * mask_r[0]
    combined = lax.dot_general(
        eq, proj, (((1,), (0,)), ((), ())),
        precision=lax.Precision.HIGHEST,
        preferred_element_type=jnp.float32,
    )

    toff = flat

    idx_r[0, 0] = toff
    val_r[0] = combined.T


_tc_call = pl.pallas_call(
    _tc_body,
    grid=(_B,),
    in_specs=[
        pl.BlockSpec((1, _C, _H, _W), lambda b: (b, 0, 0, 0)),
        pl.BlockSpec((1, _N, _DIN), lambda b: (b, 0, 0)),
        pl.BlockSpec((1, 1, _N), lambda b: (b, 0, 0)),
        pl.BlockSpec((1, 1, _N), lambda b: (b, 0, 0)),
        pl.BlockSpec((1, 1, _N), lambda b: (b, 0, 0)),
        pl.BlockSpec((_DIN, _DOUT), lambda b: (0, 0)),
        pl.BlockSpec((1, _DOUT), lambda b: (0, 0)),
    ],
    out_specs=[
        pl.BlockSpec((1, _C, _H, _W), lambda b: (b, 0, 0, 0)),
        pl.BlockSpec((1, 1, _N), lambda b: (b, 0, 0)),
        pl.BlockSpec((1, _DOUT, _N), lambda b: (b, 0, 0)),
    ],
    out_shape=[
        jax.ShapeDtypeStruct((_B, _CO, _H, _W), jnp.float32),
        jax.ShapeDtypeStruct((_B, 1, _N), jnp.int32),
        jax.ShapeDtypeStruct((_B, _DOUT, _N), jnp.float32),
    ],
)


def _sc_scatter_body(out_in, idx_hbm, val_hbm, zeros_hbm,
                     out4, zmem, oidx0, oidx1, vals0, vals1, sem):
    del out_in
    wid = lax.axis_index("s") * _NC + lax.axis_index("c")
    chan = _C + wid

    pltpu.sync_copy(zeros_hbm, zmem)

    zvec = jnp.zeros((_LANES,), jnp.float32)

    def _load(b, oidx, vals):
        pltpu.sync_copy(idx_hbm.at[b, 0], oidx)
        pltpu.sync_copy(val_hbm.at[b, wid], vals)

    def _scatter(oidx, vals, value_src):
        def _step(k, carry):
            sl = pl.ds(k * _LANES, _LANES)
            off = oidx[sl]
            i = off >> 8
            j = off & 255
            plsc.store_scatter(zmem, [i, j], value_src(vals, sl))
            return carry
        lax.fori_loop(0, _N // _LANES, _step, 0)

    _load(0, oidx0, vals0)
    for b in range(_B):
        oidx, vals = (oidx0, vals0) if b % 2 == 0 else (oidx1, vals1)
        nidx, nvals = (oidx1, vals1) if b % 2 == 0 else (oidx0, vals0)
        _scatter(oidx, vals, lambda v, sl: v[sl])
        dma = pltpu.make_async_copy(zmem, out4.at[b, chan], sem)
        dma.start()
        if b + 1 < _B:
            _load(b + 1, nidx, nvals)
        dma.wait()
        _scatter(oidx, vals, lambda v, sl: zvec)


@functools.cache
def _sc_scatter_call():
    mesh = plsc.VectorSubcoreMesh(core_axis_name="c", subcore_axis_name="s")
    return _mpmd._mpmd_map(
        [(mesh, _sc_scatter_body)],
        out_types=[jax.ShapeDtypeStruct((_B, _CO, _H, _W), jnp.float32)],
        input_output_aliases={0: 0},
        compiler_params=pltpu.CompilerParams(needs_layout_passes=False),
        scratch_types=[
            pltpu.VMEM((_H, _W), jnp.float32),
            pltpu.VMEM((_N,), jnp.int32),
            pltpu.VMEM((_N,), jnp.int32),
            pltpu.VMEM((_N,), jnp.float32),
            pltpu.VMEM((_N,), jnp.float32),
            pltpu.SemaphoreType.DMA,
        ],
    )


def kernel(spatial_info, entity_embeddings, entity_location, entity_mask,
           W_proj, b_proj):
    y = entity_location[..., 0].reshape(_B, 1, _N)
    x = entity_location[..., 1].reshape(_B, 1, _N)
    mask = entity_mask.reshape(_B, 1, _N)
    bp = b_proj.reshape(1, _DOUT)

    out, idx, val = _tc_call(spatial_info, entity_embeddings, y, x, mask,
                             W_proj, bp)
    zeros_plane = jnp.zeros((_H, _W), jnp.float32)
    out_fin, = _sc_scatter_call()(out, idx, val, zeros_plane)
    return out_fin

# --- scband reference (transcript-rebuilt; emitter-appended) ---
"""Pipeline reference for scband-encoder-85899345920647 (READ-ONLY COPY).

The authoritative reference and input builder live on the scoring server;
editing this copy changes nothing except your own understanding.
"""

import jax, jax.numpy as jnp
import numpy as np

B, N, DIN, DOUT, C, H, W = 16, 512, 256, 32, 20, 256, 256


def setup_inputs(seed: int = 0) -> dict:
    key = jax.random.key(seed)
    ks = jax.random.split(key, 6)
    return {
        "spatial_info": jax.random.normal(ks[0], (B, C, H, W), dtype=jnp.float32),
        "entity_embeddings": jax.random.normal(ks[1], (B, N, DIN), dtype=jnp.float32),
        "entity_location": jax.random.randint(ks[2], (B, N, 2), 0, 256, dtype=jnp.int32),
        "entity_mask": jnp.ones((B, N), dtype=jnp.float32),
        "W_proj": jax.random.normal(ks[3], (DIN, DOUT), dtype=jnp.float32) * 0.02,
        "b_proj": jnp.zeros((DOUT,), dtype=jnp.float32),
    }


def reference(spatial_info, entity_embeddings, entity_location, entity_mask, W_proj, b_proj):
    # Faithful translation of Encoder._scatter_connection (scatter_type='add').
    Bs, Cs, Hs, Ws = spatial_info.shape
    D = W_proj.shape[1]
    # fc_block: linear + activation (ReLU)
    proj = jax.nn.relu(jnp.einsum('bnd,de->bne', entity_embeddings, W_proj) + b_proj)
    # mask out invalid entities
    proj = proj * entity_mask[..., None]
    # compute flattened scatter indices with per-batch bias
    y = jnp.clip(entity_location[..., 0], 0, Hs - 1)
    x = jnp.clip(entity_location[..., 1], 0, Ws - 1)
    flat = y * Ws + x  # [B, N]
    bias = jnp.arange(Bs, dtype=flat.dtype)[:, None] * (Hs * Ws)
    idx = (flat + bias).reshape(-1)  # [B*N]
    src = proj.reshape(-1, D)  # [B*N, D]
    scatter_map = jnp.zeros((Bs * Hs * Ws, D), dtype=src.dtype).at[idx].add(src)
    scatter_map = scatter_map.reshape(Bs, Hs, Ws, D).transpose(0, 3, 1, 2)
    return jnp.concatenate([spatial_info, scatter_map], axis=1)

if __name__ == "__main__":
    import jax
    _d = setup_inputs()
    print(jax.jit(kernel)(*tuple(_d.values())))

</pallas_src>

<mosaic_0001>
#map = affine_map<(d0, d1) -> (0, 0, 0, 0)>
#map1 = affine_map<(d0, d1) -> (0, 0, 0)>
#map2 = affine_map<(d0, d1) -> (0, 0)>
module attributes {stable_mosaic.version = 14 : i64} {
  func.func @_sc_scatter_body(%arg0: i32, %arg1: i32, %arg2: memref<16x52x256x256xf32, #tpu.memory_space<hbm>>, %arg3: memref<16x1x512xi32, #tpu.memory_space<hbm>>, %arg4: memref<16x32x512xf32, #tpu.memory_space<hbm>>, %arg5: memref<256x256xf32, #tpu.memory_space<hbm>>, %arg6: memref<16x52x256x256xf32, #tpu.memory_space<hbm>>, %arg7: memref<256x256xf32, #tpu.memory_space<vmem>>, %arg8: memref<512xi32, #tpu.memory_space<vmem>>, %arg9: memref<512xi32, #tpu.memory_space<vmem>>, %arg10: memref<512xf32, #tpu.memory_space<vmem>>, %arg11: memref<512xf32, #tpu.memory_space<vmem>>, %arg12: memref<!tpu.dma_semaphore, #tpu.memory_space<semaphore_mem>>) attributes {dimension_semantics = [#tpu.dimension_semantics<core_parallel>, #tpu.dimension_semantics<subcore_parallel>], iteration_bounds = array<i64: 2, 16>, scalar_prefetch = 0 : i64, scratch_operands = 6 : i64, tpu.core_type = #tpu.core_type<sc_vector_subcore>, window_params = [{transform_indices = #map}, {transform_indices = #map1}, {transform_indices = #map1}, {transform_indices = #map2}, {transform_indices = #map}]} {
    %mul3A = arith.constant 2 : i32
    %mul3A_0 = arith.muli %arg1, %mul3A : i32
    %add3A = arith.addi %mul3A_0, %arg0 : i32
    %add3A_1 = arith.constant 20 : i32
    %add3A_2 = arith.addi %add3A_1, %add3A : i32
    "tpu.region"() ({
      %run_scoped3A_528 = tpu.sem_alloc : memref<!tpu.dma_semaphore, #tpu.memory_space<semaphore_mem>>
      tpu.enqueue_dma source(%arg5 : memref<256x256xf32, #tpu.memory_space<hbm>>) target(%arg7 : memref<256x256xf32, #tpu.memory_space<vmem>>) target_semaphore(%run_scoped3A_528 : memref<!tpu.dma_semaphore, #tpu.memory_space<semaphore_mem>>)
      tpu.wait_dma2 semaphore(%run_scoped3A_528 : memref<!tpu.dma_semaphore, #tpu.memory_space<semaphore_mem>>) src(%arg5 : memref<256x256xf32, #tpu.memory_space<hbm>>) dst(%arg7 : memref<256x256xf32, #tpu.memory_space<vmem>>)
      tpu.yield
    }) : () -> ()
    %broadcast_in_dim3A = arith.constant 0.000000e+00 : f32
    %broadcast_in_dim3A_3 = vector.broadcast %broadcast_in_dim3A : f32 to vector<16xf32>
    %run_scoped3A = arith.constant 0 : i32
    %run_scoped3A_4 = arith.constant 0 : i32
    "tpu.region"() ({
      %run_scoped3A_528 = tpu.sem_alloc : memref<!tpu.dma_semaphore, #tpu.memory_space<semaphore_mem>>
      %dma_start3A_529 = arith.constant 0 : i32
      %dma_start3A_530 = tpu.memref_slice %arg3[%run_scoped3A, %run_scoped3A_4, %dma_start3A_529] : memref<16x1x512xi32, #tpu.memory_space<hbm>> -> memref<1x1x512xi32, #tpu.memory_space<hbm>>
      %dma_start3A_531 = tpu.memref_squeeze %dma_start3A_530 : memref<1x1x512xi32, #tpu.memory_space<hbm>> -> memref<512xi32, #tpu.memory_space<hbm>>
      %dma_start3A_532 = arith.constant 0 : i32
      %dma_start3A_533 = tpu.memref_slice %arg3[%run_scoped3A, %run_scoped3A_4, %dma_start3A_532] : memref<16x1x512xi32, #tpu.memory_space<hbm>> -> memref<1x1x512xi32, #tpu.memory_space<hbm>>
      %dma_start3A_534 = tpu.memref_squeeze %dma_start3A_533 : memref<1x1x512xi32, #tpu.memory_space<hbm>> -> memref<512xi32, #tpu.memory_space<hbm>>
      tpu.enqueue_dma source(%dma_start3A_534 : memref<512xi32, #tpu.memory_space<hbm>>) target(%arg8 : memref<512xi32, #tpu.memory_space<vmem>>) target_semaphore(%run_scoped3A_528 : memref<!tpu.dma_semaphore, #tpu.memory_space<semaphore_mem>>)
      %dma_wait3A_535 = arith.constant 0 : i32
      %dma_wait3A_536 = tpu.memref_slice %arg3[%run_scoped3A, %run_scoped3A_4, %dma_wait3A_535] : memref<16x1x512xi32, #tpu.memory_space<hbm>> -> memref<1x1x512xi32, #tpu.memory_space<hbm>>
      %dma_wait3A_537 = tpu.memref_squeeze %dma_wait3A_536 : memref<1x1x512xi32, #tpu.memory_space<hbm>> -> memref<512xi32, #tpu.memory_space<hbm>>
      %dma_wait3A_538 = arith.constant 0 : i32
      %dma_wait3A_539 = tpu.memref_slice %arg3[%run_scoped3A, %run_scoped3A_4, %dma_wait3A_538] : memref<16x1x512xi32, #tpu.memory_space<hbm>> -> memref<1x1x512xi32, #tpu.memory_space<hbm>>
      %dma_wait3A_540 = tpu.memref_squeeze %dma_wait3A_539 : memref<1x1x512xi32, #tpu.memory_space<hbm>> -> memref<512xi32, #tpu.memory_space<hbm>>
      tpu.wait_dma2 semaphore(%run_scoped3A_528 : memref<!tpu.dma_semaphore, #tpu.memory_space<semaphore_mem>>) src(%dma_wait3A_540 : memref<512xi32, #tpu.memory_space<hbm>>) dst(%arg8 : memref<512xi32, #tpu.memory_space<vmem>>)
      tpu.yield
    }) : () -> ()
    %run_scoped3A_5 = arith.constant 0 : i32
    "tpu.region"() ({
      %run_scoped3A_528 = tpu.sem_alloc : memref<!tpu.dma_semaphore, #tpu.memory_space<semaphore_mem>>
      %dma_start3A_529 = arith.constant 0 : i32
      %dma_start3A_530 = tpu.memref_slice %arg4[%run_scoped3A_5, %add3A, %dma_start3A_529] : memref<16x32x512xf32, #tpu.memory_space<hbm>> -> memref<1x1x512xf32, #tpu.memory_space<hbm>>
      %dma_start3A_531 = tpu.memref_squeeze %dma_start3A_530 : memref<1x1x512xf32, #tpu.memory_space<hbm>> -> memref<512xf32, #tpu.memory_space<hbm>>
      %dma_start3A_532 = arith.constant 0 : i32
      %dma_start3A_533 = tpu.memref_slice %arg4[%run_scoped3A_5, %add3A, %dma_start3A_532] : memref<16x32x512xf32, #tpu.memory_space<hbm>> -> memref<1x1x512xf32, #tpu.memory_space<hbm>>
      %dma_start3A_534 = tpu.memref_squeeze %dma_start3A_533 : memref<1x1x512xf32, #tpu.memory_space<hbm>> -> memref<512xf32, #tpu.memory_space<hbm>>
      tpu.enqueue_dma source(%dma_start3A_534 : memref<512xf32, #tpu.memory_space<hbm>>) target(%arg10 : memref<512xf32, #tpu.memory_space<vmem>>) target_semaphore(%run_scoped3A_528 : memref<!tpu.dma_semaphore, #tpu.memory_space<semaphore_mem>>)
      %dma_wait3A_535 = arith.constant 0 : i32
      %dma_wait3A_536 = tpu.memref_slice %arg4[%run_scoped3A_5, %add3A, %dma_wait3A_535] : memref<16x32x512xf32, #tpu.memory_space<hbm>> -> memref<1x1x512xf32, #tpu.memory_space<hbm>>
      %dma_wait3A_537 = tpu.memref_squeeze %dma_wait3A_536 : memref<1x1x512xf32, #tpu.memory_space<hbm>> -> memref<512xf32, #tpu.memory_space<hbm>>
      %dma_wait3A_538 = arith.constant 0 : i32
      %dma_wait3A_539 = tpu.memref_slice %arg4[%run_scoped3A_5, %add3A, %dma_wait3A_538] : memref<16x32x512xf32, #tpu.memory_space<hbm>> -> memref<1x1x512xf32, #tpu.memory_space<hbm>>
      %dma_wait3A_540 = tpu.memref_squeeze %dma_wait3A_539 : memref<1x1x512xf32, #tpu.memory_space<hbm>> -> memref<512xf32, #tpu.memory_space<hbm>>
      tpu.wait_dma2 semaphore(%run_scoped3A_528 : memref<!tpu.dma_semaphore, #tpu.memory_space<semaphore_mem>>) src(%dma_wait3A_540 : memref<512xf32, #tpu.memory_space<hbm>>) dst(%arg10 : memref<512xf32, #tpu.memory_space<vmem>>)
      tpu.yield
    }) : () -> ()
    %scan3A = arith.constant 0 : i32
    %scan3A_6 = arith.constant 0 : i32
    %scan3A_7 = arith.constant 32 : i32
    %scan3A_8 = arith.addi %scan3A_6, %scan3A_7 : i32
    %scan3A_9 = arith.constant 1 : i32
    scf.for %scan3A_528 = %scan3A_6 to %scan3A_8 step %scan3A_9  : i32 {
      %mul3A_529 = arith.constant 16 : i32
      %mul3A_530 = arith.muli %scan3A_528, %mul3A_529 : i32
      %get3A = arith.index_cast %mul3A_530 : i32 to index
      %get3A_531 = tpu.vector_load %arg8[%get3A] {strides = array<i32>} : memref<512xi32, #tpu.memory_space<vmem>>, vector<16xi32>,
      %shift_right_arithmetic3A = arith.constant 8 : i32
      %shift_right_arithmetic3A_532 = vector.broadcast %shift_right_arithmetic3A : i32 to vector<16xi32>
      %shift_right_arithmetic3A_533 = arith.shrsi %get3A_531, %shift_right_arithmetic3A_532 : vector<16xi32>
      %and3A = arith.constant 255 : i32
      %and3A_534 = vector.broadcast %and3A : i32 to vector<16xi32>
      %and3A_535 = arith.andi %get3A_531, %and3A_534 : vector<16xi32>
      %get3A_536 = arith.index_cast %mul3A_530 : i32 to index
      %get3A_537 = tpu.vector_load %arg10[%get3A_536] {strides = array<i32>} : memref<512xf32, #tpu.memory_space<vmem>>, vector<16xf32>,
      tpu.vector_store_idx %arg7[%shift_right_arithmetic3A_533, %and3A_535], %get3A_537 : memref<256x256xf32, #tpu.memory_space<vmem>>[vector<16xi32>, vector<16xi32>], vector<16xf32>,
    }
    %scan3A_10 = arith.constant 32 : i32
    %dma_start3A = arith.constant 0 : i32
    %dma_start3A_11 = arith.constant 0 : i32
    %dma_start3A_12 = arith.constant 0 : i32
    %dma_start3A_13 = tpu.memref_slice %arg6[%dma_start3A, %add3A_2, %dma_start3A_11, %dma_start3A_12] : memref<16x52x256x256xf32, #tpu.memory_space<hbm>> -> memref<1x1x256x256xf32, #tpu.memory_space<hbm>>
    %dma_start3A_14 = tpu.memref_squeeze %dma_start3A_13 : memref<1x1x256x256xf32, #tpu.memory_space<hbm>> -> memref<256x256xf32, #tpu.memory_space<hbm>>
    %dma_start3A_15 = arith.constant 0 : i32
    %dma_start3A_16 = arith.constant 0 : i32
    %dma_start3A_17 = tpu.memref_slice %arg6[%dma_start3A, %add3A_2, %dma_start3A_15, %dma_start3A_16] : memref<16x52x256x256xf32, #tpu.memory_space<hbm>> -> memref<1x1x256x256xf32, #tpu.memory_space<hbm>>
    %dma_start3A_18 = tpu.memref_squeeze %dma_start3A_17 : memref<1x1x256x256xf32, #tpu.memory_space<hbm>> -> memref<256x256xf32, #tpu.memory_space<hbm>>
    tpu.enqueue_dma source(%arg7 : memref<256x256xf32, #tpu.memory_space<vmem>>) target(%dma_start3A_18 : memref<256x256xf32, #tpu.memory_space<hbm>>) target_semaphore(%arg12 : memref<!tpu.dma_semaphore, #tpu.memory_space<semaphore_mem>>)
    %run_scoped3A_19 = arith.constant 1 : i32
    %run_scoped3A_20 = arith.constant 0 : i32
    "tpu.region"() ({
      %run_scoped3A_528 = tpu.sem_alloc : memref<!tpu.dma_semaphore, #tpu.memory_space<semaphore_mem>>
      %dma_start3A_529 = arith.constant 0 : i32
      %dma_start3A_530 = tpu.memref_slice %arg3[%run_scoped3A_19, %run_scoped3A_20, %dma_start3A_529] : memref<16x1x512xi32, #tpu.memory_space<hbm>> -> memref<1x1x512xi32, #tpu.memory_space<hbm>>
      %dma_start3A_531 = tpu.memref_squeeze %dma_start3A_530 : memref<1x1x512xi32, #tpu.memory_space<hbm>> -> memref<512xi32, #tpu.memory_space<hbm>>
      %dma_start3A_532 = arith.constant 0 : i32
      %dma_start3A_533 = tpu.memref_slice %arg3[%run_scoped3A_19, %run_scoped3A_20, %dma_start3A_532] : memref<16x1x512xi32, #tpu.memory_space<hbm>> -> memref<1x1x512xi32, #tpu.memory_space<hbm>>
      %dma_start3A_534 = tpu.memref_squeeze %dma_start3A_533 : memref<1x1x512xi32, #tpu.memory_space<hbm>> -> memref<512xi32, #tpu.memory_space<hbm>>
      tpu.enqueue_dma source(%dma_start3A_534 : memref<512xi32, #tpu.memory_space<hbm>>) target(%arg9 : memref<512xi32, #tpu.memory_space<vmem>>) target_semaphore(%run_scoped3A_528 : memref<!tpu.dma_semaphore, #tpu.memory_space<semaphore_mem>>)
      %dma_wait3A_535 = arith.constant 0 : i32
      %dma_wait3A_536 = tpu.memref_slice %arg3[%run_scoped3A_19, %run_scoped3A_20, %dma_wait3A_535] : memref<16x1x512xi32, #tpu.memory_space<hbm>> -> memref<1x1x512xi32, #tpu.memory_space<hbm>>
      %dma_wait3A_537 = tpu.memref_squeeze %dma_wait3A_536 : memref<1x1x512xi32, #tpu.memory_space<hbm>> -> memref<512xi32, #tpu.memory_space<hbm>>
      %dma_wait3A_538 = arith.constant 0 : i32
      %dma_wait3A_539 = tpu.memref_slice %arg3[%run_scoped3A_19, %run_scoped3A_20, %dma_wait3A_538] : memref<16x1x512xi32, #tpu.memory_space<hbm>> -> memref<1x1x512xi32, #tpu.memory_space<hbm>>
      %dma_wait3A_540 = tpu.memref_squeeze %dma_wait3A_539 : memref<1x1x512xi32, #tpu.memory_space<hbm>> -> memref<512xi32, #tpu.memory_space<hbm>>
      tpu.wait_dma2 semaphore(%run_scoped3A_528 : memref<!tpu.dma_semaphore, #tpu.memory_space<semaphore_mem>>) src(%dma_wait3A_540 : memref<512xi32, #tpu.memory_space<hbm>>) dst(%arg9 : memref<512xi32, #tpu.memory_space<vmem>>)
      tpu.yield
    }) : () -> ()
    %run_scoped3A_21 = arith.constant 1 : i32
    "tpu.region"() ({
      %run_scoped3A_528 = tpu.sem_alloc : memref<!tpu.dma_semaphore, #tpu.memory_space<semaphore_mem>>
      %dma_start3A_529 = arith.constant 0 : i32
      %dma_start3A_530 = tpu.memref_slice %arg4[%run_scoped3A_21, %add3A, %dma_start3A_529] : memref<16x32x512xf32, #tpu.memory_space<hbm>> -> memref<1x1x512xf32, #tpu.memory_space<hbm>>
      %dma_start3A_531 = tpu.memref_squeeze %dma_start3A_530 : memref<1x1x512xf32, #tpu.memory_space<hbm>> -> memref<512xf32, #tpu.memory_space<hbm>>
      %dma_start3A_532 = arith.constant 0 : i32
      %dma_start3A_533 = tpu.memref_slice %arg4[%run_scoped3A_21, %add3A, %dma_start3A_532] : memref<16x32x512xf32, #tpu.memory_space<hbm>> -> memref<1x1x512xf32, #tpu.memory_space<hbm>>
      %dma_start3A_534 = tpu.memref_squeeze %dma_start3A_533 : memref<1x1x512xf32, #tpu.memory_space<hbm>> -> memref<512xf32, #tpu.memory_space<hbm>>
      tpu.enqueue_dma source(%dma_start3A_534 : memref<512xf32, #tpu.memory_space<hbm>>) target(%arg11 : memref<512xf32, #tpu.memory_space<vmem>>) target_semaphore(%run_scoped3A_528 : memref<!tpu.dma_semaphore, #tpu.memory_space<semaphore_mem>>)
      %dma_wait3A_535 = arith.constant 0 : i32
      %dma_wait3A_536 = tpu.memref_slice %arg4[%run_scoped3A_21, %add3A, %dma_wait3A_535] : memref<16x32x512xf32, #tpu.memory_space<hbm>> -> memref<1x1x512xf32, #tpu.memory_space<hbm>>
      %dma_wait3A_537 = tpu.memref_squeeze %dma_wait3A_536 : memref<1x1x512xf32, #tpu.memory_space<hbm>> -> memref<512xf32, #tpu.memory_space<hbm>>
      %dma_wait3A_538 = arith.constant 0 : i32
      %dma_wait3A_539 = tpu.memref_slice %arg4[%run_scoped3A_21, %add3A, %dma_wait3A_538] : memref<16x32x512xf32, #tpu.memory_space<hbm>> -> memref<1x1x512xf32, #tpu.memory_space<hbm>>
      %dma_wait3A_540 = tpu.memref_squeeze %dma_wait3A_539 : memref<1x1x512xf32, #tpu.memory_space<hbm>> -> memref<512xf32, #tpu.memory_space<hbm>>
      tpu.wait_dma2 semaphore(%run_scoped3A_528 : memref<!tpu.dma_semaphore, #tpu.memory_space<semaphore_mem>>) src(%dma_wait3A_540 : memref<512xf32, #tpu.memory_space<hbm>>) dst(%arg11 : memref<512xf32, #tpu.memory_space<vmem>>)
      tpu.yield
    }) : () -> ()
    %dma_wait3A = arith.constant 0 : i32
    %dma_wait3A_22 = arith.constant 0 : i32
    %dma_wait3A_23 = arith.constant 0 : i32
    %dma_wait3A_24 = tpu.memref_slice %arg6[%dma_wait3A, %add3A_2, %dma_wait3A_22, %dma_wait3A_23] : memref<16x52x256x256xf32, #tpu.memory_space<hbm>> -> memref<1x1x256x256xf32, #tpu.memory_space<hbm>>
    %dma_wait3A_25 = tpu.memref_squeeze %dma_wait3A_24 : memref<1x1x256x256xf32, #tpu.memory_space<hbm>> -> memref<256x256xf32, #tpu.memory_space<hbm>>
    %dma_wait3A_26 = arith.constant 0 : i32
    %dma_wait3A_27 = arith.constant 0 : i32
    %dma_wait3A_28 = tpu.memref_slice %arg6[%dma_wait3A, %add3A_2, %dma_wait3A_26, %dma_wait3A_27] : memref<16x52x256x256xf32, #tpu.memory_space<hbm>> -> memref<1x1x256x256xf32, #tpu.memory_space<hbm>>
    %dma_wait3A_29 = tpu.memref_squeeze %dma_wait3A_28 : memref<1x1x256x256xf32, #tpu.memory_space<hbm>> -> memref<256x256xf32, #tpu.memory_space<hbm>>
    tpu.wait_dma2 semaphore(%arg12 : memref<!tpu.dma_semaphore, #tpu.memory_space<semaphore_mem>>) src(%arg7 : memref<256x256xf32, #tpu.memory_space<vmem>>) dst(%dma_wait3A_29 : memref<256x256xf32, #tpu.memory_space<hbm>>)
    %scan3A_30 = arith.constant 0 : i32
    %scan3A_31 = arith.constant 0 : i32
    %scan3A_32 = arith.constant 32 : i32
    %scan3A_33 = arith.addi %scan3A_31, %scan3A_32 : i32
    %scan3A_34 = arith.constant 1 : i32
    scf.for %scan3A_528 = %scan3A_31 to %scan3A_33 step %scan3A_34  : i32 {
      %mul3A_529 = arith.constant 16 : i32
      %mul3A_530 = arith.muli %scan3A_528, %mul3A_529 : i32
      %get3A = arith.index_cast %mul3A_530 : i32 to index
      %get3A_531 = tpu.vector_load %arg8[%get3A] {strides = array<i32>} : memref<512xi32, #tpu.memory_space<vmem>>, vector<16xi32>,
      %shift_right_arithmetic3A = arith.constant 8 : i32
      %shift_right_arithmetic3A_532 = vector.broadcast %shift_right_arithmetic3A : i32 to vector<16xi32>
      %shift_right_arithmetic3A_533 = arith.shrsi %get3A_531, %shift_right_arithmetic3A_532 : vector<16xi32>
      %and3A = arith.constant 255 : i32
      %and3A_534 = vector.broadcast %and3A : i32 to vector<16xi32>
      %and3A_535 = arith.andi %get3A_531, %and3A_534 : vector<16xi32>
      tpu.vector_store_idx %arg7[%shift_right_arithmetic3A_533, %and3A_535], %broadcast_in_dim3A_3 : memref<256x256xf32, #tpu.memory_space<vmem>>[vector<16xi32>, vector<16xi32>], vector<16xf32>,
    }
    %scan3A_35 = arith.constant 32 : i32
    %scan3A_36 = arith.constant 0 : i32
    %scan3A_37 = arith.constant 0 : i32
    %scan3A_38 = arith.constant 32 : i32
    %scan3A_39 = arith.addi %scan3A_37, %scan3A_38 : i32
    %scan3A_40 = arith.constant 1 : i32
    scf.for %scan3A_528 = %scan3A_37 to %scan3A_39 step %scan3A_40  : i32 {
      %mul3A_529 = arith.constant 16 : i32
      %mul3A_530 = arith.muli %scan3A_528, %mul3A_529 : i32
      %get3A = arith.index_cast %mul3A_530 : i32 to index
      %get3A_531 = tpu.vector_load %arg9[%get3A] {strides = array<i32>} : memref<512xi32, #tpu.memory_space<vmem>>, vector<16xi32>,
      %shift_right_arithmetic3A = arith.constant 8 : i32
      %shift_right_arithmetic3A_532 = vector.broadcast %shift_right_arithmetic3A : i32 to vector<16xi32>
      %shift_right_arithmetic3A_533 = arith.shrsi %get3A_531, %shift_right_arithmetic3A_532 : vector<16xi32>
      %and3A = arith.constant 255 : i32
      %and3A_534 = vector.broadcast %and3A : i32 to vector<16xi32>
      %and3A_535 = arith.andi %get3A_531, %and3A_534 : vector<16xi32>
      %get3A_536 = arith.index_cast %mul3A_530 : i32 to index
      %get3A_537 = tpu.vector_load %arg11[%get3A_536] {strides = array<i32>} : memref<512xf32, #tpu.memory_space<vmem>>, vector<16xf32>,
      tpu.vector_store_idx %arg7[%shift_right_arithmetic3A_533, %and3A_535], %get3A_537 : memref<256x256xf32, #tpu.memory_space<vmem>>[vector<16xi32>, vector<16xi32>], vector<16xf32>,
    }
    %scan3A_41 = arith.constant 32 : i32
    %dma_start3A_42 = arith.constant 1 : i32
    %dma_start3A_43 = arith.constant 0 : i32
    %dma_start3A_44 = arith.constant 0 : i32
    %dma_start3A_45 = tpu.memref_slice %arg6[%dma_start3A_42, %add3A_2, %dma_start3A_43, %dma_start3A_44] : memref<16x52x256x256xf32, #tpu.memory_space<hbm>> -> memref<1x1x256x256xf32, #tpu.memory_space<hbm>>
    %dma_start3A_46 = tpu.memref_squeeze %dma_start3A_45 : memref<1x1x256x256xf32, #tpu.memory_space<hbm>> -> memref<256x256xf32, #tpu.memory_space<hbm>>
    %dma_start3A_47 = arith.constant 0 : i32
    %dma_start3A_48 = arith.constant 0 : i32
    %dma_start3A_49 = tpu.memref_slice %arg6[%dma_start3A_42, %add3A_2, %dma_start3A_47, %dma_start3A_48] : memref<16x52x256x256xf32, #tpu.memory_space<hbm>> -> memref<1x1x256x256xf32, #tpu.memory_space<hbm>>
    %dma_start3A_50 = tpu.memref_squeeze %dma_start3A_49 : memref<1x1x256x256xf32, #tpu.memory_space<hbm>> -> memref<256x256xf32, #tpu.memory_space<hbm>>
    tpu.enqueue_dma source(%arg7 : memref<256x256xf32, #tpu.memory_space<vmem>>) target(%dma_start3A_50 : memref<256x256xf32, #tpu.memory_space<hbm>>) target_semaphore(%arg12 : memref<!tpu.dma_semaphore, #tpu.memory_space<semaphore_mem>>)
    %run_scoped3A_51 = arith.constant 2 : i32
    %run_scoped3A_52 = arith.constant 0 : i32
    "tpu.region"() ({
      %run_scoped3A_528 = tpu.sem_alloc : memref<!tpu.dma_semaphore, #tpu.memory_space<semaphore_mem>>
      %dma_start3A_529 = arith.constant 0 : i32
      %dma_start3A_530 = tpu.memref_slice %arg3[%run_scoped3A_51, %run_scoped3A_52, %dma_start3A_529] : memref<16x1x512xi32, #tpu.memory_space<hbm>> -> memref<1x1x512xi32, #tpu.memory_space<hbm>>
      %dma_start3A_531 = tpu.memref_squeeze %dma_start3A_530 : memref<1x1x512xi32, #tpu.memory_space<hbm>> -> memref<512xi32, #tpu.memory_space<hbm>>
      %dma_start3A_532 = arith.constant 0 : i32
      %dma_start3A_533 = tpu.memref_slice %arg3[%run_scoped3A_51, %run_scoped3A_52, %dma_start3A_532] : memref<16x1x512xi32, #tpu.memory_space<hbm>> -> memref<1x1x512xi32, #tpu.memory_space<hbm>>
      %dma_start3A_534 = tpu.memref_squeeze %dma_start3A_533 : memref<1x1x512xi32, #tpu.memory_space<hbm>> -> memref<512xi32, #tpu.memory_space<hbm>>
      tpu.enqueue_dma source(%dma_start3A_534 : memref<512xi32, #tpu.memory_space<hbm>>) target(%arg8 : memref<512xi32, #tpu.memory_space<vmem>>) target_semaphore(%run_scoped3A_528 : memref<!tpu.dma_semaphore, #tpu.memory_space<semaphore_mem>>)
      %dma_wait3A_535 = arith.constant 0 : i32
      %dma_wait3A_536 = tpu.memref_slice %arg3[%run_scoped3A_51, %run_scoped3A_52, %dma_wait3A_535] : memref<16x1x512xi32, #tpu.memory_space<hbm>> -> memref<1x1x512xi32, #tpu.memory_space<hbm>>
      %dma_wait3A_537 = tpu.memref_squeeze %dma_wait3A_536 : memref<1x1x512xi32, #tpu.memory_space<hbm>> -> memref<512xi32, #tpu.memory_space<hbm>>
      %dma_wait3A_538 = arith.constant 0 : i32
      %dma_wait3A_539 = tpu.memref_slice %arg3[%run_scoped3A_51, %run_scoped3A_52, %dma_wait3A_538] : memref<16x1x512xi32, #tpu.memory_space<hbm>> -> memref<1x1x512xi32, #tpu.memory_space<hbm>>
      %dma_wait3A_540 = tpu.memref_squeeze %dma_wait3A_539 : memref<1x1x512xi32, #tpu.memory_space<hbm>> -> memref<512xi32, #tpu.memory_space<hbm>>
      tpu.wait_dma2 semaphore(%run_scoped3A_528 : memref<!tpu.dma_semaphore, #tpu.memory_space<semaphore_mem>>) src(%dma_wait3A_540 : memref<512xi32, #tpu.memory_space<hbm>>) dst(%arg8 : memref<512xi32, #tpu.memory_space<vmem>>)
      tpu.yield
    }) : () -> ()
    %run_scoped3A_53 = arith.constant 2 : i32
    "tpu.region"() ({
      %run_scoped3A_528 = tpu.sem_alloc : memref<!tpu.dma_semaphore, #tpu.memory_space<semaphore_mem>>
      %dma_start3A_529 = arith.constant 0 : i32
      %dma_start3A_530 = tpu.memref_slice %arg4[%run_scoped3A_53, %add3A, %dma_start3A_529] : memref<16x32x512xf32, #tpu.memory_space<hbm>> -> memref<1x1x512xf32, #tpu.memory_space<hbm>>
      %dma_start3A_531 = tpu.memref_squeeze %dma_start3A_530 : memref<1x1x512xf32, #tpu.memory_space<hbm>> -> memref<512xf32, #tpu.memory_space<hbm>>
      %dma_start3A_532 = arith.constant 0 : i32
      %dma_start3A_533 = tpu.memref_slice %arg4[%run_scoped3A_53, %add3A, %dma_start3A_532] : memref<16x32x512xf32, #tpu.memory_space<hbm>> -> memref<1x1x512xf32, #tpu.memory_space<hbm>>
      %dma_start3A_534 = tpu.memref_squeeze %dma_start3A_533 : memref<1x1x512xf32, #tpu.memory_space<hbm>> -> memref<512xf32, #tpu.memory_space<hbm>>
      tpu.enqueue_dma source(%dma_start3A_534 : memref<512xf32, #tpu.memory_space<hbm>>) target(%arg10 : memref<512xf32, #tpu.memory_space<vmem>>) target_semaphore(%run_scoped3A_528 : memref<!tpu.dma_semaphore, #tpu.memory_space<semaphore_mem>>)
      %dma_wait3A_535 = arith.constant 0 : i32
      %dma_wait3A_536 = tpu.memref_slice %arg4[%run_scoped3A_53, %add3A, %dma_wait3A_535] : memref<16x32x512xf32, #tpu.memory_space<hbm>> -> memref<1x1x512xf32, #tpu.memory_space<hbm>>
      %dma_wait3A_537 = tpu.memref_squeeze %dma_wait3A_536 : memref<1x1x512xf32, #tpu.memory_space<hbm>> -> memref<512xf32, #tpu.memory_space<hbm>>
      %dma_wait3A_538 = arith.constant 0 : i32
      %dma_wait3A_539 = tpu.memref_slice %arg4[%run_scoped3A_53, %add3A, %dma_wait3A_538] : memref<16x32x512xf32, #tpu.memory_space<hbm>> -> memref<1x1x512xf32, #tpu.memory_space<hbm>>
      %dma_wait3A_540 = tpu.memref_squeeze %dma_wait3A_539 : memref<1x1x512xf32, #tpu.memory_space<hbm>> -> memref<512xf32, #tpu.memory_space<hbm>>
      tpu.wait_dma2 semaphore(%run_scoped3A_528 : memref<!tpu.dma_semaphore, #tpu.memory_space<semaphore_mem>>) src(%dma_wait3A_540 : memref<512xf32, #tpu.memory_space<hbm>>) dst(%arg10 : memref<512xf32, #tpu.memory_space<vmem>>)
      tpu.yield
    }) : () -> ()
    %dma_wait3A_54 = arith.constant 1 : i32
    %dma_wait3A_55 = arith.constant 0 : i32
    %dma_wait3A_56 = arith.constant 0 : i32
    %dma_wait3A_57 = tpu.memref_slice %arg6[%dma_wait3A_54, %add3A_2, %dma_wait3A_55, %dma_wait3A_56] : memref<16x52x256x256xf32, #tpu.memory_space<hbm>> -> memref<1x1x256x256xf32, #tpu.memory_space<hbm>>
    %dma_wait3A_58 = tpu.memref_squeeze %dma_wait3A_57 : memref<1x1x256x256xf32, #tpu.memory_space<hbm>> -> memref<256x256xf32, #tpu.memory_space<hbm>>
    %dma_wait3A_59 = arith.constant 0 : i32
    %dma_wait3A_60 = arith.constant 0 : i32
    %dma_wait3A_61 = tpu.memref_slice %arg6[%dma_wait3A_54, %add3A_2, %dma_wait3A_59, %dma_wait3A_60] : memref<16x52x256x256xf32, #tpu.memory_space<hbm>> -> memref<1x1x256x256xf32, #tpu.memory_space<hbm>>
    %dma_wait3A_62 = tpu.memref_squeeze %dma_wait3A_61 : memref<1x1x256x256xf32, #tpu.memory_space<hbm>> -> memref<256x256xf32, #tpu.memory_space<hbm>>
    tpu.wait_dma2 semaphore(%arg12 : memref<!tpu.dma_semaphore, #tpu.memory_space<semaphore_mem>>) src(%arg7 : memref<256x256xf32, #tpu.memory_space<vmem>>) dst(%dma_wait3A_62 : memref<256x256xf32, #tpu.memory_space<hbm>>)
    %scan3A_63 = arith.constant 0 : i32
    %scan3A_64 = arith.constant 0 : i32
    %scan3A_65 = arith.constant 32 : i32
    %scan3A_66 = arith.addi %scan3A_64, %scan3A_65 : i32
    %scan3A_67 = arith.constant 1 : i32
    scf.for %scan3A_528 = %scan3A_64 to %scan3A_66 step %scan3A_67  : i32 {
      %mul3A_529 = arith.constant 16 : i32
      %mul3A_530 = arith.muli %scan3A_528, %mul3A_529 : i32
      %get3A = arith.index_cast %mul3A_530 : i32 to index
      %get3A_531 = tpu.vector_load %arg9[%get3A] {strides = array<i32>} : memref<512xi32, #tpu.memory_space<vmem>>, vector<16xi32>,
      %shift_right_arithmetic3A = arith.constant 8 : i32
      %shift_right_arithmetic3A_532 = vector.broadcast %shift_right_arithmetic3A : i32 to vector<16xi32>
      %shift_right_arithmetic3A_533 = arith.shrsi %get3A_531, %shift_right_arithmetic3A_532 : vector<16xi32>
      %and3A = arith.constant 255 : i32
      %and3A_534 = vector.broadcast %and3A : i32 to vector<16xi32>
      %and3A_535 = arith.andi %get3A_531, %and3A_534 : vector<16xi32>
      tpu.vector_store_idx %arg7[%shift_right_arithmetic3A_533, %and3A_535], %broadcast_in_dim3A_3 : memref<256x256xf32, #tpu.memory_space<vmem>>[vector<16xi32>, vector<16xi32>], vector<16xf32>,
    }
    %scan3A_68 = arith.constant 32 : i32
    %scan3A_69 = arith.constant 0 : i32
    %scan3A_70 = arith.constant 0 : i32
    %scan3A_71 = arith.constant 32 : i32
    %scan3A_72 = arith.addi %scan3A_70, %scan3A_71 : i32
    %scan3A_73 = arith.constant 1 : i32
    scf.for %scan3A_528 = %scan3A_70 to %scan3A_72 step %scan3A_73  : i32 {
      %mul3A_529 = arith.constant 16 : i32
      %mul3A_530 = arith.muli %scan3A_528, %mul3A_529 : i32
      %get3A = arith.index_cast %mul3A_530 : i32 to index
      %get3A_531 = tpu.vector_load %arg8[%get3A] {strides = array<i32>} : memref<512xi32, #tpu.memory_space<vmem>>, vector<16xi32>,
      %shift_right_arithmetic3A = arith.constant 8 : i32
      %shift_right_arithmetic3A_532 = vector.broadcast %shift_right_arithmetic3A : i32 to vector<16xi32>
      %shift_right_arithmetic3A_533 = arith.shrsi %get3A_531, %shift_right_arithmetic3A_532 : vector<16xi32>
      %and3A = arith.constant 255 : i32
      %and3A_534 = vector.broadcast %and3A : i32 to vector<16xi32>
      %and3A_535 = arith.andi %get3A_531, %and3A_534 : vector<16xi32>
      %get3A_536 = arith.index_cast %mul3A_530 : i32 to index
      %get3A_537 = tpu.vector_load %arg10[%get3A_536] {strides = array<i32>} : memref<512xf32, #tpu.memory_space<vmem>>, vector<16xf32>,
      tpu.vector_store_idx %arg7[%shift_right_arithmetic3A_533, %and3A_535], %get3A_537 : memref<256x256xf32, #tpu.memory_space<vmem>>[vector<16xi32>, vector<16xi32>], vector<16xf32>,
    }
    %scan3A_74 = arith.constant 32 : i32
    %dma_start3A_75 = arith.constant 2 : i32
    %dma_start3A_76 = arith.constant 0 : i32
    %dma_start3A_77 = arith.constant 0 : i32
    %dma_start3A_78 = tpu.memref_slice %arg6[%dma_start3A_75, %add3A_2, %dma_start3A_76, %dma_start3A_77] : memref<16x52x256x256xf32, #tpu.memory_space<hbm>> -> memref<1x1x256x256xf32, #tpu.memory_space<hbm>>
    %dma_start3A_79 = tpu.memref_squeeze %dma_start3A_78 : memref<1x1x256x256xf32, #tpu.memory_space<hbm>> -> memref<256x256xf32, #tpu.memory_space<hbm>>
    %dma_start3A_80 = arith.constant 0 : i32
    %dma_start3A_81 = arith.constant 0 : i32
    %dma_start3A_82 = tpu.memref_slice %arg6[%dma_start3A_75, %add3A_2, %dma_start3A_80, %dma_start3A_81] : memref<16x52x256x256xf32, #tpu.memory_space<hbm>> -> memref<1x1x256x256xf32, #tpu.memory_space<hbm>>
    %dma_start3A_83 = tpu.memref_squeeze %dma_start3A_82 : memref<1x1x256x256xf32, #tpu.memory_space<hbm>> -> memref<256x256xf32, #tpu.memory_space<hbm>>
    tpu.enqueue_dma source(%arg7 : memref<256x256xf32, #tpu.memory_space<vmem>>) target(%dma_start3A_83 : memref<256x256xf32, #tpu.memory_space<hbm>>) target_semaphore(%arg12 : memref<!tpu.dma_semaphore, #tpu.memory_space<semaphore_mem>>)
    %run_scoped3A_84 = arith.constant 3 : i32
    %run_scoped3A_85 = arith.constant 0 : i32
    "tpu.region"() ({
      %run_scoped3A_528 = tpu.sem_alloc : memref<!tpu.dma_semaphore, #tpu.memory_space<semaphore_mem>>
      %dma_start3A_529 = arith.constant 0 : i32
      %dma_start3A_530 = tpu.memref_slice %arg3[%run_scoped3A_84, %run_scoped3A_85, %dma_start3A_529] : memref<16x1x512xi32, #tpu.memory_space<hbm>> -> memref<1x1x512xi32, #tpu.memory_space<hbm>>
      %dma_start3A_531 = tpu.memref_squeeze %dma_start3A_530 : memref<1x1x512xi32, #tpu.memory_space<hbm>> -> memref<512xi32, #tpu.memory_space<hbm>>
      %dma_start3A_532 = arith.constant 0 : i32
      %dma_start3A_533 = tpu.memref_slice %arg3[%run_scoped3A_84, %run_scoped3A_85, %dma_start3A_532] : memref<16x1x512xi32, #tpu.memory_space<hbm>> -> memref<1x1x512xi32, #tpu.memory_space<hbm>>
      %dma_start3A_534 = tpu.memref_squeeze %dma_start3A_533 : memref<1x1x512xi32, #tpu.memory_space<hbm>> -> memref<512xi32, #tpu.memory_space<hbm>>
      tpu.enqueue_dma source(%dma_start3A_534 : memref<512xi32, #tpu.memory_space<hbm>>) target(%arg9 : memref<512xi32, #tpu.memory_space<vmem>>) target_semaphore(%run_scoped3A_528 : memref<!tpu.dma_semaphore, #tpu.memory_space<semaphore_mem>>)
      %dma_wait3A_535 = arith.constant 0 : i32
      %dma_wait3A_536 = tpu.memref_slice %arg3[%run_scoped3A_84, %run_scoped3A_85, %dma_wait3A_535] : memref<16x1x512xi32, #tpu.memory_space<hbm>> -> memref<1x1x512xi32, #tpu.memory_space<hbm>>
      %dma_wait3A_537 = tpu.memref_squeeze %dma_wait3A_536 : memref<1x1x512xi32, #tpu.memory_space<hbm>> -> memref<512xi32, #tpu.memory_space<hbm>>
      %dma_wait3A_538 = arith.constant 0 : i32
      %dma_wait3A_539 = tpu.memref_slice %arg3[%run_scoped3A_84, %run_scoped3A_85, %dma_wait3A_538] : memref<16x1x512xi32, #tpu.memory_space<hbm>> -> memref<1x1x512xi32, #tpu.memory_space<hbm>>
      %dma_wait3A_540 = tpu.memref_squeeze %dma_wait3A_539 : memref<1x1x512xi32, #tpu.memory_space<hbm>> -> memref<512xi32, #tpu.memory_space<hbm>>
      tpu.wait_dma2 semaphore(%run_scoped3A_528 : memref<!tpu.dma_semaphore, #tpu.memory_space<semaphore_mem>>) src(%dma_wait3A_540 : memref<512xi32, #tpu.memory_space<hbm>>) dst(%arg9 : memref<512xi32, #tpu.memory_space<vmem>>)
      tpu.yield
    }) : () -> ()
    %run_scoped3A_86 = arith.constant 3 : i32
    "tpu.region"() ({
      %run_scoped3A_528 = tpu.sem_alloc : memref<!tpu.dma_semaphore, #tpu.memory_space<semaphore_mem>>
      %dma_start3A_529 = arith.constant 0 : i32
      %dma_start3A_530 = tpu.memref_slice %arg4[%run_scoped3A_86, %add3A, %dma_start3A_529] : memref<16x32x512xf32, #tpu.memory_space<hbm>> -> memref<1x1x512xf32, #tpu.memory_space<hbm>>
      %dma_start3A_531 = tpu.memref_squeeze %dma_start3A_530 : memref<1x1x512xf32, #tpu.memory_space<hbm>> -> memref<512xf32, #tpu.memory_space<hbm>>
      %dma_start3A_532 = arith.constant 0 : i32
      %dma_start3A_533 = tpu.memref_slice %arg4[%run_scoped3A_86, %add3A, %dma_start3A_532] : memref<16x32x512xf32, #tpu.memory_space<hbm>> -> memref<1x1x512xf32, #tpu.memory_space<hbm>>
      %dma_start3A_534 = tpu.memref_squeeze %dma_start3A_533 : memref<1x1x512xf32, #tpu.memory_space<hbm>> -> memref<512xf32, #tpu.memory_space<hbm>>
      tpu.enqueue_dma source(%dma_start3A_534 : memref<512xf32, #tpu.memory_space<hbm>>) target(%arg11 : memref<512xf32, #tpu.memory_space<vmem>>) target_semaphore(%run_scoped3A_528 : memref<!tpu.dma_semaphore, #tpu.memory_space<semaphore_mem>>)
      %dma_wait3A_535 = arith.constant 0 : i32
      %dma_wait3A_536 = tpu.memref_slice %arg4[%run_scoped3A_86, %add3A, %dma_wait3A_535] : memref<16x32x512xf32, #tpu.memory_space<hbm>> -> memref<1x1x512xf32, #tpu.memory_space<hbm>>
      %dma_wait3A_537 = tpu.memref_squeeze %dma_wait3A_536 : memref<1x1x512xf32, #tpu.memory_space<hbm>> -> memref<512xf32, #tpu.memory_space<hbm>>
      %dma_wait3A_538 = arith.constant 0 : i32
      %dma_wait3A_539 = tpu.memref_slice %arg4[%run_scoped3A_86, %add3A, %dma_wait3A_538] : memref<16x32x512xf32, #tpu.memory_space<hbm>> -> memref<1x1x512xf32, #tpu.memory_space<hbm>>
      %dma_wait3A_540 = tpu.memref_squeeze %dma_wait3A_539 : memref<1x1x512xf32, #tpu.memory_space<hbm>> -> memref<512xf32, #tpu.memory_space<hbm>>
      tpu.wait_dma2 semaphore(%run_scoped3A_528 : memref<!tpu.dma_semaphore, #tpu.memory_space<semaphore_mem>>) src(%dma_wait3A_540 : memref<512xf32, #tpu.memory_space<hbm>>) dst(%arg11 : memref<512xf32, #tpu.memory_space<vmem>>)
      tpu.yield
    }) : () -> ()
    %dma_wait3A_87 = arith.constant 2 : i32
    %dma_wait3A_88 = arith.constant 0 : i32
    %dma_wait3A_89 = arith.constant 0 : i32
    %dma_wait3A_90 = tpu.memref_slice %arg6[%dma_wait3A_87, %add3A_2, %dma_wait3A_88, %dma_wait3A_89] : memref<16x52x256x256xf32, #tpu.memory_space<hbm>> -> memref<1x1x256x256xf32, #tpu.memory_space<hbm>>
    %dma_wait3A_91 = tpu.memref_squeeze %dma_wait3A_90 : memref<1x1x256x256xf32, #tpu.memory_space<hbm>> -> memref<256x256xf32, #tpu.memory_space<hbm>>
    %dma_wait3A_92 = arith.constant 0 : i32
    %dma_wait3A_93 = arith.constant 0 : i32
    %dma_wait3A_94 = tpu.memref_slice %arg6[%dma_wait3A_87, %add3A_2, %dma_wait3A_92, %dma_wait3A_93] : memref<16x52x256x256xf32, #tpu.memory_space<hbm>> -> memref<1x1x256x256xf32, #tpu.memory_space<hbm>>
    %dma_wait3A_95 = tpu.memref_squeeze %dma_wait3A_94 : memref<1x1x256x256xf32, #tpu.memory_space<hbm>> -> memref<256x256xf32, #tpu.memory_space<hbm>>
    tpu.wait_dma2 semaphore(%arg12 : memref<!tpu.dma_semaphore, #tpu.memory_space<semaphore_mem>>) src(%arg7 : memref<256x256xf32, #tpu.memory_space<vmem>>) dst(%dma_wait3A_95 : memref<256x256xf32, #tpu.memory_space<hbm>>)
    %scan3A_96 = arith.constant 0 : i32
    %scan3A_97 = arith.constant 0 : i32
    %scan3A_98 = arith.constant 32 : i32
    %scan3A_99 = arith.addi %scan3A_97, %scan3A_98 : i32
    %scan3A_100 = arith.constant 1 : i32
    scf.for %scan3A_528 = %scan3A_97 to %scan3A_99 step %scan3A_100  : i32 {
      %mul3A_529 = arith.constant 16 : i32
      %mul3A_530 = arith.muli %scan3A_528, %mul3A_529 : i32
      %get3A = arith.index_cast %mul3A_530 : i32 to index
      %get3A_531 = tpu.vector_load %arg8[%get3A] {strides = array<i32>} : memref<512xi32, #tpu.memory_space<vmem>>, vector<16xi32>,
      %shift_right_arithmetic3A = arith.constant 8 : i32
      %shift_right_arithmetic3A_532 = vector.broadcast %shift_right_arithmetic3A : i32 to vector<16xi32>
      %shift_right_arithmetic3A_533 = arith.shrsi %get3A_531, %shift_right_arithmetic3A_532 : vector<16xi32>
      %and3A = arith.constant 255 : i32
      %and3A_534 = vector.broadcast %and3A : i32 to vector<16xi32>
      %and3A_535 = arith.andi %get3A_531, %and3A_534 : vector<16xi32>
      tpu.vector_store_idx %arg7[%shift_right_arithmetic3A_533, %and3A_535], %broadcast_in_dim3A_3 : memref<256x256xf32, #tpu.memory_space<vmem>>[vector<16xi32>, vector<16xi32>], vector<16xf32>,
    }
    %scan3A_101 = arith.constant 32 : i32
    %scan3A_102 = arith.constant 0 : i32
    %scan3A_103 = arith.constant 0 : i32
    %scan3A_104 = arith.constant 32 : i32
    %scan3A_105 = arith.addi %scan3A_103, %scan3A_104 : i32
    %scan3A_106 = arith.constant 1 : i32
    scf.for %scan3A_528 = %scan3A_103 to %scan3A_105 step %scan3A_106  : i32 {
      %mul3A_529 = arith.constant 16 : i32
      %mul3A_530 = arith.muli %scan3A_528, %mul3A_529 : i32
      %get3A = arith.index_cast %mul3A_530 : i32 to index
      %get3A_531 = tpu.vector_load %arg9[%get3A] {strides = array<i32>} : memref<512xi32, #tpu.memory_space<vmem>>, vector<16xi32>,
      %shift_right_arithmetic3A = arith.constant 8 : i32
      %shift_right_arithmetic3A_532 = vector.broadcast %shift_right_arithmetic3A : i32 to vector<16xi32>
      %shift_right_arithmetic3A_533 = arith.shrsi %get3A_531, %shift_right_arithmetic3A_532 : vector<16xi32>
      %and3A = arith.constant 255 : i32
      %and3A_534 = vector.broadcast %and3A : i32 to vector<16xi32>
      %and3A_535 = arith.andi %get3A_531, %and3A_534 : vector<16xi32>
      %get3A_536 = arith.index_cast %mul3A_530 : i32 to index
      %get3A_537 = tpu.vector_load %arg11[%get3A_536] {strides = array<i32>} : memref<512xf32, #tpu.memory_space<vmem>>, vector<16xf32>,
      tpu.vector_store_idx %arg7[%shift_right_arithmetic3A_533, %and3A_535], %get3A_537 : memref<256x256xf32, #tpu.memory_space<vmem>>[vector<16xi32>, vector<16xi32>], vector<16xf32>,
    }
    %scan3A_107 = arith.constant 32 : i32
    %dma_start3A_108 = arith.constant 3 : i32
    %dma_start3A_109 = arith.constant 0 : i32
    %dma_start3A_110 = arith.constant 0 : i32
    %dma_start3A_111 = tpu.memref_slice %arg6[%dma_start3A_108, %add3A_2, %dma_start3A_109, %dma_start3A_110] : memref<16x52x256x256xf32, #tpu.memory_space<hbm>> -> memref<1x1x256x256xf32, #tpu.memory_space<hbm>>
    %dma_start3A_112 = tpu.memref_squeeze %dma_start3A_111 : memref<1x1x256x256xf32, #tpu.memory_space<hbm>> -> memref<256x256xf32, #tpu.memory_space<hbm>>
    %dma_start3A_113 = arith.constant 0 : i32
    %dma_start3A_114 = arith.constant 0 : i32
    %dma_start3A_115 = tpu.memref_slice %arg6[%dma_start3A_108, %add3A_2, %dma_start3A_113, %dma_start3A_114] : memref<16x52x256x256xf32, #tpu.memory_space<hbm>> -> memref<1x1x256x256xf32, #tpu.memory_space<hbm>>
    %dma_start3A_116 = tpu.memref_squeeze %dma_start3A_115 : memref<1x1x256x256xf32, #tpu.memory_space<hbm>> -> memref<256x256xf32, #tpu.memory_space<hbm>>
    tpu.enqueue_dma source(%arg7 : memref<256x256xf32, #tpu.memory_space<vmem>>) target(%dma_start3A_116 : memref<256x256xf32, #tpu.memory_space<hbm>>) target_semaphore(%arg12 : memref<!tpu.dma_semaphore, #tpu.memory_space<semaphore_mem>>)
    %run_scoped3A_117 = arith.constant 4 : i32
    %run_scoped3A_118 = arith.constant 0 : i32
    "tpu.region"() ({
      %run_scoped3A_528 = tpu.sem_alloc : memref<!tpu.dma_semaphore, #tpu.memory_space<semaphore_mem>>
      %dma_start3A_529 = arith.constant 0 : i32
      %dma_start3A_530 = tpu.memref_slice %arg3[%run_scoped3A_117, %run_scoped3A_118, %dma_start3A_529] : memref<16x1x512xi32, #tpu.memory_space<hbm>> -> memref<1x1x512xi32, #tpu.memory_space<hbm>>
      %dma_start3A_531 = tpu.memref_squeeze %dma_start3A_530 : memref<1x1x512xi32, #tpu.memory_space<hbm>> -> memref<512xi32, #tpu.memory_space<hbm>>
      %dma_start3A_532 = arith.constant 0 : i32
      %dma_start3A_533 = tpu.memref_slice %arg3[%run_scoped3A_117, %run_scoped3A_118, %dma_start3A_532] : memref<16x1x512xi32, #tpu.memory_space<hbm>> -> memref<1x1x512xi32, #tpu.memory_space<hbm>>
      %dma_start3A_534 = tpu.memref_squeeze %dma_start3A_533 : memref<1x1x512xi32, #tpu.memory_space<hbm>> -> memref<512xi32, #tpu.memory_space<hbm>>
      tpu.enqueue_dma source(%dma_start3A_534 : memref<512xi32, #tpu.memory_space<hbm>>) target(%arg8 : memref<512xi32, #tpu.memory_space<vmem>>) target_semaphore(%run_scoped3A_528 : memref<!tpu.dma_semaphore, #tpu.memory_space<semaphore_mem>>)
      %dma_wait3A_535 = arith.constant 0 : i32
      %dma_wait3A_536 = tpu.memref_slice %arg3[%run_scoped3A_117, %run_scoped3A_118, %dma_wait3A_535] : memref<16x1x512xi32, #tpu.memory_space<hbm>> -> memref<1x1x512xi32, #tpu.memory_space<hbm>>
      %dma_wait3A_537 = tpu.memref_squeeze %dma_wait3A_536 : memref<1x1x512xi32, #tpu.memory_space<hbm>> -> memref<512xi32, #tpu.memory_space<hbm>>
      %dma_wait3A_538 = arith.constant 0 : i32
      %dma_wait3A_539 = tpu.memref_slice %arg3[%run_scoped3A_117, %run_scoped3A_118, %dma_wait3A_538] : memref<16x1x512xi32, #tpu.memory_space<hbm>> -> memref<1x1x512xi32, #tpu.memory_space<hbm>>
      %dma_wait3A_540 = tpu.memref_squeeze %dma_wait3A_539 : memref<1x1x512xi32, #tpu.memory_space<hbm>> -> memref<512xi32, #tpu.memory_space<hbm>>
      tpu.wait_dma2 semaphore(%run_scoped3A_528 : memref<!tpu.dma_semaphore, #tpu.memory_space<semaphore_mem>>) src(%dma_wait3A_540 : memref<512xi32, #tpu.memory_space<hbm>>) dst(%arg8 : memref<512xi32, #tpu.memory_space<vmem>>)
      tpu.yield
    }) : () -> ()
    %run_scoped3A_119 = arith.constant 4 : i32
    "tpu.region"() ({
      %run_scoped3A_528 = tpu.sem_alloc : memref<!tpu.dma_semaphore, #tpu.memory_space<semaphore_mem>>
      %dma_start3A_529 = arith.constant 0 : i32
      %dma_start3A_530 = tpu.memref_slice %arg4[%run_scoped3A_119, %add3A, %dma_start3A_529] : memref<16x32x512xf32, #tpu.memory_space<hbm>> -> memref<1x1x512xf32, #tpu.memory_space<hbm>>
      %dma_start3A_531 = tpu.memref_squeeze %dma_start3A_530 : memref<1x1x512xf32, #tpu.memory_space<hbm>> -> memref<512xf32, #tpu.memory_space<hbm>>
      %dma_start3A_532 = arith.constant 0 : i32
      %dma_start3A_533 = tpu.memref_slice %arg4[%run_scoped3A_119, %add3A, %dma_start3A_532] : memref<16x32x512xf32, #tpu.memory_space<hbm>> -> memref<1x1x512xf32, #tpu.memory_space<hbm>>
      %dma_start3A_534 = tpu.memref_squeeze %dma_start3A_533 : memref<1x1x512xf32, #tpu.memory_space<hbm>> -> memref<512xf32, #tpu.memory_space<hbm>>
      tpu.enqueue_dma source(%dma_start3A_534 : memref<512xf32, #tpu.memory_space<hbm>>) target(%arg10 : memref<512xf32, #tpu.memory_space<vmem>>) target_semaphore(%run_scoped3A_528 : memref<!tpu.dma_semaphore, #tpu.memory_space<semaphore_mem>>)
      %dma_wait3A_535 = arith.constant 0 : i32
      %dma_wait3A_536 = tpu.memref_slice %arg4[%run_scoped3A_119, %add3A, %dma_wait3A_535] : memref<16x32x512xf32, #tpu.memory_space<hbm>> -> memref<1x1x512xf32, #tpu.memory_space<hbm>>
      %dma_wait3A_537 = tpu.memref_squeeze %dma_wait3A_536 : memref<1x1x512xf32, #tpu.memory_space<hbm>> -> memref<512xf32, #tpu.memory_space<hbm>>
      %dma_wait3A_538 = arith.constant 0 : i32
      %dma_wait3A_539 = tpu.memref_slice %arg4[%run_scoped3A_119, %add3A, %dma_wait3A_538] : memref<16x32x512xf32, #tpu.memory_space<hbm>> -> memref<1x1x512xf32, #tpu.memory_space<hbm>>
      %dma_wait3A_540 = tpu.memref_squeeze %dma_wait3A_539 : memref<1x1x512xf32, #tpu.memory_space<hbm>> -> memref<512xf32, #tpu.memory_space<hbm>>
      tpu.wait_dma2 semaphore(%run_scoped3A_528 : memref<!tpu.dma_semaphore, #tpu.memory_space<semaphore_mem>>) src(%dma_wait3A_540 : memref<512xf32, #tpu.memory_space<hbm>>) dst(%arg10 : memref<512xf32, #tpu.memory_space<vmem>>)
      tpu.yield
    }) : () -> ()
    %dma_wait3A_120 = arith.constant 3 : i32
    %dma_wait3A_121 = arith.constant 0 : i32
    %dma_wait3A_122 = arith.constant 0 : i32
    %dma_wait3A_123 = tpu.memref_slice %arg6[%dma_wait3A_120, %add3A_2, %dma_wait3A_121, %dma_wait3A_122] : memref<16x52x256x256xf32, #tpu.memory_space<hbm>> -> memref<1x1x256x256xf32, #tpu.memory_space<hbm>>
    %dma_wait3A_124 = tpu.memref_squeeze %dma_wait3A_123 : memref<1x1x256x256xf32, #tpu.memory_space<hbm>> -> memref<256x256xf32, #tpu.memory_space<hbm>>
    %dma_wait3A_125 = arith.constant 0 : i32
    %dma_wait3A_126 = arith.constant 0 : i32
    %dma_wait3A_127 = tpu.memref_slice %arg6[%dma_wait3A_120, %add3A_2, %dma_wait3A_125, %dma_wait3A_126] : memref<16x52x256x256xf32, #tpu.memory_space<hbm>> -> memref<1x1x256x256xf32, #tpu.memory_space<hbm>>
    %dma_wait3A_128 = tpu.memref_squeeze %dma_wait3A_127 : memref<1x1x256x256xf32, #tpu.memory_space<hbm>> -> memref<256x256xf32, #tpu.memory_space<hbm>>
    tpu.wait_dma2 semaphore(%arg12 : memref<!tpu.dma_semaphore, #tpu.memory_space<semaphore_mem>>) src(%arg7 : memref<256x256xf32, #tpu.memory_space<vmem>>) dst(%dma_wait3A_128 : memref<256x256xf32, #tpu.memory_space<hbm>>)
    %scan3A_129 = arith.constant 0 : i32
    %scan3A_130 = arith.constant 0 : i32
    %scan3A_131 = arith.constant 32 : i32
    %scan3A_132 = arith.addi %scan3A_130, %scan3A_131 : i32
    %scan3A_133 = arith.constant 1 : i32
    scf.for %scan3A_528 = %scan3A_130 to %scan3A_132 step %scan3A_133  : i32 {
      %mul3A_529 = arith.constant 16 : i32
      %mul3A_530 = arith.muli %scan3A_528, %mul3A_529 : i32
      %get3A = arith.index_cast %mul3A_530 : i32 to index
      %get3A_531 = tpu.vector_load %arg9[%get3A] {strides = array<i32>} : memref<512xi32, #tpu.memory_space<vmem>>, vector<16xi32>,
      %shift_right_arithmetic3A = arith.constant 8 : i32
      %shift_right_arithmetic3A_532 = vector.broadcast %shift_right_arithmetic3A : i32 to vector<16xi32>
      %shift_right_arithmetic3A_533 = arith.shrsi %get3A_531, %shift_right_arithmetic3A_532 : vector<16xi32>
      %and3A = arith.constant 255 : i32
      %and3A_534 = vector.broadcast %and3A : i32 to vector<16xi32>
      %and3A_535 = arith.andi %get3A_531, %and3A_534 : vector<16xi32>
      tpu.vector_store_idx %arg7[%shift_right_arithmetic3A_533, %and3A_535], %broadcast_in_dim3A_3 : memref<256x256xf32, #tpu.memory_space<vmem>>[vector<16xi32>, vector<16xi32>], vector<16xf32>,
    }
    %scan3A_134 = arith.constant 32 : i32
    %scan3A_135 = arith.constant 0 : i32
    %scan3A_136 = arith.constant 0 : i32
    %scan3A_137 = arith.constant 32 : i32
    %scan3A_138 = arith.addi %scan3A_136, %scan3A_137 : i32
    %scan3A_139 = arith.constant 1 : i32
    scf.for %scan3A_528 = %scan3A_136 to %scan3A_138 step %scan3A_139  : i32 {
      %mul3A_529 = arith.constant 16 : i32
      %mul3A_530 = arith.muli %scan3A_528, %mul3A_529 : i32
      %get3A = arith.index_cast %mul3A_530 : i32 to index
      %get3A_531 = tpu.vector_load %arg8[%get3A] {strides = array<i32>} : memref<512xi32, #tpu.memory_space<vmem>>, vector<16xi32>,
      %shift_right_arithmetic3A = arith.constant 8 : i32
      %shift_right_arithmetic3A_532 = vector.broadcast %shift_right_arithmetic3A : i32 to vector<16xi32>
      %shift_right_arithmetic3A_533 = arith.shrsi %get3A_531, %shift_right_arithmetic3A_532 : vector<16xi32>
      %and3A = arith.constant 255 : i32
      %and3A_534 = vector.broadcast %and3A : i32 to vector<16xi32>
      %and3A_535 = arith.andi %get3A_531, %and3A_534 : vector<16xi32>
      %get3A_536 = arith.index_cast %mul3A_530 : i32 to index
      %get3A_537 = tpu.vector_load %arg10[%get3A_536] {strides = array<i32>} : memref<512xf32, #tpu.memory_space<vmem>>, vector<16xf32>,
      tpu.vector_store_idx %arg7[%shift_right_arithmetic3A_533, %and3A_535], %get3A_537 : memref<256x256xf32, #tpu.memory_space<vmem>>[vector<16xi32>, vector<16xi32>], vector<16xf32>,
    }
    %scan3A_140 = arith.constant 32 : i32
    %dma_start3A_141 = arith.constant 4 : i32
    %dma_start3A_142 = arith.constant 0 : i32
    %dma_start3A_143 = arith.constant 0 : i32
    %dma_start3A_144 = tpu.memref_slice %arg6[%dma_start3A_141, %add3A_2, %dma_start3A_142, %dma_start3A_143] : memref<16x52x256x256xf32, #tpu.memory_space<hbm>> -> memref<1x1x256x256xf32, #tpu.memory_space<hbm>>
    %dma_start3A_145 = tpu.memref_squeeze %dma_start3A_144 : memref<1x1x256x256xf32, #tpu.memory_space<hbm>> -> memref<256x256xf32, #tpu.memory_space<hbm>>
    %dma_start3A_146 = arith.constant 0 : i32
    %dma_start3A_147 = arith.constant 0 : i32
    %dma_start3A_148 = tpu.memref_slice %arg6[%dma_start3A_141, %add3A_2, %dma_start3A_146, %dma_start3A_147] : memref<16x52x256x256xf32, #tpu.memory_space<hbm>> -> memref<1x1x256x256xf32, #tpu.memory_space<hbm>>
    %dma_start3A_149 = tpu.memref_squeeze %dma_start3A_148 : memref<1x1x256x256xf32, #tpu.memory_space<hbm>> -> memref<256x256xf32, #tpu.memory_space<hbm>>
    tpu.enqueue_dma source(%arg7 : memref<256x256xf32, #tpu.memory_space<vmem>>) target(%dma_start3A_149 : memref<256x256xf32, #tpu.memory_space<hbm>>) target_semaphore(%arg12 : memref<!tpu.dma_semaphore, #tpu.memory_space<semaphore_mem>>)
    %run_scoped3A_150 = arith.constant 5 : i32
    %run_scoped3A_151 = arith.constant 0 : i32
    "tpu.region"() ({
      %run_scoped3A_528 = tpu.sem_alloc : memref<!tpu.dma_semaphore, #tpu.memory_space<semaphore_mem>>
      %dma_start3A_529 = arith.constant 0 : i32
      %dma_start3A_530 = tpu.memref_slice %arg3[%run_scoped3A_150, %run_scoped3A_151, %dma_start3A_529] : memref<16x1x512xi32, #tpu.memory_space<hbm>> -> memref<1x1x512xi32, #tpu.memory_space<hbm>>
      %dma_start3A_531 = tpu.memref_squeeze %dma_start3A_530 : memref<1x1x512xi32, #tpu.memory_space<hbm>> -> memref<512xi32, #tpu.memory_space<hbm>>
      %dma_start3A_532 = arith.constant 0 : i32
      %dma_start3A_533 = tpu.memref_slice %arg3[%run_scoped3A_150, %run_scoped3A_151, %dma_start3A_532] : memref<16x1x512xi32, #tpu.memory_space<hbm>> -> memref<1x1x512xi32, #tpu.memory_space<hbm>>
      %dma_start3A_534 = tpu.memref_squeeze %dma_start3A_533 : memref<1x1x512xi32, #tpu.memory_space<hbm>> -> memref<512xi32, #tpu.memory_space<hbm>>
      tpu.enqueue_dma source(%dma_start3A_534 : memref<512xi32, #tpu.memory_space<hbm>>) target(%arg9 : memref<512xi32, #tpu.memory_space<vmem>>) target_semaphore(%run_scoped3A_528 : memref<!tpu.dma_semaphore, #tpu.memory_space<semaphore_mem>>)
      %dma_wait3A_535 = arith.constant 0 : i32
      %dma_wait3A_536 = tpu.memref_slice %arg3[%run_scoped3A_150, %run_scoped3A_151, %dma_wait3A_535] : memref<16x1x512xi32, #tpu.memory_space<hbm>> -> memref<1x1x512xi32, #tpu.memory_space<hbm>>
      %dma_wait3A_537 = tpu.memref_squeeze %dma_wait3A_536 : memref<1x1x512xi32, #tpu.memory_space<hbm>> -> memref<512xi32, #tpu.memory_space<hbm>>
      %dma_wait3A_538 = arith.constant 0 : i32
      %dma_wait3A_539 = tpu.memref_slice %arg3[%run_scoped3A_150, %run_scoped3A_151, %dma_wait3A_538] : memref<16x1x512xi32, #tpu.memory_space<hbm>> -> memref<1x1x512xi32, #tpu.memory_space<hbm>>
      %dma_wait3A_540 = tpu.memref_squeeze %dma_wait3A_539 : memref<1x1x512xi32, #tpu.memory_space<hbm>> -> memref<512xi32, #tpu.memory_space<hbm>>
      tpu.wait_dma2 semaphore(%run_scoped3A_528 : memref<!tpu.dma_semaphore, #tpu.memory_space<semaphore_mem>>) src(%dma_wait3A_540 : memref<512xi32, #tpu.memory_space<hbm>>) dst(%arg9 : memref<512xi32, #tpu.memory_space<vmem>>)
      tpu.yield
    }) : () -> ()
    %run_scoped3A_152 = arith.constant 5 : i32
    "tpu.region"() ({
      %run_scoped3A_528 = tpu.sem_alloc : memref<!tpu.dma_semaphore, #tpu.memory_space<semaphore_mem>>
      %dma_start3A_529 = arith.constant 0 : i32
      %dma_start3A_530 = tpu.memref_slice %arg4[%run_scoped3A_152, %add3A, %dma_start3A_529] : memref<16x32x512xf32, #tpu.memory_space<hbm>> -> memref<1x1x512xf32, #tpu.memory_space<hbm>>
      %dma_start3A_531 = tpu.memref_squeeze %dma_start3A_530 : memref<1x1x512xf32, #tpu.memory_space<hbm>> -> memref<512xf32, #tpu.memory_space<hbm>>
      %dma_start3A_532 = arith.constant 0 : i32
      %dma_start3A_533 = tpu.memref_slice %arg4[%run_scoped3A_152, %add3A, %dma_start3A_532] : memref<16x32x512xf32, #tpu.memory_space<hbm>> -> memref<1x1x512xf32, #tpu.memory_space<hbm>>
      %dma_start3A_534 = tpu.memref_squeeze %dma_start3A_533 : memref<1x1x512xf32, #tpu.memory_space<hbm>> -> memref<512xf32, #tpu.memory_space<hbm>>
      tpu.enqueue_dma source(%dma_start3A_534 : memref<512xf32, #tpu.memory_space<hbm>>) target(%arg11 : memref<512xf32, #tpu.memory_space<vmem>>) target_semaphore(%run_scoped3A_528 : memref<!tpu.dma_semaphore, #tpu.memory_space<semaphore_mem>>)
      %dma_wait3A_535 = arith.constant 0 : i32
      %dma_wait3A_536 = tpu.memref_slice %arg4[%run_scoped3A_152, %add3A, %dma_wait3A_535] : memref<16x32x512xf32, #tpu.memory_space<hbm>> -> memref<1x1x512xf32, #tpu.memory_space<hbm>>
      %dma_wait3A_537 = tpu.memref_squeeze %dma_wait3A_536 : memref<1x1x512xf32, #tpu.memory_space<hbm>> -> memref<512xf32, #tpu.memory_space<hbm>>
      %dma_wait3A_538 = arith.constant 0 : i32
      %dma_wait3A_539 = tpu.memref_slice %arg4[%run_scoped3A_152, %add3A, %dma_wait3A_538] : memref<16x32x512xf32, #tpu.memory_space<hbm>> -> memref<1x1x512xf32, #tpu.memory_space<hbm>>
      %dma_wait3A_540 = tpu.memref_squeeze %dma_wait3A_539 : memref<1x1x512xf32, #tpu.memory_space<hbm>> -> memref<512xf32, #tpu.memory_space<hbm>>
      tpu.wait_dma2 semaphore(%run_scoped3A_528 : memref<!tpu.dma_semaphore, #tpu.memory_space<semaphore_mem>>) src(%dma_wait3A_540 : memref<512xf32, #tpu.memory_space<hbm>>) dst(%arg11 : memref<512xf32, #tpu.memory_space<vmem>>)
      tpu.yield
    }) : () -> ()
    %dma_wait3A_153 = arith.constant 4 : i32
    %dma_wait3A_154 = arith.constant 0 : i32
    %dma_wait3A_155 = arith.constant 0 : i32
    %dma_wait3A_156 = tpu.memref_slice %arg6[%dma_wait3A_153, %add3A_2, %dma_wait3A_154, %dma_wait3A_155] : memref<16x52x256x256xf32, #tpu.memory_space<hbm>> -> memref<1x1x256x256xf32, #tpu.memory_space<hbm>>
    %dma_wait3A_157 = tpu.memref_squeeze %dma_wait3A_156 : memref<1x1x256x256xf32, #tpu.memory_space<hbm>> -> memref<256x256xf32, #tpu.memory_space<hbm>>
    %dma_wait3A_158 = arith.constant 0 : i32
    %dma_wait3A_159 = arith.constant 0 : i32
    %dma_wait3A_160 = tpu.memref_slice %arg6[%dma_wait3A_153, %add3A_2, %dma_wait3A_158, %dma_wait3A_159] : memref<16x52x256x256xf32, #tpu.memory_space<hbm>> -> memref<1x1x256x256xf32, #tpu.memory_space<hbm>>
    %dma_wait3A_161 = tpu.memref_squeeze %dma_wait3A_160 : memref<1x1x256x256xf32, #tpu.memory_space<hbm>> -> memref<256x256xf32, #tpu.memory_space<hbm>>
    tpu.wait_dma2 semaphore(%arg12 : memref<!tpu.dma_semaphore, #tpu.memory_space<semaphore_mem>>) src(%arg7 : memref<256x256xf32, #tpu.memory_space<vmem>>) dst(%dma_wait3A_161 : memref<256x256xf32, #tpu.memory_space<hbm>>)
    %scan3A_162 = arith.constant 0 : i32
    %scan3A_163 = arith.constant 0 : i32
    %scan3A_164 = arith.constant 32 : i32
    %scan3A_165 = arith.addi %scan3A_163, %scan3A_164 : i32
    %scan3A_166 = arith.constant 1 : i32
    scf.for %scan3A_528 = %scan3A_163 to %scan3A_165 step %scan3A_166  : i32 {
      %mul3A_529 = arith.constant 16 : i32
      %mul3A_530 = arith.muli %scan3A_528, %mul3A_529 : i32
      %get3A = arith.index_cast %mul3A_530 : i32 to index
      %get3A_531 = tpu.vector_load %arg8[%get3A] {strides = array<i32>} : memref<512xi32, #tpu.memory_space<vmem>>, vector<16xi32>,
      %shift_right_arithmetic3A = arith.constant 8 : i32
      %shift_right_arithmetic3A_532 = vector.broadcast %shift_right_arithmetic3A : i32 to vector<16xi32>
      %shift_right_arithmetic3A_533 = arith.shrsi %get3A_531, %shift_right_arithmetic3A_532 : vector<16xi32>
      %and3A = arith.constant 255 : i32
      %and3A_534 = vector.broadcast %and3A : i32 to vector<16xi32>
      %and3A_535 = arith.andi %get3A_531, %and3A_534 : vector<16xi32>
      tpu.vector_store_idx %arg7[%shift_right_arithmetic3A_533, %and3A_535], %broadcast_in_dim3A_3 : memref<256x256xf32, #tpu.memory_space<vmem>>[vector<16xi32>, vector<16xi32>], vector<16xf32>,
    }
    %scan3A_167 = arith.constant 32 : i32
    %scan3A_168 = arith.constant 0 : i32
    %scan3A_169 = arith.constant 0 : i32
    %scan3A_170 = arith.constant 32 : i32
    %scan3A_171 = arith.addi %scan3A_169, %scan3A_170 : i32
    %scan3A_172 = arith.constant 1 : i32
    scf.for %scan3A_528 = %scan3A_169 to %scan3A_171 step %scan3A_172  : i32 {
      %mul3A_529 = arith.constant 16 : i32
      %mul3A_530 = arith.muli %scan3A_528, %mul3A_529 : i32
      %get3A = arith.index_cast %mul3A_530 : i32 to index
      %get3A_531 = tpu.vector_load %arg9[%get3A] {strides = array<i32>} : memref<512xi32, #tpu.memory_space<vmem>>, vector<16xi32>,
      %shift_right_arithmetic3A = arith.constant 8 : i32
      %shift_right_arithmetic3A_532 = vector.broadcast %shift_right_arithmetic3A : i32 to vector<16xi32>
      %shift_right_arithmetic3A_533 = arith.shrsi %get3A_531, %shift_right_arithmetic3A_532 : vector<16xi32>
      %and3A = arith.constant 255 : i32
      %and3A_534 = vector.broadcast %and3A : i32 to vector<16xi32>
      %and3A_535 = arith.andi %get3A_531, %and3A_534 : vector<16xi32>
      %get3A_536 = arith.index_cast %mul3A_530 : i32 to index
      %get3A_537 = tpu.vector_load %arg11[%get3A_536] {strides = array<i32>} : memref<512xf32, #tpu.memory_space<vmem>>, vector<16xf32>,
      tpu.vector_store_idx %arg7[%shift_right_arithmetic3A_533, %and3A_535], %get3A_537 : memref<256x256xf32, #tpu.memory_space<vmem>>[vector<16xi32>, vector<16xi32>], vector<16xf32>,
    }
    %scan3A_173 = arith.constant 32 : i32
    %dma_start3A_174 = arith.constant 5 : i32
    %dma_start3A_175 = arith.constant 0 : i32
    %dma_start3A_176 = arith.constant 0 : i32
    %dma_start3A_177 = tpu.memref_slice %arg6[%dma_start3A_174, %add3A_2, %dma_start3A_175, %dma_start3A_176] : memref<16x52x256x256xf32, #tpu.memory_space<hbm>> -> memref<1x1x256x256xf32, #tpu.memory_space<hbm>>
    %dma_start3A_178 = tpu.memref_squeeze %dma_start3A_177 : memref<1x1x256x256xf32, #tpu.memory_space<hbm>> -> memref<256x256xf32, #tpu.memory_space<hbm>>
    %dma_start3A_179 = arith.constant 0 : i32
    %dma_start3A_180 = arith.constant 0 : i32
    %dma_start3A_181 = tpu.memref_slice %arg6[%dma_start3A_174, %add3A_2, %dma_start3A_179, %dma_start3A_180] : memref<16x52x256x256xf32, #tpu.memory_space<hbm>> -> memref<1x1x256x256xf32, #tpu.memory_space<hbm>>
    %dma_start3A_182 = tpu.memref_squeeze %dma_start3A_181 : memref<1x1x256x256xf32, #tpu.memory_space<hbm>> -> memref<256x256xf32, #tpu.memory_space<hbm>>
    tpu.enqueue_dma source(%arg7 : memref<256x256xf32, #tpu.memory_space<vmem>>) target(%dma_start3A_182 : memref<256x256xf32, #tpu.memory_space<hbm>>) target_semaphore(%arg12 : memref<!tpu.dma_semaphore, #tpu.memory_space<semaphore_mem>>)
    %run_scoped3A_183 = arith.constant 6 : i32
    %run_scoped3A_184 = arith.constant 0 : i32
    "tpu.region"() ({
      %run_scoped3A_528 = tpu.sem_alloc : memref<!tpu.dma_semaphore, #tpu.memory_space<semaphore_mem>>
      %dma_start3A_529 = arith.constant 0 : i32
      %dma_start3A_530 = tpu.memref_slice %arg3[%run_scoped3A_183, %run_scoped3A_184, %dma_start3A_529] : memref<16x1x512xi32, #tpu.memory_space<hbm>> -> memref<1x1x512xi32, #tpu.memory_space<hbm>>
      %dma_start3A_531 = tpu.memref_squeeze %dma_start3A_530 : memref<1x1x512xi32, #tpu.memory_space<hbm>> -> memref<512xi32, #tpu.memory_space<hbm>>
      %dma_start3A_532 = arith.constant 0 : i32
      %dma_start3A_533 = tpu.memref_slice %arg3[%run_scoped3A_183, %run_scoped3A_184, %dma_start3A_532] : memref<16x1x512xi32, #tpu.memory_space<hbm>> -> memref<1x1x512xi32, #tpu.memory_space<hbm>>
      %dma_start3A_534 = tpu.memref_squeeze %dma_start3A_533 : memref<1x1x512xi32, #tpu.memory_space<hbm>> -> memref<512xi32, #tpu.memory_space<hbm>>
      tpu.enqueue_dma source(%dma_start3A_534 : memref<512xi32, #tpu.memory_space<hbm>>) target(%arg8 : memref<512xi32, #tpu.memory_space<vmem>>) target_semaphore(%run_scoped3A_528 : memref<!tpu.dma_semaphore, #tpu.memory_space<semaphore_mem>>)
      %dma_wait3A_535 = arith.constant 0 : i32
      %dma_wait3A_536 = tpu.memref_slice %arg3[%run_scoped3A_183, %run_scoped3A_184, %dma_wait3A_535] : memref<16x1x512xi32, #tpu.memory_space<hbm>> -> memref<1x1x512xi32, #tpu.memory_space<hbm>>
      %dma_wait3A_537 = tpu.memref_squeeze %dma_wait3A_536 : memref<1x1x512xi32, #tpu.memory_space<hbm>> -> memref<512xi32, #tpu.memory_space<hbm>>
      %dma_wait3A_538 = arith.constant 0 : i32
      %dma_wait3A_539 = tpu.memref_slice %arg3[%run_scoped3A_183, %run_scoped3A_184, %dma_wait3A_538] : memref<16x1x512xi32, #tpu.memory_space<hbm>> -> memref<1x1x512xi32, #tpu.memory_space<hbm>>
      %dma_wait3A_540 = tpu.memref_squeeze %dma_wait3A_539 : memref<1x1x512xi32, #tpu.memory_space<hbm>> -> memref<512xi32, #tpu.memory_space<hbm>>
      tpu.wait_dma2 semaphore(%run_scoped3A_528 : memref<!tpu.dma_semaphore, #tpu.memory_space<semaphore_mem>>) src(%dma_wait3A_540 : memref<512xi32, #tpu.memory_space<hbm>>) dst(%arg8 : memref<512xi32, #tpu.memory_space<vmem>>)
      tpu.yield
    }) : () -> ()
    %run_scoped3A_185 = arith.constant 6 : i32
    "tpu.region"() ({
      %run_scoped3A_528 = tpu.sem_alloc : memref<!tpu.dma_semaphore, #tpu.memory_space<semaphore_mem>>
      %dma_start3A_529 = arith.constant 0 : i32
      %dma_start3A_530 = tpu.memref_slice %arg4[%run_scoped3A_185, %add3A, %dma_start3A_529] : memref<16x32x512xf32, #tpu.memory_space<hbm>> -> memref<1x1x512xf32, #tpu.memory_space<hbm>>
      %dma_start3A_531 = tpu.memref_squeeze %dma_start3A_530 : memref<1x1x512xf32, #tpu.memory_space<hbm>> -> memref<512xf32, #tpu.memory_space<hbm>>
      %dma_start3A_532 = arith.constant 0 : i32
      %dma_start3A_533 = tpu.memref_slice %arg4[%run_scoped3A_185, %add3A, %dma_start3A_532] : memref<16x32x512xf32, #tpu.memory_space<hbm>> -> memref<1x1x512xf32, #tpu.memory_space<hbm>>
      %dma_start3A_534 = tpu.memref_squeeze %dma_start3A_533 : memref<1x1x512xf32, #tpu.memory_space<hbm>> -> memref<512xf32, #tpu.memory_space<hbm>>
      tpu.enqueue_dma source(%dma_start3A_534 : memref<512xf32, #tpu.memory_space<hbm>>) target(%arg10 : memref<512xf32, #tpu.memory_space<vmem>>) target_semaphore(%run_scoped3A_528 : memref<!tpu.dma_semaphore, #tpu.memory_space<semaphore_mem>>)
      %dma_wait3A_535 = arith.constant 0 : i32
      %dma_wait3A_536 = tpu.memref_slice %arg4[%run_scoped3A_185, %add3A, %dma_wait3A_535] : memref<16x32x512xf32, #tpu.memory_space<hbm>> -> memref<1x1x512xf32, #tpu.memory_space<hbm>>
      %dma_wait3A_537 = tpu.memref_squeeze %dma_wait3A_536 : memref<1x1x512xf32, #tpu.memory_space<hbm>> -> memref<512xf32, #tpu.memory_space<hbm>>
      %dma_wait3A_538 = arith.constant 0 : i32
      %dma_wait3A_539 = tpu.memref_slice %arg4[%run_scoped3A_185, %add3A, %dma_wait3A_538] : memref<16x32x512xf32, #tpu.memory_space<hbm>> -> memref<1x1x512xf32, #tpu.memory_space<hbm>>
      %dma_wait3A_540 = tpu.memref_squeeze %dma_wait3A_539 : memref<1x1x512xf32, #tpu.memory_space<hbm>> -> memref<512xf32, #tpu.memory_space<hbm>>
      tpu.wait_dma2 semaphore(%run_scoped3A_528 : memref<!tpu.dma_semaphore, #tpu.memory_space<semaphore_mem>>) src(%dma_wait3A_540 : memref<512xf32, #tpu.memory_space<hbm>>) dst(%arg10 : memref<512xf32, #tpu.memory_space<vmem>>)
      tpu.yield
    }) : () -> ()
    %dma_wait3A_186 = arith.constant 5 : i32
    %dma_wait3A_187 = arith.constant 0 : i32
    %dma_wait3A_188 = arith.constant 0 : i32
    %dma_wait3A_189 = tpu.memref_slice %arg6[%dma_wait3A_186, %add3A_2, %dma_wait3A_187, %dma_wait3A_188] : memref<16x52x256x256xf32, #tpu.memory_space<hbm>> -> memref<1x1x256x256xf32, #tpu.memory_space<hbm>>
    %dma_wait3A_190 = tpu.memref_squeeze %dma_wait3A_189 : memref<1x1x256x256xf32, #tpu.memory_space<hbm>> -> memref<256x256xf32, #tpu.memory_space<hbm>>
    %dma_wait3A_191 = arith.constant 0 : i32
    %dma_wait3A_192 = arith.constant 0 : i32
    %dma_wait3A_193 = tpu.memref_slice %arg6[%dma_wait3A_186, %add3A_2, %dma_wait3A_191, %dma_wait3A_192] : memref<16x52x256x256xf32, #tpu.memory_space<hbm>> -> memref<1x1x256x256xf32, #tpu.memory_space<hbm>>
    %dma_wait3A_194 = tpu.memref_squeeze %dma_wait3A_193 : memref<1x1x256x256xf32, #tpu.memory_space<hbm>> -> memref<256x256xf32, #tpu.memory_space<hbm>>
    tpu.wait_dma2 semaphore(%arg12 : memref<!tpu.dma_semaphore, #tpu.memory_space<semaphore_mem>>) src(%arg7 : memref<256x256xf32, #tpu.memory_space<vmem>>) dst(%dma_wait3A_194 : memref<256x256xf32, #tpu.memory_space<hbm>>)
    %scan3A_195 = arith.constant 0 : i32
    %scan3A_196 = arith.constant 0 : i32
    %scan3A_197 = arith.constant 32 : i32
    %scan3A_198 = arith.addi %scan3A_196, %scan3A_197 : i32
    %scan3A_199 = arith.constant 1 : i32
    scf.for %scan3A_528 = %scan3A_196 to %scan3A_198 step %scan3A_199  : i32 {
      %mul3A_529 = arith.constant 16 : i32
      %mul3A_530 = arith.muli %scan3A_528, %mul3A_529 : i32
      %get3A = arith.index_cast %mul3A_530 : i32 to index
      %get3A_531 = tpu.vector_load %arg9[%get3A] {strides = array<i32>} : memref<512xi32, #tpu.memory_space<vmem>>, vector<16xi32>,
      %shift_right_arithmetic3A = arith.constant 8 : i32
      %shift_right_arithmetic3A_532 = vector.broadcast %shift_right_arithmetic3A : i32 to vector<16xi32>
      %shift_right_arithmetic3A_533 = arith.shrsi %get3A_531, %shift_right_arithmetic3A_532 : vector<16xi32>
      %and3A = arith.constant 255 : i32
      %and3A_534 = vector.broadcast %and3A : i32 to vector<16xi32>
      %and3A_535 = arith.andi %get3A_531, %and3A_534 : vector<16xi32>
      tpu.vector_store_idx %arg7[%shift_right_arithmetic3A_533, %and3A_535], %broadcast_in_dim3A_3 : memref<256x256xf32, #tpu.memory_space<vmem>>[vector<16xi32>, vector<16xi32>], vector<16xf32>,
    }
    %scan3A_200 = arith.constant 32 : i32
    %scan3A_201 = arith.constant 0 : i32
    %scan3A_202 = arith.constant 0 : i32
    %scan3A_203 = arith.constant 32 : i32
    %scan3A_204 = arith.addi %scan3A_202, %scan3A_203 : i32
    %scan3A_205 = arith.constant 1 : i32
    scf.for %scan3A_528 = %scan3A_202 to %scan3A_204 step %scan3A_205  : i32 {
      %mul3A_529 = arith.constant 16 : i32
      %mul3A_530 = arith.muli %scan3A_528, %mul3A_529 : i32
      %get3A = arith.index_cast %mul3A_530 : i32 to index
      %get3A_531 = tpu.vector_load %arg8[%get3A] {strides = array<i32>} : memref<512xi32, #tpu.memory_space<vmem>>, vector<16xi32>,
      %shift_right_arithmetic3A = arith.constant 8 : i32
      %shift_right_arithmetic3A_532 = vector.broadcast %shift_right_arithmetic3A : i32 to vector<16xi32>
      %shift_right_arithmetic3A_533 = arith.shrsi %get3A_531, %shift_right_arithmetic3A_532 : vector<16xi32>
      %and3A = arith.constant 255 : i32
      %and3A_534 = vector.broadcast %and3A : i32 to vector<16xi32>
      %and3A_535 = arith.andi %get3A_531, %and3A_534 : vector<16xi32>
      %get3A_536 = arith.index_cast %mul3A_530 : i32 to index
      %get3A_537 = tpu.vector_load %arg10[%get3A_536] {strides = array<i32>} : memref<512xf32, #tpu.memory_space<vmem>>, vector<16xf32>,
      tpu.vector_store_idx %arg7[%shift_right_arithmetic3A_533, %and3A_535], %get3A_537 : memref<256x256xf32, #tpu.memory_space<vmem>>[vector<16xi32>, vector<16xi32>], vector<16xf32>,
    }
    %scan3A_206 = arith.constant 32 : i32
    %dma_start3A_207 = arith.constant 6 : i32
    %dma_start3A_208 = arith.constant 0 : i32
    %dma_start3A_209 = arith.constant 0 : i32
    %dma_start3A_210 = tpu.memref_slice %arg6[%dma_start3A_207, %add3A_2, %dma_start3A_208, %dma_start3A_209] : memref<16x52x256x256xf32, #tpu.memory_space<hbm>> -> memref<1x1x256x256xf32, #tpu.memory_space<hbm>>
    %dma_start3A_211 = tpu.memref_squeeze %dma_start3A_210 : memref<1x1x256x256xf32, #tpu.memory_space<hbm>> -> memref<256x256xf32, #tpu.memory_space<hbm>>
    %dma_start3A_212 = arith.constant 0 : i32
    %dma_start3A_213 = arith.constant 0 : i32
    %dma_start3A_214 = tpu.memref_slice %arg6[%dma_start3A_207, %add3A_2, %dma_start3A_212, %dma_start3A_213] : memref<16x52x256x256xf32, #tpu.memory_space<hbm>> -> memref<1x1x256x256xf32, #tpu.memory_space<hbm>>
    %dma_start3A_215 = tpu.memref_squeeze %dma_start3A_214 : memref<1x1x256x256xf32, #tpu.memory_space<hbm>> -> memref<256x256xf32, #tpu.memory_space<hbm>>
    tpu.enqueue_dma source(%arg7 : memref<256x256xf32, #tpu.memory_space<vmem>>) target(%dma_start3A_215 : memref<256x256xf32, #tpu.memory_space<hbm>>) target_semaphore(%arg12 : memref<!tpu.dma_semaphore, #tpu.memory_space<semaphore_mem>>)
    %run_scoped3A_216 = arith.constant 7 : i32
    %run_scoped3A_217 = arith.constant 0 : i32
    "tpu.region"() ({
      %run_scoped3A_528 = tpu.sem_alloc : memref<!tpu.dma_semaphore, #tpu.memory_space<semaphore_mem>>
      %dma_start3A_529 = arith.constant 0 : i32
      %dma_start3A_530 = tpu.memref_slice %arg3[%run_scoped3A_216, %run_scoped3A_217, %dma_start3A_529] : memref<16x1x512xi32, #tpu.memory_space<hbm>> -> memref<1x1x512xi32, #tpu.memory_space<hbm>>
      %dma_start3A_531 = tpu.memref_squeeze %dma_start3A_530 : memref<1x1x512xi32, #tpu.memory_space<hbm>> -> memref<512xi32, #tpu.memory_space<hbm>>
      %dma_start3A_532 = arith.constant 0 : i32
      %dma_start3A_533 = tpu.memref_slice %arg3[%run_scoped3A_216, %run_scoped3A_217, %dma_start3A_532] : memref<16x1x512xi32, #tpu.memory_space<hbm>> -> memref<1x1x512xi32, #tpu.memory_space<hbm>>
      %dma_start3A_534 = tpu.memref_squeeze %dma_start3A_533 : memref<1x1x512xi32, #tpu.memory_space<hbm>> -> memref<512xi32, #tpu.memory_space<hbm>>
      tpu.enqueue_dma source(%dma_start3A_534 : memref<512xi32, #tpu.memory_space<hbm>>) target(%arg9 : memref<512xi32, #tpu.memory_space<vmem>>) target_semaphore(%run_scoped3A_528 : memref<!tpu.dma_semaphore, #tpu.memory_space<semaphore_mem>>)
      %dma_wait3A_535 = arith.constant 0 : i32
      %dma_wait3A_536 = tpu.memref_slice %arg3[%run_scoped3A_216, %run_scoped3A_217, %dma_wait3A_535] : memref<16x1x512xi32, #tpu.memory_space<hbm>> -> memref<1x1x512xi32, #tpu.memory_space<hbm>>
      %dma_wait3A_537 = tpu.memref_squeeze %dma_wait3A_536 : memref<1x1x512xi32, #tpu.memory_space<hbm>> -> memref<512xi32, #tpu.memory_space<hbm>>
      %dma_wait3A_538 = arith.constant 0 : i32
      %dma_wait3A_539 = tpu.memref_slice %arg3[%run_scoped3A_216, %run_scoped3A_217, %dma_wait3A_538] : memref<16x1x512xi32, #tpu.memory_space<hbm>> -> memref<1x1x512xi32, #tpu.memory_space<hbm>>
      %dma_wait3A_540 = tpu.memref_squeeze %dma_wait3A_539 : memref<1x1x512xi32, #tpu.memory_space<hbm>> -> memref<512xi32, #tpu.memory_space<hbm>>
      tpu.wait_dma2 semaphore(%run_scoped3A_528 : memref<!tpu.dma_semaphore, #tpu.memory_space<semaphore_mem>>) src(%dma_wait3A_540 : memref<512xi32, #tpu.memory_space<hbm>>) dst(%arg9 : memref<512xi32, #tpu.memory_space<vmem>>)
      tpu.yield
    }) : () -> ()
    %run_scoped3A_218 = arith.constant 7 : i32
    "tpu.region"() ({
      %run_scoped3A_528 = tpu.sem_alloc : memref<!tpu.dma_semaphore, #tpu.memory_space<semaphore_mem>>
      %dma_start3A_529 = arith.constant 0 : i32
      %dma_start3A_530 = tpu.memref_slice %arg4[%run_scoped3A_218, %add3A, %dma_start3A_529] : memref<16x32x512xf32, #tpu.memory_space<hbm>> -> memref<1x1x512xf32, #tpu.memory_space<hbm>>
      %dma_start3A_531 = tpu.memref_squeeze %dma_start3A_530 : memref<1x1x512xf32, #tpu.memory_space<hbm>> -> memref<512xf32, #tpu.memory_space<hbm>>
      %dma_start3A_532 = arith.constant 0 : i32
      %dma_start3A_533 = tpu.memref_slice %arg4[%run_scoped3A_218, %add3A, %dma_start3A_532] : memref<16x32x512xf32, #tpu.memory_space<hbm>> -> memref<1x1x512xf32, #tpu.memory_space<hbm>>
      %dma_start3A_534 = tpu.memref_squeeze %dma_start3A_533 : memref<1x1x512xf32, #tpu.memory_space<hbm>> -> memref<512xf32, #tpu.memory_space<hbm>>
      tpu.enqueue_dma source(%dma_start3A_534 : memref<512xf32, #tpu.memory_space<hbm>>) target(%arg11 : memref<512xf32, #tpu.memory_space<vmem>>) target_semaphore(%run_scoped3A_528 : memref<!tpu.dma_semaphore, #tpu.memory_space<semaphore_mem>>)
      %dma_wait3A_535 = arith.constant 0 : i32
      %dma_wait3A_536 = tpu.memref_slice %arg4[%run_scoped3A_218, %add3A, %dma_wait3A_535] : memref<16x32x512xf32, #tpu.memory_space<hbm>> -> memref<1x1x512xf32, #tpu.memory_space<hbm>>
      %dma_wait3A_537 = tpu.memref_squeeze %dma_wait3A_536 : memref<1x1x512xf32, #tpu.memory_space<hbm>> -> memref<512xf32, #tpu.memory_space<hbm>>
      %dma_wait3A_538 = arith.constant 0 : i32
      %dma_wait3A_539 = tpu.memref_slice %arg4[%run_scoped3A_218, %add3A, %dma_wait3A_538] : memref<16x32x512xf32, #tpu.memory_space<hbm>> -> memref<1x1x512xf32, #tpu.memory_space<hbm>>
      %dma_wait3A_540 = tpu.memref_squeeze %dma_wait3A_539 : memref<1x1x512xf32, #tpu.memory_space<hbm>> -> memref<512xf32, #tpu.memory_space<hbm>>
      tpu.wait_dma2 semaphore(%run_scoped3A_528 : memref<!tpu.dma_semaphore, #tpu.memory_space<semaphore_mem>>) src(%dma_wait3A_540 : memref<512xf32, #tpu.memory_space<hbm>>) dst(%arg11 : memref<512xf32, #tpu.memory_space<vmem>>)
      tpu.yield
    }) : () -> ()
    %dma_wait3A_219 = arith.constant 6 : i32
    %dma_wait3A_220 = arith.constant 0 : i32
    %dma_wait3A_221 = arith.constant 0 : i32
    %dma_wait3A_222 = tpu.memref_slice %arg6[%dma_wait3A_219, %add3A_2, %dma_wait3A_220, %dma_wait3A_221] : memref<16x52x256x256xf32, #tpu.memory_space<hbm>> -> memref<1x1x256x256xf32, #tpu.memory_space<hbm>>
    %dma_wait3A_223 = tpu.memref_squeeze %dma_wait3A_222 : memref<1x1x256x256xf32, #tpu.memory_space<hbm>> -> memref<256x256xf32, #tpu.memory_space<hbm>>
    %dma_wait3A_224 = arith.constant 0 : i32
    %dma_wait3A_225 = arith.constant 0 : i32
    %dma_wait3A_226 = tpu.memref_slice %arg6[%dma_wait3A_219, %add3A_2, %dma_wait3A_224, %dma_wait3A_225] : memref<16x52x256x256xf32, #tpu.memory_space<hbm>> -> memref<1x1x256x256xf32, #tpu.memory_space<hbm>>
    %dma_wait3A_227 = tpu.memref_squeeze %dma_wait3A_226 : memref<1x1x256x256xf32, #tpu.memory_space<hbm>> -> memref<256x256xf32, #tpu.memory_space<hbm>>
    tpu.wait_dma2 semaphore(%arg12 : memref<!tpu.dma_semaphore, #tpu.memory_space<semaphore_mem>>) src(%arg7 : memref<256x256xf32, #tpu.memory_space<vmem>>) dst(%dma_wait3A_227 : memref<256x256xf32, #tpu.memory_space<hbm>>)
    %scan3A_228 = arith.constant 0 : i32
    %scan3A_229 = arith.constant 0 : i32
    %scan3A_230 = arith.constant 32 : i32
    %scan3A_231 = arith.addi %scan3A_229, %scan3A_230 : i32
    %scan3A_232 = arith.constant 1 : i32
    scf.for %scan3A_528 = %scan3A_229 to %scan3A_231 step %scan3A_232  : i32 {
      %mul3A_529 = arith.constant 16 : i32
      %mul3A_530 = arith.muli %scan3A_528, %mul3A_529 : i32
      %get3A = arith.index_cast %mul3A_530 : i32 to index
      %get3A_531 = tpu.vector_load %arg8[%get3A] {strides = array<i32>} : memref<512xi32, #tpu.memory_space<vmem>>, vector<16xi32>,
      %shift_right_arithmetic3A = arith.constant 8 : i32
      %shift_right_arithmetic3A_532 = vector.broadcast %shift_right_arithmetic3A : i32 to vector<16xi32>
      %shift_right_arithmetic3A_533 = arith.shrsi %get3A_531, %shift_right_arithmetic3A_532 : vector<16xi32>
      %and3A = arith.constant 255 : i32
      %and3A_534 = vector.broadcast %and3A : i32 to vector<16xi32>
      %and3A_535 = arith.andi %get3A_531, %and3A_534 : vector<16xi32>
      tpu.vector_store_idx %arg7[%shift_right_arithmetic3A_533, %and3A_535], %broadcast_in_dim3A_3 : memref<256x256xf32, #tpu.memory_space<vmem>>[vector<16xi32>, vector<16xi32>], vector<16xf32>,
    }
    %scan3A_233 = arith.constant 32 : i32
    %scan3A_234 = arith.constant 0 : i32
    %scan3A_235 = arith.constant 0 : i32
    %scan3A_236 = arith.constant 32 : i32
    %scan3A_237 = arith.addi %scan3A_235, %scan3A_236 : i32
    %scan3A_238 = arith.constant 1 : i32
    scf.for %scan3A_528 = %scan3A_235 to %scan3A_237 step %scan3A_238  : i32 {
      %mul3A_529 = arith.constant 16 : i32
      %mul3A_530 = arith.muli %scan3A_528, %mul3A_529 : i32
      %get3A = arith.index_cast %mul3A_530 : i32 to index
      %get3A_531 = tpu.vector_load %arg9[%get3A] {strides = array<i32>} : memref<512xi32, #tpu.memory_space<vmem>>, vector<16xi32>,
      %shift_right_arithmetic3A = arith.constant 8 : i32
      %shift_right_arithmetic3A_532 = vector.broadcast %shift_right_arithmetic3A : i32 to vector<16xi32>
      %shift_right_arithmetic3A_533 = arith.shrsi %get3A_531, %shift_right_arithmetic3A_532 : vector<16xi32>
      %and3A = arith.constant 255 : i32
      %and3A_534 = vector.broadcast %and3A : i32 to vector<16xi32>
      %and3A_535 = arith.andi %get3A_531, %and3A_534 : vector<16xi32>
      %get3A_536 = arith.index_cast %mul3A_530 : i32 to index
      %get3A_537 = tpu.vector_load %arg11[%get3A_536] {strides = array<i32>} : memref<512xf32, #tpu.memory_space<vmem>>, vector<16xf32>,
      tpu.vector_store_idx %arg7[%shift_right_arithmetic3A_533, %and3A_535], %get3A_537 : memref<256x256xf32, #tpu.memory_space<vmem>>[vector<16xi32>, vector<16xi32>], vector<16xf32>,
    }
    %scan3A_239 = arith.constant 32 : i32
    %dma_start3A_240 = arith.constant 7 : i32
    %dma_start3A_241 = arith.constant 0 : i32
    %dma_start3A_242 = arith.constant 0 : i32
    %dma_start3A_243 = tpu.memref_slice %arg6[%dma_start3A_240, %add3A_2, %dma_start3A_241, %dma_start3A_242] : memref<16x52x256x256xf32, #tpu.memory_space<hbm>> -> memref<1x1x256x256xf32, #tpu.memory_space<hbm>>
    %dma_start3A_244 = tpu.memref_squeeze %dma_start3A_243 : memref<1x1x256x256xf32, #tpu.memory_space<hbm>> -> memref<256x256xf32, #tpu.memory_space<hbm>>
    %dma_start3A_245 = arith.constant 0 : i32
    %dma_start3A_246 = arith.constant 0 : i32
    %dma_start3A_247 = tpu.memref_slice %arg6[%dma_start3A_240, %add3A_2, %dma_start3A_245, %dma_start3A_246] : memref<16x52x256x256xf32, #tpu.memory_space<hbm>> -> memref<1x1x256x256xf32, #tpu.memory_space<hbm>>
    %dma_start3A_248 = tpu.memref_squeeze %dma_start3A_247 : memref<1x1x256x256xf32, #tpu.memory_space<hbm>> -> memref<256x256xf32, #tpu.memory_space<hbm>>
    tpu.enqueue_dma source(%arg7 : memref<256x256xf32, #tpu.memory_space<vmem>>) target(%dma_start3A_248 : memref<256x256xf32, #tpu.memory_space<hbm>>) target_semaphore(%arg12 : memref<!tpu.dma_semaphore, #tpu.memory_space<semaphore_mem>>)
    %run_scoped3A_249 = arith.constant 8 : i32
    %run_scoped3A_250 = arith.constant 0 : i32
    "tpu.region"() ({
      %run_scoped3A_528 = tpu.sem_alloc : memref<!tpu.dma_semaphore, #tpu.memory_space<semaphore_mem>>
      %dma_start3A_529 = arith.constant 0 : i32
      %dma_start3A_530 = tpu.memref_slice %arg3[%run_scoped3A_249, %run_scoped3A_250, %dma_start3A_529] : memref<16x1x512xi32, #tpu.memory_space<hbm>> -> memref<1x1x512xi32, #tpu.memory_space<hbm>>
      %dma_start3A_531 = tpu.memref_squeeze %dma_start3A_530 : memref<1x1x512xi32, #tpu.memory_space<hbm>> -> memref<512xi32, #tpu.memory_space<hbm>>
      %dma_start3A_532 = arith.constant 0 : i32
      %dma_start3A_533 = tpu.memref_slice %arg3[%run_scoped3A_249, %run_scoped3A_250, %dma_start3A_532] : memref<16x1x512xi32, #tpu.memory_space<hbm>> -> memref<1x1x512xi32, #tpu.memory_space<hbm>>
      %dma_start3A_534 = tpu.memref_squeeze %dma_start3A_533 : memref<1x1x512xi32, #tpu.memory_space<hbm>> -> memref<512xi32, #tpu.memory_space<hbm>>
      tpu.enqueue_dma source(%dma_start3A_534 : memref<512xi32, #tpu.memory_space<hbm>>) target(%arg8 : memref<512xi32, #tpu.memory_space<vmem>>) target_semaphore(%run_scoped3A_528 : memref<!tpu.dma_semaphore, #tpu.memory_space<semaphore_mem>>)
      %dma_wait3A_535 = arith.constant 0 : i32
      %dma_wait3A_536 = tpu.memref_slice %arg3[%run_scoped3A_249, %run_scoped3A_250, %dma_wait3A_535] : memref<16x1x512xi32, #tpu.memory_space<hbm>> -> memref<1x1x512xi32, #tpu.memory_space<hbm>>
      %dma_wait3A_537 = tpu.memref_squeeze %dma_wait3A_536 : memref<1x1x512xi32, #tpu.memory_space<hbm>> -> memref<512xi32, #tpu.memory_space<hbm>>
      %dma_wait3A_538 = arith.constant 0 : i32
      %dma_wait3A_539 = tpu.memref_slice %arg3[%run_scoped3A_249, %run_scoped3A_250, %dma_wait3A_538] : memref<16x1x512xi32, #tpu.memory_space<hbm>> -> memref<1x1x512xi32, #tpu.memory_space<hbm>>
      %dma_wait3A_540 = tpu.memref_squeeze %dma_wait3A_539 : memref<1x1x512xi32, #tpu.memory_space<hbm>> -> memref<512xi32, #tpu.memory_space<hbm>>
      tpu.wait_dma2 semaphore(%run_scoped3A_528 : memref<!tpu.dma_semaphore, #tpu.memory_space<semaphore_mem>>) src(%dma_wait3A_540 : memref<512xi32, #tpu.memory_space<hbm>>) dst(%arg8 : memref<512xi32, #tpu.memory_space<vmem>>)
      tpu.yield
    }) : () -> ()
    %run_scoped3A_251 = arith.constant 8 : i32
    "tpu.region"() ({
      %run_scoped3A_528 = tpu.sem_alloc : memref<!tpu.dma_semaphore, #tpu.memory_space<semaphore_mem>>
      %dma_start3A_529 = arith.constant 0 : i32
      %dma_start3A_530 = tpu.memref_slice %arg4[%run_scoped3A_251, %add3A, %dma_start3A_529] : memref<16x32x512xf32, #tpu.memory_space<hbm>> -> memref<1x1x512xf32, #tpu.memory_space<hbm>>
      %dma_start3A_531 = tpu.memref_squeeze %dma_start3A_530 : memref<1x1x512xf32, #tpu.memory_space<hbm>> -> memref<512xf32, #tpu.memory_space<hbm>>
      %dma_start3A_532 = arith.constant 0 : i32
      %dma_start3A_533 = tpu.memref_slice %arg4[%run_scoped3A_251, %add3A, %dma_start3A_532] : memref<16x32x512xf32, #tpu.memory_space<hbm>> -> memref<1x1x512xf32, #tpu.memory_space<hbm>>
      %dma_start3A_534 = tpu.memref_squeeze %dma_start3A_533 : memref<1x1x512xf32, #tpu.memory_space<hbm>> -> memref<512xf32, #tpu.memory_space<hbm>>
      tpu.enqueue_dma source(%dma_start3A_534 : memref<512xf32, #tpu.memory_space<hbm>>) target(%arg10 : memref<512xf32, #tpu.memory_space<vmem>>) target_semaphore(%run_scoped3A_528 : memref<!tpu.dma_semaphore, #tpu.memory_space<semaphore_mem>>)
      %dma_wait3A_535 = arith.constant 0 : i32
      %dma_wait3A_536 = tpu.memref_slice %arg4[%run_scoped3A_251, %add3A, %dma_wait3A_535] : memref<16x32x512xf32, #tpu.memory_space<hbm>> -> memref<1x1x512xf32, #tpu.memory_space<hbm>>
      %dma_wait3A_537 = tpu.memref_squeeze %dma_wait3A_536 : memref<1x1x512xf32, #tpu.memory_space<hbm>> -> memref<512xf32, #tpu.memory_space<hbm>>
      %dma_wait3A_538 = arith.constant 0 : i32
      %dma_wait3A_539 = tpu.memref_slice %arg4[%run_scoped3A_251, %add3A, %dma_wait3A_538] : memref<16x32x512xf32, #tpu.memory_space<hbm>> -> memref<1x1x512xf32, #tpu.memory_space<hbm>>
      %dma_wait3A_540 = tpu.memref_squeeze %dma_wait3A_539 : memref<1x1x512xf32, #tpu.memory_space<hbm>> -> memref<512xf32, #tpu.memory_space<hbm>>
      tpu.wait_dma2 semaphore(%run_scoped3A_528 : memref<!tpu.dma_semaphore, #tpu.memory_space<semaphore_mem>>) src(%dma_wait3A_540 : memref<512xf32, #tpu.memory_space<hbm>>) dst(%arg10 : memref<512xf32, #tpu.memory_space<vmem>>)
      tpu.yield
    }) : () -> ()
    %dma_wait3A_252 = arith.constant 7 : i32
    %dma_wait3A_253 = arith.constant 0 : i32
    %dma_wait3A_254 = arith.constant 0 : i32
    %dma_wait3A_255 = tpu.memref_slice %arg6[%dma_wait3A_252, %add3A_2, %dma_wait3A_253, %dma_wait3A_254] : memref<16x52x256x256xf32, #tpu.memory_space<hbm>> -> memref<1x1x256x256xf32, #tpu.memory_space<hbm>>
    %dma_wait3A_256 = tpu.memref_squeeze %dma_wait3A_255 : memref<1x1x256x256xf32, #tpu.memory_space<hbm>> -> memref<256x256xf32, #tpu.memory_space<hbm>>
    %dma_wait3A_257 = arith.constant 0 : i32
    %dma_wait3A_258 = arith.constant 0 : i32
    %dma_wait3A_259 = tpu.memref_slice %arg6[%dma_wait3A_252, %add3A_2, %dma_wait3A_257, %dma_wait3A_258] : memref<16x52x256x256xf32, #tpu.memory_space<hbm>> -> memref<1x1x256x256xf32, #tpu.memory_space<hbm>>
    %dma_wait3A_260 = tpu.memref_squeeze %dma_wait3A_259 : memref<1x1x256x256xf32, #tpu.memory_space<hbm>> -> memref<256x256xf32, #tpu.memory_space<hbm>>
    tpu.wait_dma2 semaphore(%arg12 : memref<!tpu.dma_semaphore, #tpu.memory_space<semaphore_mem>>) src(%arg7 : memref<256x256xf32, #tpu.memory_space<vmem>>) dst(%dma_wait3A_260 : memref<256x256xf32, #tpu.memory_space<hbm>>)
    %scan3A_261 = arith.constant 0 : i32
    %scan3A_262 = arith.constant 0 : i32
    %scan3A_263 = arith.constant 32 : i32
    %scan3A_264 = arith.addi %scan3A_262, %scan3A_263 : i32
    %scan3A_265 = arith.constant 1 : i32
    scf.for %scan3A_528 = %scan3A_262 to %scan3A_264 step %scan3A_265  : i32 {
      %mul3A_529 = arith.constant 16 : i32
      %mul3A_530 = arith.muli %scan3A_528, %mul3A_529 : i32
      %get3A = arith.index_cast %mul3A_530 : i32 to index
      %get3A_531 = tpu.vector_load %arg9[%get3A] {strides = array<i32>} : memref<512xi32, #tpu.memory_space<vmem>>, vector<16xi32>,
      %shift_right_arithmetic3A = arith.constant 8 : i32
      %shift_right_arithmetic3A_532 = vector.broadcast %shift_right_arithmetic3A : i32 to vector<16xi32>
      %shift_right_arithmetic3A_533 = arith.shrsi %get3A_531, %shift_right_arithmetic3A_532 : vector<16xi32>
      %and3A = arith.constant 255 : i32
      %and3A_534 = vector.broadcast %and3A : i32 to vector<16xi32>
      %and3A_535 = arith.andi %get3A_531, %and3A_534 : vector<16xi32>
      tpu.vector_store_idx %arg7[%shift_right_arithmetic3A_533, %and3A_535], %broadcast_in_dim3A_3 : memref<256x256xf32, #tpu.memory_space<vmem>>[vector<16xi32>, vector<16xi32>], vector<16xf32>,
    }
    %scan3A_266 = arith.constant 32 : i32
    %scan3A_267 = arith.constant 0 : i32
    %scan3A_268 = arith.constant 0 : i32
    %scan3A_269 = arith.constant 32 : i32
    %scan3A_270 = arith.addi %scan3A_268, %scan3A_269 : i32
    %scan3A_271 = arith.constant 1 : i32
    scf.for %scan3A_528 = %scan3A_268 to %scan3A_270 step %scan3A_271  : i32 {
      %mul3A_529 = arith.constant 16 : i32
      %mul3A_530 = arith.muli %scan3A_528, %mul3A_529 : i32
      %get3A = arith.index_cast %mul3A_530 : i32 to index
      %get3A_531 = tpu.vector_load %arg8[%get3A] {strides = array<i32>} : memref<512xi32, #tpu.memory_space<vmem>>, vector<16xi32>,
      %shift_right_arithmetic3A = arith.constant 8 : i32
      %shift_right_arithmetic3A_532 = vector.broadcast %shift_right_arithmetic3A : i32 to vector<16xi32>
      %shift_right_arithmetic3A_533 = arith.shrsi %get3A_531, %shift_right_arithmetic3A_532 : vector<16xi32>
      %and3A = arith.constant 255 : i32
      %and3A_534 = vector.broadcast %and3A : i32 to vector<16xi32>
      %and3A_535 = arith.andi %get3A_531, %and3A_534 : vector<16xi32>
      %get3A_536 = arith.index_cast %mul3A_530 : i32 to index
      %get3A_537 = tpu.vector_load %arg10[%get3A_536] {strides = array<i32>} : memref<512xf32, #tpu.memory_space<vmem>>, vector<16xf32>,
      tpu.vector_store_idx %arg7[%shift_right_arithmetic3A_533, %and3A_535], %get3A_537 : memref<256x256xf32, #tpu.memory_space<vmem>>[vector<16xi32>, vector<16xi32>], vector<16xf32>,
    }
    %scan3A_272 = arith.constant 32 : i32
    %dma_start3A_273 = arith.constant 8 : i32
    %dma_start3A_274 = arith.constant 0 : i32
    %dma_start3A_275 = arith.constant 0 : i32
    %dma_start3A_276 = tpu.memref_slice %arg6[%dma_start3A_273, %add3A_2, %dma_start3A_274, %dma_start3A_275] : memref<16x52x256x256xf32, #tpu.memory_space<hbm>> -> memref<1x1x256x256xf32, #tpu.memory_space<hbm>>
    %dma_start3A_277 = tpu.memref_squeeze %dma_start3A_276 : memref<1x1x256x256xf32, #tpu.memory_space<hbm>> -> memref<256x256xf32, #tpu.memory_space<hbm>>
    %dma_start3A_278 = arith.constant 0 : i32
    %dma_start3A_279 = arith.constant 0 : i32
    %dma_start3A_280 = tpu.memref_slice %arg6[%dma_start3A_273, %add3A_2, %dma_start3A_278, %dma_start3A_279] : memref<16x52x256x256xf32, #tpu.memory_space<hbm>> -> memref<1x1x256x256xf32, #tpu.memory_space<hbm>>
    %dma_start3A_281 = tpu.memref_squeeze %dma_start3A_280 : memref<1x1x256x256xf32, #tpu.memory_space<hbm>> -> memref<256x256xf32, #tpu.memory_space<hbm>>
    tpu.enqueue_dma source(%arg7 : memref<256x256xf32, #tpu.memory_space<vmem>>) target(%dma_start3A_281 : memref<256x256xf32, #tpu.memory_space<hbm>>) target_semaphore(%arg12 : memref<!tpu.dma_semaphore, #tpu.memory_space<semaphore_mem>>)
    %run_scoped3A_282 = arith.constant 9 : i32
    %run_scoped3A_283 = arith.constant 0 : i32
    "tpu.region"() ({
      %run_scoped3A_528 = tpu.sem_alloc : memref<!tpu.dma_semaphore, #tpu.memory_space<semaphore_mem>>
      %dma_start3A_529 = arith.constant 0 : i32
      %dma_start3A_530 = tpu.memref_slice %arg3[%run_scoped3A_282, %run_scoped3A_283, %dma_start3A_529] : memref<16x1x512xi32, #tpu.memory_space<hbm>> -> memref<1x1x512xi32, #tpu.memory_space<hbm>>
      %dma_start3A_531 = tpu.memref_squeeze %dma_start3A_530 : memref<1x1x512xi32, #tpu.memory_space<hbm>> -> memref<512xi32, #tpu.memory_space<hbm>>
      %dma_start3A_532 = arith.constant 0 : i32
      %dma_start3A_533 = tpu.memref_slice %arg3[%run_scoped3A_282, %run_scoped3A_283, %dma_start3A_532] : memref<16x1x512xi32, #tpu.memory_space<hbm>> -> memref<1x1x512xi32, #tpu.memory_space<hbm>>
      %dma_start3A_534 = tpu.memref_squeeze %dma_start3A_533 : memref<1x1x512xi32, #tpu.memory_space<hbm>> -> memref<512xi32, #tpu.memory_space<hbm>>
      tpu.enqueue_dma source(%dma_start3A_534 : memref<512xi32, #tpu.memory_space<hbm>>) target(%arg9 : memref<512xi32, #tpu.memory_space<vmem>>) target_semaphore(%run_scoped3A_528 : memref<!tpu.dma_semaphore, #tpu.memory_space<semaphore_mem>>)
      %dma_wait3A_535 = arith.constant 0 : i32
      %dma_wait3A_536 = tpu.memref_slice %arg3[%run_scoped3A_282, %run_scoped3A_283, %dma_wait3A_535] : memref<16x1x512xi32, #tpu.memory_space<hbm>> -> memref<1x1x512xi32, #tpu.memory_space<hbm>>
      %dma_wait3A_537 = tpu.memref_squeeze %dma_wait3A_536 : memref<1x1x512xi32, #tpu.memory_space<hbm>> -> memref<512xi32, #tpu.memory_space<hbm>>
      %dma_wait3A_538 = arith.constant 0 : i32
      %dma_wait3A_539 = tpu.memref_slice %arg3[%run_scoped3A_282, %run_scoped3A_283, %dma_wait3A_538] : memref<16x1x512xi32, #tpu.memory_space<hbm>> -> memref<1x1x512xi32, #tpu.memory_space<hbm>>
      %dma_wait3A_540 = tpu.memref_squeeze %dma_wait3A_539 : memref<1x1x512xi32, #tpu.memory_space<hbm>> -> memref<512xi32, #tpu.memory_space<hbm>>
      tpu.wait_dma2 semaphore(%run_scoped3A_528 : memref<!tpu.dma_semaphore, #tpu.memory_space<semaphore_mem>>) src(%dma_wait3A_540 : memref<512xi32, #tpu.memory_space<hbm>>) dst(%arg9 : memref<512xi32, #tpu.memory_space<vmem>>)
      tpu.yield
    }) : () -> ()
    %run_scoped3A_284 = arith.constant 9 : i32
    "tpu.region"() ({
      %run_scoped3A_528 = tpu.sem_alloc : memref<!tpu.dma_semaphore, #tpu.memory_space<semaphore_mem>>
      %dma_start3A_529 = arith.constant 0 : i32
      %dma_start3A_530 = tpu.memref_slice %arg4[%run_scoped3A_284, %add3A, %dma_start3A_529] : memref<16x32x512xf32, #tpu.memory_space<hbm>> -> memref<1x1x512xf32, #tpu.memory_space<hbm>>
      %dma_start3A_531 = tpu.memref_squeeze %dma_start3A_530 : memref<1x1x512xf32, #tpu.memory_space<hbm>> -> memref<512xf32, #tpu.memory_space<hbm>>
      %dma_start3A_532 = arith.constant 0 : i32
      %dma_start3A_533 = tpu.memref_slice %arg4[%run_scoped3A_284, %add3A, %dma_start3A_532] : memref<16x32x512xf32, #tpu.memory_space<hbm>> -> memref<1x1x512xf32, #tpu.memory_space<hbm>>
      %dma_start3A_534 = tpu.memref_squeeze %dma_start3A_533 : memref<1x1x512xf32, #tpu.memory_space<hbm>> -> memref<512xf32, #tpu.memory_space<hbm>>
      tpu.enqueue_dma source(%dma_start3A_534 : memref<512xf32, #tpu.memory_space<hbm>>) target(%arg11 : memref<512xf32, #tpu.memory_space<vmem>>) target_semaphore(%run_scoped3A_528 : memref<!tpu.dma_semaphore, #tpu.memory_space<semaphore_mem>>)
      %dma_wait3A_535 = arith.constant 0 : i32
      %dma_wait3A_536 = tpu.memref_slice %arg4[%run_scoped3A_284, %add3A, %dma_wait3A_535] : memref<16x32x512xf32, #tpu.memory_space<hbm>> -> memref<1x1x512xf32, #tpu.memory_space<hbm>>
      %dma_wait3A_537 = tpu.memref_squeeze %dma_wait3A_536 : memref<1x1x512xf32, #tpu.memory_space<hbm>> -> memref<512xf32, #tpu.memory_space<hbm>>
      %dma_wait3A_538 = arith.constant 0 : i32
      %dma_wait3A_539 = tpu.memref_slice %arg4[%run_scoped3A_284, %add3A, %dma_wait3A_538] : memref<16x32x512xf32, #tpu.memory_space<hbm>> -> memref<1x1x512xf32, #tpu.memory_space<hbm>>
      %dma_wait3A_540 = tpu.memref_squeeze %dma_wait3A_539 : memref<1x1x512xf32, #tpu.memory_space<hbm>> -> memref<512xf32, #tpu.memory_space<hbm>>
      tpu.wait_dma2 semaphore(%run_scoped3A_528 : memref<!tpu.dma_semaphore, #tpu.memory_space<semaphore_mem>>) src(%dma_wait3A_540 : memref<512xf32, #tpu.memory_space<hbm>>) dst(%arg11 : memref<512xf32, #tpu.memory_space<vmem>>)
      tpu.yield
    }) : () -> ()
    %dma_wait3A_285 = arith.constant 8 : i32
    %dma_wait3A_286 = arith.constant 0 : i32
    %dma_wait3A_287 = arith.constant 0 : i32
    %dma_wait3A_288 = tpu.memref_slice %arg6[%dma_wait3A_285, %add3A_2, %dma_wait3A_286, %dma_wait3A_287] : memref<16x52x256x256xf32, #tpu.memory_space<hbm>> -> memref<1x1x256x256xf32, #tpu.memory_space<hbm>>
    %dma_wait3A_289 = tpu.memref_squeeze %dma_wait3A_288 : memref<1x1x256x256xf32, #tpu.memory_space<hbm>> -> memref<256x256xf32, #tpu.memory_space<hbm>>
    %dma_wait3A_290 = arith.constant 0 : i32
    %dma_wait3A_291 = arith.constant 0 : i32
    %dma_wait3A_292 = tpu.memref_slice %arg6[%dma_wait3A_285, %add3A_2, %dma_wait3A_290, %dma_wait3A_291] : memref<16x52x256x256xf32, #tpu.memory_space<hbm>> -> memref<1x1x256x256xf32, #tpu.memory_space<hbm>>
    %dma_wait3A_293 = tpu.memref_squeeze %dma_wait3A_292 : memref<1x1x256x256xf32, #tpu.memory_space<hbm>> -> memref<256x256xf32, #tpu.memory_space<hbm>>
    tpu.wait_dma2 semaphore(%arg12 : memref<!tpu.dma_semaphore, #tpu.memory_space<semaphore_mem>>) src(%arg7 : memref<256x256xf32, #tpu.memory_space<vmem>>) dst(%dma_wait3A_293 : memref<256x256xf32, #tpu.memory_space<hbm>>)
    %scan3A_294 = arith.constant 0 : i32
    %scan3A_295 = arith.constant 0 : i32
    %scan3A_296 = arith.constant 32 : i32
    %scan3A_297 = arith.addi %scan3A_295, %scan3A_296 : i32
    %scan3A_298 = arith.constant 1 : i32
    scf.for %scan3A_528 = %scan3A_295 to %scan3A_297 step %scan3A_298  : i32 {
      %mul3A_529 = arith.constant 16 : i32
      %mul3A_530 = arith.muli %scan3A_528, %mul3A_529 : i32
      %get3A = arith.index_cast %mul3A_530 : i32 to index
      %get3A_531 = tpu.vector_load %arg8[%get3A] {strides = array<i32>} : memref<512xi32, #tpu.memory_space<vmem>>, vector<16xi32>,
      %shift_right_arithmetic3A = arith.constant 8 : i32
      %shift_right_arithmetic3A_532 = vector.broadcast %shift_right_arithmetic3A : i32 to vector<16xi32>
      %shift_right_arithmetic3A_533 = arith.shrsi %get3A_531, %shift_right_arithmetic3A_532 : vector<16xi32>
      %and3A = arith.constant 255 : i32
      %and3A_534 = vector.broadcast %and3A : i32 to vector<16xi32>
      %and3A_535 = arith.andi %get3A_531, %and3A_534 : vector<16xi32>
      tpu.vector_store_idx %arg7[%shift_right_arithmetic3A_533, %and3A_535], %broadcast_in_dim3A_3 : memref<256x256xf32, #tpu.memory_space<vmem>>[vector<16xi32>, vector<16xi32>], vector<16xf32>,
    }
    %scan3A_299 = arith.constant 32 : i32
    %scan3A_300 = arith.constant 0 : i32
    %scan3A_301 = arith.constant 0 : i32
    %scan3A_302 = arith.constant 32 : i32
    %scan3A_303 = arith.addi %scan3A_301, %scan3A_302 : i32
    %scan3A_304 = arith.constant 1 : i32
    scf.for %scan3A_528 = %scan3A_301 to %scan3A_303 step %scan3A_304  : i32 {
      %mul3A_529 = arith.constant 16 : i32
      %mul3A_530 = arith.muli %scan3A_528, %mul3A_529 : i32
      %get3A = arith.index_cast %mul3A_530 : i32 to index
      %get3A_531 = tpu.vector_load %arg9[%get3A] {strides = array<i32>} : memref<512xi32, #tpu.memory_space<vmem>>, vector<16xi32>,
      %shift_right_arithmetic3A = arith.constant 8 : i32
      %shift_right_arithmetic3A_532 = vector.broadcast %shift_right_arithmetic3A : i32 to vector<16xi32>
      %shift_right_arithmetic3A_533 = arith.shrsi %get3A_531, %shift_right_arithmetic3A_532 : vector<16xi32>
      %and3A = arith.constant 255 : i32
      %and3A_534 = vector.broadcast %and3A : i32 to vector<16xi32>
      %and3A_535 = arith.andi %get3A_531, %and3A_534 : vector<16xi32>
      %get3A_536 = arith.index_cast %mul3A_530 : i32 to index
      %get3A_537 = tpu.vector_load %arg11[%get3A_536] {strides = array<i32>} : memref<512xf32, #tpu.memory_space<vmem>>, vector<16xf32>,
      tpu.vector_store_idx %arg7[%shift_right_arithmetic3A_533, %and3A_535], %get3A_537 : memref<256x256xf32, #tpu.memory_space<vmem>>[vector<16xi32>, vector<16xi32>], vector<16xf32>,
    }
    %scan3A_305 = arith.constant 32 : i32
    %dma_start3A_306 = arith.constant 9 : i32
    %dma_start3A_307 = arith.constant 0 : i32
    %dma_start3A_308 = arith.constant 0 : i32
    %dma_start3A_309 = tpu.memref_slice %arg6[%dma_start3A_306, %add3A_2, %dma_start3A_307, %dma_start3A_308] : memref<16x52x256x256xf32, #tpu.memory_space<hbm>> -> memref<1x1x256x256xf32, #tpu.memory_space<hbm>>
    %dma_start3A_310 = tpu.memref_squeeze %dma_start3A_309 : memref<1x1x256x256xf32, #tpu.memory_space<hbm>> -> memref<256x256xf32, #tpu.memory_space<hbm>>
    %dma_start3A_311 = arith.constant 0 : i32
    %dma_start3A_312 = arith.constant 0 : i32
    %dma_start3A_313 = tpu.memref_slice %arg6[%dma_start3A_306, %add3A_2, %dma_start3A_311, %dma_start3A_312] : memref<16x52x256x256xf32, #tpu.memory_space<hbm>> -> memref<1x1x256x256xf32, #tpu.memory_space<hbm>>
    %dma_start3A_314 = tpu.memref_squeeze %dma_start3A_313 : memref<1x1x256x256xf32, #tpu.memory_space<hbm>> -> memref<256x256xf32, #tpu.memory_space<hbm>>
    tpu.enqueue_dma source(%arg7 : memref<256x256xf32, #tpu.memory_space<vmem>>) target(%dma_start3A_314 : memref<256x256xf32, #tpu.memory_space<hbm>>) target_semaphore(%arg12 : memref<!tpu.dma_semaphore, #tpu.memory_space<semaphore_mem>>)
    %run_scoped3A_315 = arith.constant 10 : i32
    %run_scoped3A_316 = arith.constant 0 : i32
    "tpu.region"() ({
      %run_scoped3A_528 = tpu.sem_alloc : memref<!tpu.dma_semaphore, #tpu.memory_space<semaphore_mem>>
      %dma_start3A_529 = arith.constant 0 : i32
      %dma_start3A_530 = tpu.memref_slice %arg3[%run_scoped3A_315, %run_scoped3A_316, %dma_start3A_529] : memref<16x1x512xi32, #tpu.memory_space<hbm>> -> memref<1x1x512xi32, #tpu.memory_space<hbm>>
      %dma_start3A_531 = tpu.memref_squeeze %dma_start3A_530 : memref<1x1x512xi32, #tpu.memory_space<hbm>> -> memref<512xi32, #tpu.memory_space<hbm>>
      %dma_start3A_532 = arith.constant 0 : i32
      %dma_start3A_533 = tpu.memref_slice %arg3[%run_scoped3A_315, %run_scoped3A_316, %dma_start3A_532] : memref<16x1x512xi32, #tpu.memory_space<hbm>> -> memref<1x1x512xi32, #tpu.memory_space<hbm>>
      %dma_start3A_534 = tpu.memref_squeeze %dma_start3A_533 : memref<1x1x512xi32, #tpu.memory_space<hbm>> -> memref<512xi32, #tpu.memory_space<hbm>>
      tpu.enqueue_dma source(%dma_start3A_534 : memref<512xi32, #tpu.memory_space<hbm>>) target(%arg8 : memref<512xi32, #tpu.memory_space<vmem>>) target_semaphore(%run_scoped3A_528 : memref<!tpu.dma_semaphore, #tpu.memory_space<semaphore_mem>>)
      %dma_wait3A_535 = arith.constant 0 : i32
      %dma_wait3A_536 = tpu.memref_slice %arg3[%run_scoped3A_315, %run_scoped3A_316, %dma_wait3A_535] : memref<16x1x512xi32, #tpu.memory_space<hbm>> -> memref<1x1x512xi32, #tpu.memory_space<hbm>>
      %dma_wait3A_537 = tpu.memref_squeeze %dma_wait3A_536 : memref<1x1x512xi32, #tpu.memory_space<hbm>> -> memref<512xi32, #tpu.memory_space<hbm>>
      %dma_wait3A_538 = arith.constant 0 : i32
      %dma_wait3A_539 = tpu.memref_slice %arg3[%run_scoped3A_315, %run_scoped3A_316, %dma_wait3A_538] : memref<16x1x512xi32, #tpu.memory_space<hbm>> -> memref<1x1x512xi32, #tpu.memory_space<hbm>>
      %dma_wait3A_540 = tpu.memref_squeeze %dma_wait3A_539 : memref<1x1x512xi32, #tpu.memory_space<hbm>> -> memref<512xi32, #tpu.memory_space<hbm>>
      tpu.wait_dma2 semaphore(%run_scoped3A_528 : memref<!tpu.dma_semaphore, #tpu.memory_space<semaphore_mem>>) src(%dma_wait3A_540 : memref<512xi32, #tpu.memory_space<hbm>>) dst(%arg8 : memref<512xi32, #tpu.memory_space<vmem>>)
      tpu.yield
    }) : () -> ()
    %run_scoped3A_317 = arith.constant 10 : i32
    "tpu.region"() ({
      %run_scoped3A_528 = tpu.sem_alloc : memref<!tpu.dma_semaphore, #tpu.memory_space<semaphore_mem>>
      %dma_start3A_529 = arith.constant 0 : i32
      %dma_start3A_530 = tpu.memref_slice %arg4[%run_scoped3A_317, %add3A, %dma_start3A_529] : memref<16x32x512xf32, #tpu.memory_space<hbm>> -> memref<1x1x512xf32, #tpu.memory_space<hbm>>
      %dma_start3A_531 = tpu.memref_squeeze %dma_start3A_530 : memref<1x1x512xf32, #tpu.memory_space<hbm>> -> memref<512xf32, #tpu.memory_space<hbm>>
      %dma_start3A_532 = arith.constant 0 : i32
      %dma_start3A_533 = tpu.memref_slice %arg4[%run_scoped3A_317, %add3A, %dma_start3A_532] : memref<16x32x512xf32, #tpu.memory_space<hbm>> -> memref<1x1x512xf32, #tpu.memory_space<hbm>>
      %dma_start3A_534 = tpu.memref_squeeze %dma_start3A_533 : memref<1x1x512xf32, #tpu.memory_space<hbm>> -> memref<512xf32, #tpu.memory_space<hbm>>
      tpu.enqueue_dma source(%dma_start3A_534 : memref<512xf32, #tpu.memory_space<hbm>>) target(%arg10 : memref<512xf32, #tpu.memory_space<vmem>>) target_semaphore(%run_scoped3A_528 : memref<!tpu.dma_semaphore, #tpu.memory_space<semaphore_mem>>)
      %dma_wait3A_535 = arith.constant 0 : i32
      %dma_wait3A_536 = tpu.memref_slice %arg4[%run_scoped3A_317, %add3A, %dma_wait3A_535] : memref<16x32x512xf32, #tpu.memory_space<hbm>> -> memref<1x1x512xf32, #tpu.memory_space<hbm>>
      %dma_wait3A_537 = tpu.memref_squeeze %dma_wait3A_536 : memref<1x1x512xf32, #tpu.memory_space<hbm>> -> memref<512xf32, #tpu.memory_space<hbm>>
      %dma_wait3A_538 = arith.constant 0 : i32
      %dma_wait3A_539 = tpu.memref_slice %arg4[%run_scoped3A_317, %add3A, %dma_wait3A_538] : memref<16x32x512xf32, #tpu.memory_space<hbm>> -> memref<1x1x512xf32, #tpu.memory_space<hbm>>
      %dma_wait3A_540 = tpu.memref_squeeze %dma_wait3A_539 : memref<1x1x512xf32, #tpu.memory_space<hbm>> -> memref<512xf32, #tpu.memory_space<hbm>>
      tpu.wait_dma2 semaphore(%run_scoped3A_528 : memref<!tpu.dma_semaphore, #tpu.memory_space<semaphore_mem>>) src(%dma_wait3A_540 : memref<512xf32, #tpu.memory_space<hbm>>) dst(%arg10 : memref<512xf32, #tpu.memory_space<vmem>>)
      tpu.yield
    }) : () -> ()
    %dma_wait3A_318 = arith.constant 9 : i32
    %dma_wait3A_319 = arith.constant 0 : i32
    %dma_wait3A_320 = arith.constant 0 : i32
    %dma_wait3A_321 = tpu.memref_slice %arg6[%dma_wait3A_318, %add3A_2, %dma_wait3A_319, %dma_wait3A_320] : memref<16x52x256x256xf32, #tpu.memory_space<hbm>> -> memref<1x1x256x256xf32, #tpu.memory_space<hbm>>
    %dma_wait3A_322 = tpu.memref_squeeze %dma_wait3A_321 : memref<1x1x256x256xf32, #tpu.memory_space<hbm>> -> memref<256x256xf32, #tpu.memory_space<hbm>>
    %dma_wait3A_323 = arith.constant 0 : i32
    %dma_wait3A_324 = arith.constant 0 : i32
    %dma_wait3A_325 = tpu.memref_slice %arg6[%dma_wait3A_318, %add3A_2, %dma_wait3A_323, %dma_wait3A_324] : memref<16x52x256x256xf32, #tpu.memory_space<hbm>> -> memref<1x1x256x256xf32, #tpu.memory_space<hbm>>
    %dma_wait3A_326 = tpu.memref_squeeze %dma_wait3A_325 : memref<1x1x256x256xf32, #tpu.memory_space<hbm>> -> memref<256x256xf32, #tpu.memory_space<hbm>>
    tpu.wait_dma2 semaphore(%arg12 : memref<!tpu.dma_semaphore, #tpu.memory_space<semaphore_mem>>) src(%arg7 : memref<256x256xf32, #tpu.memory_space<vmem>>) dst(%dma_wait3A_326 : memref<256x256xf32, #tpu.memory_space<hbm>>)
    %scan3A_327 = arith.constant 0 : i32
    %scan3A_328 = arith.constant 0 : i32
    %scan3A_329 = arith.constant 32 : i32
    %scan3A_330 = arith.addi %scan3A_328, %scan3A_329 : i32
    %scan3A_331 = arith.constant 1 : i32
    scf.for %scan3A_528 = %scan3A_328 to %scan3A_330 step %scan3A_331  : i32 {
      %mul3A_529 = arith.constant 16 : i32
      %mul3A_530 = arith.muli %scan3A_528, %mul3A_529 : i32
      %get3A = arith.index_cast %mul3A_530 : i32 to index
      %get3A_531 = tpu.vector_load %arg9[%get3A] {strides = array<i32>} : memref<512xi32, #tpu.memory_space<vmem>>, vector<16xi32>,
      %shift_right_arithmetic3A = arith.constant 8 : i32
      %shift_right_arithmetic3A_532 = vector.broadcast %shift_right_arithmetic3A : i32 to vector<16xi32>
      %shift_right_arithmetic3A_533 = arith.shrsi %get3A_531, %shift_right_arithmetic3A_532 : vector<16xi32>
      %and3A = arith.constant 255 : i32
      %and3A_534 = vector.broadcast %and3A : i32 to vector<16xi32>
      %and3A_535 = arith.andi %get3A_531, %and3A_534 : vector<16xi32>
      tpu.vector_store_idx %arg7[%shift_right_arithmetic3A_533, %and3A_535], %broadcast_in_dim3A_3 : memref<256x256xf32, #tpu.memory_space<vmem>>[vector<16xi32>, vector<16xi32>], vector<16xf32>,
    }
    %scan3A_332 = arith.constant 32 : i32
    %scan3A_333 = arith.constant 0 : i32
    %scan3A_334 = arith.constant 0 : i32
    %scan3A_335 = arith.constant 32 : i32
    %scan3A_336 = arith.addi %scan3A_334, %scan3A_335 : i32
    %scan3A_337 = arith.constant 1 : i32
    scf.for %scan3A_528 = %scan3A_334 to %scan3A_336 step %scan3A_337  : i32 {
      %mul3A_529 = arith.constant 16 : i32
      %mul3A_530 = arith.muli %scan3A_528, %mul3A_529 : i32
      %get3A = arith.index_cast %mul3A_530 : i32 to index
      %get3A_531 = tpu.vector_load %arg8[%get3A] {strides = array<i32>} : memref<512xi32, #tpu.memory_space<vmem>>, vector<16xi32>,
      %shift_right_arithmetic3A = arith.constant 8 : i32
      %shift_right_arithmetic3A_532 = vector.broadcast %shift_right_arithmetic3A : i32 to vector<16xi32>
      %shift_right_arithmetic3A_533 = arith.shrsi %get3A_531, %shift_right_arithmetic3A_532 : vector<16xi32>
      %and3A = arith.constant 255 : i32
      %and3A_534 = vector.broadcast %and3A : i32 to vector<16xi32>
      %and3A_535 = arith.andi %get3A_531, %and3A_534 : vector<16xi32>
      %get3A_536 = arith.index_cast %mul3A_530 : i32 to index
      %get3A_537 = tpu.vector_load %arg10[%get3A_536] {strides = array<i32>} : memref<512xf32, #tpu.memory_space<vmem>>, vector<16xf32>,
      tpu.vector_store_idx %arg7[%shift_right_arithmetic3A_533, %and3A_535], %get3A_537 : memref<256x256xf32, #tpu.memory_space<vmem>>[vector<16xi32>, vector<16xi32>], vector<16xf32>,
    }
    %scan3A_338 = arith.constant 32 : i32
    %dma_start3A_339 = arith.constant 10 : i32
    %dma_start3A_340 = arith.constant 0 : i32
    %dma_start3A_341 = arith.constant 0 : i32
    %dma_start3A_342 = tpu.memref_slice %arg6[%dma_start3A_339, %add3A_2, %dma_start3A_340, %dma_start3A_341] : memref<16x52x256x256xf32, #tpu.memory_space<hbm>> -> memref<1x1x256x256xf32, #tpu.memory_space<hbm>>
    %dma_start3A_343 = tpu.memref_squeeze %dma_start3A_342 : memref<1x1x256x256xf32, #tpu.memory_space<hbm>> -> memref<256x256xf32, #tpu.memory_space<hbm>>
    %dma_start3A_344 = arith.constant 0 : i32
    %dma_start3A_345 = arith.constant 0 : i32
    %dma_start3A_346 = tpu.memref_slice %arg6[%dma_start3A_339, %add3A_2, %dma_start3A_344, %dma_start3A_345] : memref<16x52x256x256xf32, #tpu.memory_space<hbm>> -> memref<1x1x256x256xf32, #tpu.memory_space<hbm>>
    %dma_start3A_347 = tpu.memref_squeeze %dma_start3A_346 : memref<1x1x256x256xf32, #tpu.memory_space<hbm>> -> memref<256x256xf32, #tpu.memory_space<hbm>>
    tpu.enqueue_dma source(%arg7 : memref<256x256xf32, #tpu.memory_space<vmem>>) target(%dma_start3A_347 : memref<256x256xf32, #tpu.memory_space<hbm>>) target_semaphore(%arg12 : memref<!tpu.dma_semaphore, #tpu.memory_space<semaphore_mem>>)
    %run_scoped3A_348 = arith.constant 11 : i32
    %run_scoped3A_349 = arith.constant 0 : i32
    "tpu.region"() ({
      %run_scoped3A_528 = tpu.sem_alloc : memref<!tpu.dma_semaphore, #tpu.memory_space<semaphore_mem>>
      %dma_start3A_529 = arith.constant 0 : i32
      %dma_start3A_530 = tpu.memref_slice %arg3[%run_scoped3A_348, %run_scoped3A_349, %dma_start3A_529] : memref<16x1x512xi32, #tpu.memory_space<hbm>> -> memref<1x1x512xi32, #tpu.memory_space<hbm>>
      %dma_start3A_531 = tpu.memref_squeeze %dma_start3A_530 : memref<1x1x512xi32, #tpu.memory_space<hbm>> -> memref<512xi32, #tpu.memory_space<hbm>>
      %dma_start3A_532 = arith.constant 0 : i32
      %dma_start3A_533 = tpu.memref_slice %arg3[%run_scoped3A_348, %run_scoped3A_349, %dma_start3A_532] : memref<16x1x512xi32, #tpu.memory_space<hbm>> -> memref<1x1x512xi32, #tpu.memory_space<hbm>>
      %dma_start3A_534 = tpu.memref_squeeze %dma_start3A_533 : memref<1x1x512xi32, #tpu.memory_space<hbm>> -> memref<512xi32, #tpu.memory_space<hbm>>
      tpu.enqueue_dma source(%dma_start3A_534 : memref<512xi32, #tpu.memory_space<hbm>>) target(%arg9 : memref<512xi32, #tpu.memory_space<vmem>>) target_semaphore(%run_scoped3A_528 : memref<!tpu.dma_semaphore, #tpu.memory_space<semaphore_mem>>)
      %dma_wait3A_535 = arith.constant 0 : i32
      %dma_wait3A_536 = tpu.memref_slice %arg3[%run_scoped3A_348, %run_scoped3A_349, %dma_wait3A_535] : memref<16x1x512xi32, #tpu.memory_space<hbm>> -> memref<1x1x512xi32, #tpu.memory_space<hbm>>
      %dma_wait3A_537 = tpu.memref_squeeze %dma_wait3A_536 : memref<1x1x512xi32, #tpu.memory_space<hbm>> -> memref<512xi32, #tpu.memory_space<hbm>>
      %dma_wait3A_538 = arith.constant 0 : i32
      %dma_wait3A_539 = tpu.memref_slice %arg3[%run_scoped3A_348, %run_scoped3A_349, %dma_wait3A_538] : memref<16x1x512xi32, #tpu.memory_space<hbm>> -> memref<1x1x512xi32, #tpu.memory_space<hbm>>
      %dma_wait3A_540 = tpu.memref_squeeze %dma_wait3A_539 : memref<1x1x512xi32, #tpu.memory_space<hbm>> -> memref<512xi32, #tpu.memory_space<hbm>>
      tpu.wait_dma2 semaphore(%run_scoped3A_528 : memref<!tpu.dma_semaphore, #tpu.memory_space<semaphore_mem>>) src(%dma_wait3A_540 : memref<512xi32, #tpu.memory_space<hbm>>) dst(%arg9 : memref<512xi32, #tpu.memory_space<vmem>>)
      tpu.yield
    }) : () -> ()
    %run_scoped3A_350 = arith.constant 11 : i32
    "tpu.region"() ({
      %run_scoped3A_528 = tpu.sem_alloc : memref<!tpu.dma_semaphore, #tpu.memory_space<semaphore_mem>>
      %dma_start3A_529 = arith.constant 0 : i32
      %dma_start3A_530 = tpu.memref_slice %arg4[%run_scoped3A_350, %add3A, %dma_start3A_529] : memref<16x32x512xf32, #tpu.memory_space<hbm>> -> memref<1x1x512xf32, #tpu.memory_space<hbm>>
      %dma_start3A_531 = tpu.memref_squeeze %dma_start3A_530 : memref<1x1x512xf32, #tpu.memory_space<hbm>> -> memref<512xf32, #tpu.memory_space<hbm>>
      %dma_start3A_532 = arith.constant 0 : i32
      %dma_start3A_533 = tpu.memref_slice %arg4[%run_scoped3A_350, %add3A, %dma_start3A_532] : memref<16x32x512xf32, #tpu.memory_space<hbm>> -> memref<1x1x512xf32, #tpu.memory_space<hbm>>
      %dma_start3A_534 = tpu.memref_squeeze %dma_start3A_533 : memref<1x1x512xf32, #tpu.memory_space<hbm>> -> memref<512xf32, #tpu.memory_space<hbm>>
      tpu.enqueue_dma source(%dma_start3A_534 : memref<512xf32, #tpu.memory_space<hbm>>) target(%arg11 : memref<512xf32, #tpu.memory_space<vmem>>) target_semaphore(%run_scoped3A_528 : memref<!tpu.dma_semaphore, #tpu.memory_space<semaphore_mem>>)
      %dma_wait3A_535 = arith.constant 0 : i32
      %dma_wait3A_536 = tpu.memref_slice %arg4[%run_scoped3A_350, %add3A, %dma_wait3A_535] : memref<16x32x512xf32, #tpu.memory_space<hbm>> -> memref<1x1x512xf32, #tpu.memory_space<hbm>>
      %dma_wait3A_537 = tpu.memref_squeeze %dma_wait3A_536 : memref<1x1x512xf32, #tpu.memory_space<hbm>> -> memref<512xf32, #tpu.memory_space<hbm>>
      %dma_wait3A_538 = arith.constant 0 : i32
      %dma_wait3A_539 = tpu.memref_slice %arg4[%run_scoped3A_350, %add3A, %dma_wait3A_538] : memref<16x32x512xf32, #tpu.memory_space<hbm>> -> memref<1x1x512xf32, #tpu.memory_space<hbm>>
      %dma_wait3A_540 = tpu.memref_squeeze %dma_wait3A_539 : memref<1x1x512xf32, #tpu.memory_space<hbm>> -> memref<512xf32, #tpu.memory_space<hbm>>
      tpu.wait_dma2 semaphore(%run_scoped3A_528 : memref<!tpu.dma_semaphore, #tpu.memory_space<semaphore_mem>>) src(%dma_wait3A_540 : memref<512xf32, #tpu.memory_space<hbm>>) dst(%arg11 : memref<512xf32, #tpu.memory_space<vmem>>)
      tpu.yield
    }) : () -> ()
    %dma_wait3A_351 = arith.constant 10 : i32
    %dma_wait3A_352 = arith.constant 0 : i32
    %dma_wait3A_353 = arith.constant 0 : i32
    %dma_wait3A_354 = tpu.memref_slice %arg6[%dma_wait3A_351, %add3A_2, %dma_wait3A_352, %dma_wait3A_353] : memref<16x52x256x256xf32, #tpu.memory_space<hbm>> -> memref<1x1x256x256xf32, #tpu.memory_space<hbm>>
    %dma_wait3A_355 = tpu.memref_squeeze %dma_wait3A_354 : memref<1x1x256x256xf32, #tpu.memory_space<hbm>> -> memref<256x256xf32, #tpu.memory_space<hbm>>
    %dma_wait3A_356 = arith.constant 0 : i32
    %dma_wait3A_357 = arith.constant 0 : i32
    %dma_wait3A_358 = tpu.memref_slice %arg6[%dma_wait3A_351, %add3A_2, %dma_wait3A_356, %dma_wait3A_357] : memref<16x52x256x256xf32, #tpu.memory_space<hbm>> -> memref<1x1x256x256xf32, #tpu.memory_space<hbm>>
    %dma_wait3A_359 = tpu.memref_squeeze %dma_wait3A_358 : memref<1x1x256x256xf32, #tpu.memory_space<hbm>> -> memref<256x256xf32, #tpu.memory_space<hbm>>
    tpu.wait_dma2 semaphore(%arg12 : memref<!tpu.dma_semaphore, #tpu.memory_space<semaphore_mem>>) src(%arg7 : memref<256x256xf32, #tpu.memory_space<vmem>>) dst(%dma_wait3A_359 : memref<256x256xf32, #tpu.memory_space<hbm>>)
    %scan3A_360 = arith.constant 0 : i32
    %scan3A_361 = arith.constant 0 : i32
    %scan3A_362 = arith.constant 32 : i32
    %scan3A_363 = arith.addi %scan3A_361, %scan3A_362 : i32
    %scan3A_364 = arith.constant 1 : i32
    scf.for %scan3A_528 = %scan3A_361 to %scan3A_363 step %scan3A_364  : i32 {
      %mul3A_529 = arith.constant 16 : i32
      %mul3A_530 = arith.muli %scan3A_528, %mul3A_529 : i32
      %get3A = arith.index_cast %mul3A_530 : i32 to index
      %get3A_531 = tpu.vector_load %arg8[%get3A] {strides = array<i32>} : memref<512xi32, #tpu.memory_space<vmem>>, vector<16xi32>,
      %shift_right_arithmetic3A = arith.constant 8 : i32
      %shift_right_arithmetic3A_532 = vector.broadcast %shift_right_arithmetic3A : i32 to vector<16xi32>
      %shift_right_arithmetic3A_533 = arith.shrsi %get3A_531, %shift_right_arithmetic3A_532 : vector<16xi32>
      %and3A = arith.constant 255 : i32
      %and3A_534 = vector.broadcast %and3A : i32 to vector<16xi32>
      %and3A_535 = arith.andi %get3A_531, %and3A_534 : vector<16xi32>
      tpu.vector_store_idx %arg7[%shift_right_arithmetic3A_533, %and3A_535], %broadcast_in_dim3A_3 : memref<256x256xf32, #tpu.memory_space<vmem>>[vector<16xi32>, vector<16xi32>], vector<16xf32>,
    }
    %scan3A_365 = arith.constant 32 : i32
    %scan3A_366 = arith.constant 0 : i32
    %scan3A_367 = arith.constant 0 : i32
    %scan3A_368 = arith.constant 32 : i32
    %scan3A_369 = arith.addi %scan3A_367, %scan3A_368 : i32
    %scan3A_370 = arith.constant 1 : i32
    scf.for %scan3A_528 = %scan3A_367 to %scan3A_369 step %scan3A_370  : i32 {
      %mul3A_529 = arith.constant 16 : i32
      %mul3A_530 = arith.muli %scan3A_528, %mul3A_529 : i32
      %get3A = arith.index_cast %mul3A_530 : i32 to index
      %get3A_531 = tpu.vector_load %arg9[%get3A] {strides = array<i32>} : memref<512xi32, #tpu.memory_space<vmem>>, vector<16xi32>,
      %shift_right_arithmetic3A = arith.constant 8 : i32
      %shift_right_arithmetic3A_532 = vector.broadcast %shift_right_arithmetic3A : i32 to vector<16xi32>
      %shift_right_arithmetic3A_533 = arith.shrsi %get3A_531, %shift_right_arithmetic3A_532 : vector<16xi32>
      %and3A = arith.constant 255 : i32
      %and3A_534 = vector.broadcast %and3A : i32 to vector<16xi32>
      %and3A_535 = arith.andi %get3A_531, %and3A_534 : vector<16xi32>
      %get3A_536 = arith.index_cast %mul3A_530 : i32 to index
      %get3A_537 = tpu.vector_load %arg11[%get3A_536] {strides = array<i32>} : memref<512xf32, #tpu.memory_space<vmem>>, vector<16xf32>,
      tpu.vector_store_idx %arg7[%shift_right_arithmetic3A_533, %and3A_535], %get3A_537 : memref<256x256xf32, #tpu.memory_space<vmem>>[vector<16xi32>, vector<16xi32>], vector<16xf32>,
    }
    %scan3A_371 = arith.constant 32 : i32
    %dma_start3A_372 = arith.constant 11 : i32
    %dma_start3A_373 = arith.constant 0 : i32
    %dma_start3A_374 = arith.constant 0 : i32
    %dma_start3A_375 = tpu.memref_slice %arg6[%dma_start3A_372, %add3A_2, %dma_start3A_373, %dma_start3A_374] : memref<16x52x256x256xf32, #tpu.memory_space<hbm>> -> memref<1x1x256x256xf32, #tpu.memory_space<hbm>>
    %dma_start3A_376 = tpu.memref_squeeze %dma_start3A_375 : memref<1x1x256x256xf32, #tpu.memory_space<hbm>> -> memref<256x256xf32, #tpu.memory_space<hbm>>
    %dma_start3A_377 = arith.constant 0 : i32
    %dma_start3A_378 = arith.constant 0 : i32
    %dma_start3A_379 = tpu.memref_slice %arg6[%dma_start3A_372, %add3A_2, %dma_start3A_377, %dma_start3A_378] : memref<16x52x256x256xf32, #tpu.memory_space<hbm>> -> memref<1x1x256x256xf32, #tpu.memory_space<hbm>>
    %dma_start3A_380 = tpu.memref_squeeze %dma_start3A_379 : memref<1x1x256x256xf32, #tpu.memory_space<hbm>> -> memref<256x256xf32, #tpu.memory_space<hbm>>
    tpu.enqueue_dma source(%arg7 : memref<256x256xf32, #tpu.memory_space<vmem>>) target(%dma_start3A_380 : memref<256x256xf32, #tpu.memory_space<hbm>>) target_semaphore(%arg12 : memref<!tpu.dma_semaphore, #tpu.memory_space<semaphore_mem>>)
    %run_scoped3A_381 = arith.constant 12 : i32
    %run_scoped3A_382 = arith.constant 0 : i32
    "tpu.region"() ({
      %run_scoped3A_528 = tpu.sem_alloc : memref<!tpu.dma_semaphore, #tpu.memory_space<semaphore_mem>>
      %dma_start3A_529 = arith.constant 0 : i32
      %dma_start3A_530 = tpu.memref_slice %arg3[%run_scoped3A_381, %run_scoped3A_382, %dma_start3A_529] : memref<16x1x512xi32, #tpu.memory_space<hbm>> -> memref<1x1x512xi32, #tpu.memory_space<hbm>>
      %dma_start3A_531 = tpu.memref_squeeze %dma_start3A_530 : memref<1x1x512xi32, #tpu.memory_space<hbm>> -> memref<512xi32, #tpu.memory_space<hbm>>
      %dma_start3A_532 = arith.constant 0 : i32
      %dma_start3A_533 = tpu.memref_slice %arg3[%run_scoped3A_381, %run_scoped3A_382, %dma_start3A_532] : memref<16x1x512xi32, #tpu.memory_space<hbm>> -> memref<1x1x512xi32, #tpu.memory_space<hbm>>
      %dma_start3A_534 = tpu.memref_squeeze %dma_start3A_533 : memref<1x1x512xi32, #tpu.memory_space<hbm>> -> memref<512xi32, #tpu.memory_space<hbm>>
      tpu.enqueue_dma source(%dma_start3A_534 : memref<512xi32, #tpu.memory_space<hbm>>) target(%arg8 : memref<512xi32, #tpu.memory_space<vmem>>) target_semaphore(%run_scoped3A_528 : memref<!tpu.dma_semaphore, #tpu.memory_space<semaphore_mem>>)
      %dma_wait3A_535 = arith.constant 0 : i32
      %dma_wait3A_536 = tpu.memref_slice %arg3[%run_scoped3A_381, %run_scoped3A_382, %dma_wait3A_535] : memref<16x1x512xi32, #tpu.memory_space<hbm>> -> memref<1x1x512xi32, #tpu.memory_space<hbm>>
      %dma_wait3A_537 = tpu.memref_squeeze %dma_wait3A_536 : memref<1x1x512xi32, #tpu.memory_space<hbm>> -> memref<512xi32, #tpu.memory_space<hbm>>
      %dma_wait3A_538 = arith.constant 0 : i32
      %dma_wait3A_539 = tpu.memref_slice %arg3[%run_scoped3A_381, %run_scoped3A_382, %dma_wait3A_538] : memref<16x1x512xi32, #tpu.memory_space<hbm>> -> memref<1x1x512xi32, #tpu.memory_space<hbm>>
      %dma_wait3A_540 = tpu.memref_squeeze %dma_wait3A_539 : memref<1x1x512xi32, #tpu.memory_space<hbm>> -> memref<512xi32, #tpu.memory_space<hbm>>
      tpu.wait_dma2 semaphore(%run_scoped3A_528 : memref<!tpu.dma_semaphore, #tpu.memory_space<semaphore_mem>>) src(%dma_wait3A_540 : memref<512xi32, #tpu.memory_space<hbm>>) dst(%arg8 : memref<512xi32, #tpu.memory_space<vmem>>)
      tpu.yield
    }) : () -> ()
    %run_scoped3A_383 = arith.constant 12 : i32
    "tpu.region"() ({
      %run_scoped3A_528 = tpu.sem_alloc : memref<!tpu.dma_semaphore, #tpu.memory_space<semaphore_mem>>
      %dma_start3A_529 = arith.constant 0 : i32
      %dma_start3A_530 = tpu.memref_slice %arg4[%run_scoped3A_383, %add3A, %dma_start3A_529] : memref<16x32x512xf32, #tpu.memory_space<hbm>> -> memref<1x1x512xf32, #tpu.memory_space<hbm>>
      %dma_start3A_531 = tpu.memref_squeeze %dma_start3A_530 : memref<1x1x512xf32, #tpu.memory_space<hbm>> -> memref<512xf32, #tpu.memory_space<hbm>>
      %dma_start3A_532 = arith.constant 0 : i32
      %dma_start3A_533 = tpu.memref_slice %arg4[%run_scoped3A_383, %add3A, %dma_start3A_532] : memref<16x32x512xf32, #tpu.memory_space<hbm>> -> memref<1x1x512xf32, #tpu.memory_space<hbm>>
      %dma_start3A_534 = tpu.memref_squeeze %dma_start3A_533 : memref<1x1x512xf32, #tpu.memory_space<hbm>> -> memref<512xf32, #tpu.memory_space<hbm>>
      tpu.enqueue_dma source(%dma_start3A_534 : memref<512xf32, #tpu.memory_space<hbm>>) target(%arg10 : memref<512xf32, #tpu.memory_space<vmem>>) target_semaphore(%run_scoped3A_528 : memref<!tpu.dma_semaphore, #tpu.memory_space<semaphore_mem>>)
      %dma_wait3A_535 = arith.constant 0 : i32
      %dma_wait3A_536 = tpu.memref_slice %arg4[%run_scoped3A_383, %add3A, %dma_wait3A_535] : memref<16x32x512xf32, #tpu.memory_space<hbm>> -> memref<1x1x512xf32, #tpu.memory_space<hbm>>
      %dma_wait3A_537 = tpu.memref_squeeze %dma_wait3A_536 : memref<1x1x512xf32, #tpu.memory_space<hbm>> -> memref<512xf32, #tpu.memory_space<hbm>>
      %dma_wait3A_538 = arith.constant 0 : i32
      %dma_wait3A_539 = tpu.memref_slice %arg4[%run_scoped3A_383, %add3A, %dma_wait3A_538] : memref<16x32x512xf32, #tpu.memory_space<hbm>> -> memref<1x1x512xf32, #tpu.memory_space<hbm>>
      %dma_wait3A_540 = tpu.memref_squeeze %dma_wait3A_539 : memref<1x1x512xf32, #tpu.memory_space<hbm>> -> memref<512xf32, #tpu.memory_space<hbm>>
      tpu.wait_dma2 semaphore(%run_scoped3A_528 : memref<!tpu.dma_semaphore, #tpu.memory_space<semaphore_mem>>) src(%dma_wait3A_540 : memref<512xf32, #tpu.memory_space<hbm>>) dst(%arg10 : memref<512xf32, #tpu.memory_space<vmem>>)
      tpu.yield
    }) : () -> ()
    %dma_wait3A_384 = arith.constant 11 : i32
    %dma_wait3A_385 = arith.constant 0 : i32
    %dma_wait3A_386 = arith.constant 0 : i32
    %dma_wait3A_387 = tpu.memref_slice %arg6[%dma_wait3A_384, %add3A_2, %dma_wait3A_385, %dma_wait3A_386] : memref<16x52x256x256xf32, #tpu.memory_space<hbm>> -> memref<1x1x256x256xf32, #tpu.memory_space<hbm>>
    %dma_wait3A_388 = tpu.memref_squeeze %dma_wait3A_387 : memref<1x1x256x256xf32, #tpu.memory_space<hbm>> -> memref<256x256xf32, #tpu.memory_space<hbm>>
    %dma_wait3A_389 = arith.constant 0 : i32
    %dma_wait3A_390 = arith.constant 0 : i32
    %dma_wait3A_391 = tpu.memref_slice %arg6[%dma_wait3A_384, %add3A_2, %dma_wait3A_389, %dma_wait3A_390] : memref<16x52x256x256xf32, #tpu.memory_space<hbm>> -> memref<1x1x256x256xf32, #tpu.memory_space<hbm>>
    %dma_wait3A_392 = tpu.memref_squeeze %dma_wait3A_391 : memref<1x1x256x256xf32, #tpu.memory_space<hbm>> -> memref<256x256xf32, #tpu.memory_space<hbm>>
    tpu.wait_dma2 semaphore(%arg12 : memref<!tpu.dma_semaphore, #tpu.memory_space<semaphore_mem>>) src(%arg7 : memref<256x256xf32, #tpu.memory_space<vmem>>) dst(%dma_wait3A_392 : memref<256x256xf32, #tpu.memory_space<hbm>>)
    %scan3A_393 = arith.constant 0 : i32
    %scan3A_394 = arith.constant 0 : i32
    %scan3A_395 = arith.constant 32 : i32
    %scan3A_396 = arith.addi %scan3A_394, %scan3A_395 : i32
    %scan3A_397 = arith.constant 1 : i32
    scf.for %scan3A_528 = %scan3A_394 to %scan3A_396 step %scan3A_397  : i32 {
      %mul3A_529 = arith.constant 16 : i32
      %mul3A_530 = arith.muli %scan3A_528, %mul3A_529 : i32
      %get3A = arith.index_cast %mul3A_530 : i32 to index
      %get3A_531 = tpu.vector_load %arg9[%get3A] {strides = array<i32>} : memref<512xi32, #tpu.memory_space<vmem>>, vector<16xi32>,
      %shift_right_arithmetic3A = arith.constant 8 : i32
      %shift_right_arithmetic3A_532 = vector.broadcast %shift_right_arithmetic3A : i32 to vector<16xi32>
      %shift_right_arithmetic3A_533 = arith.shrsi %get3A_531, %shift_right_arithmetic3A_532 : vector<16xi32>
      %and3A = arith.constant 255 : i32
      %and3A_534 = vector.broadcast %and3A : i32 to vector<16xi32>
      %and3A_535 = arith.andi %get3A_531, %and3A_534 : vector<16xi32>
      tpu.vector_store_idx %arg7[%shift_right_arithmetic3A_533, %and3A_535], %broadcast_in_dim3A_3 : memref<256x256xf32, #tpu.memory_space<vmem>>[vector<16xi32>, vector<16xi32>], vector<16xf32>,
    }
    %scan3A_398 = arith.constant 32 : i32
    %scan3A_399 = arith.constant 0 : i32
    %scan3A_400 = arith.constant 0 : i32
    %scan3A_401 = arith.constant 32 : i32
    %scan3A_402 = arith.addi %scan3A_400, %scan3A_401 : i32
    %scan3A_403 = arith.constant 1 : i32
    scf.for %scan3A_528 = %scan3A_400 to %scan3A_402 step %scan3A_403  : i32 {
      %mul3A_529 = arith.constant 16 : i32
      %mul3A_530 = arith.muli %scan3A_528, %mul3A_529 : i32
      %get3A = arith.index_cast %mul3A_530 : i32 to index
      %get3A_531 = tpu.vector_load %arg8[%get3A] {strides = array<i32>} : memref<512xi32, #tpu.memory_space<vmem>>, vector<16xi32>,
      %shift_right_arithmetic3A = arith.constant 8 : i32
      %shift_right_arithmetic3A_532 = vector.broadcast %shift_right_arithmetic3A : i32 to vector<16xi32>
      %shift_right_arithmetic3A_533 = arith.shrsi %get3A_531, %shift_right_arithmetic3A_532 : vector<16xi32>
      %and3A = arith.constant 255 : i32
      %and3A_534 = vector.broadcast %and3A : i32 to vector<16xi32>
      %and3A_535 = arith.andi %get3A_531, %and3A_534 : vector<16xi32>
      %get3A_536 = arith.index_cast %mul3A_530 : i32 to index
      %get3A_537 = tpu.vector_load %arg10[%get3A_536] {strides = array<i32>} : memref<512xf32, #tpu.memory_space<vmem>>, vector<16xf32>,
      tpu.vector_store_idx %arg7[%shift_right_arithmetic3A_533, %and3A_535], %get3A_537 : memref<256x256xf32, #tpu.memory_space<vmem>>[vector<16xi32>, vector<16xi32>], vector<16xf32>,
    }
    %scan3A_404 = arith.constant 32 : i32
    %dma_start3A_405 = arith.constant 12 : i32
    %dma_start3A_406 = arith.constant 0 : i32
    %dma_start3A_407 = arith.constant 0 : i32
    %dma_start3A_408 = tpu.memref_slice %arg6[%dma_start3A_405, %add3A_2, %dma_start3A_406, %dma_start3A_407] : memref<16x52x256x256xf32, #tpu.memory_space<hbm>> -> memref<1x1x256x256xf32, #tpu.memory_space<hbm>>
    %dma_start3A_409 = tpu.memref_squeeze %dma_start3A_408 : memref<1x1x256x256xf32, #tpu.memory_space<hbm>> -> memref<256x256xf32, #tpu.memory_space<hbm>>
    %dma_start3A_410 = arith.constant 0 : i32
    %dma_start3A_411 = arith.constant 0 : i32
    %dma_start3A_412 = tpu.memref_slice %arg6[%dma_start3A_405, %add3A_2, %dma_start3A_410, %dma_start3A_411] : memref<16x52x256x256xf32, #tpu.memory_space<hbm>> -> memref<1x1x256x256xf32, #tpu.memory_space<hbm>>
    %dma_start3A_413 = tpu.memref_squeeze %dma_start3A_412 : memref<1x1x256x256xf32, #tpu.memory_space<hbm>> -> memref<256x256xf32, #tpu.memory_space<hbm>>
    tpu.enqueue_dma source(%arg7 : memref<256x256xf32, #tpu.memory_space<vmem>>) target(%dma_start3A_413 : memref<256x256xf32, #tpu.memory_space<hbm>>) target_semaphore(%arg12 : memref<!tpu.dma_semaphore, #tpu.memory_space<semaphore_mem>>)
    %run_scoped3A_414 = arith.constant 13 : i32
    %run_scoped3A_415 = arith.constant 0 : i32
    "tpu.region"() ({
      %run_scoped3A_528 = tpu.sem_alloc : memref<!tpu.dma_semaphore, #tpu.memory_space<semaphore_mem>>
      %dma_start3A_529 = arith.constant 0 : i32
      %dma_start3A_530 = tpu.memref_slice %arg3[%run_scoped3A_414, %run_scoped3A_415, %dma_start3A_529] : memref<16x1x512xi32, #tpu.memory_space<hbm>> -> memref<1x1x512xi32, #tpu.memory_space<hbm>>
      %dma_start3A_531 = tpu.memref_squeeze %dma_start3A_530 : memref<1x1x512xi32, #tpu.memory_space<hbm>> -> memref<512xi32, #tpu.memory_space<hbm>>
      %dma_start3A_532 = arith.constant 0 : i32
      %dma_start3A_533 = tpu.memref_slice %arg3[%run_scoped3A_414, %run_scoped3A_415, %dma_start3A_532] : memref<16x1x512xi32, #tpu.memory_space<hbm>> -> memref<1x1x512xi32, #tpu.memory_space<hbm>>
      %dma_start3A_534 = tpu.memref_squeeze %dma_start3A_533 : memref<1x1x512xi32, #tpu.memory_space<hbm>> -> memref<512xi32, #tpu.memory_space<hbm>>
      tpu.enqueue_dma source(%dma_start3A_534 : memref<512xi32, #tpu.memory_space<hbm>>) target(%arg9 : memref<512xi32, #tpu.memory_space<vmem>>) target_semaphore(%run_scoped3A_528 : memref<!tpu.dma_semaphore, #tpu.memory_space<semaphore_mem>>)
      %dma_wait3A_535 = arith.constant 0 : i32
      %dma_wait3A_536 = tpu.memref_slice %arg3[%run_scoped3A_414, %run_scoped3A_415, %dma_wait3A_535] : memref<16x1x512xi32, #tpu.memory_space<hbm>> -> memref<1x1x512xi32, #tpu.memory_space<hbm>>
      %dma_wait3A_537 = tpu.memref_squeeze %dma_wait3A_536 : memref<1x1x512xi32, #tpu.memory_space<hbm>> -> memref<512xi32, #tpu.memory_space<hbm>>
      %dma_wait3A_538 = arith.constant 0 : i32
      %dma_wait3A_539 = tpu.memref_slice %arg3[%run_scoped3A_414, %run_scoped3A_415, %dma_wait3A_538] : memref<16x1x512xi32, #tpu.memory_space<hbm>> -> memref<1x1x512xi32, #tpu.memory_space<hbm>>
      %dma_wait3A_540 = tpu.memref_squeeze %dma_wait3A_539 : memref<1x1x512xi32, #tpu.memory_space<hbm>> -> memref<512xi32, #tpu.memory_space<hbm>>
      tpu.wait_dma2 semaphore(%run_scoped3A_528 : memref<!tpu.dma_semaphore, #tpu.memory_space<semaphore_mem>>) src(%dma_wait3A_540 : memref<512xi32, #tpu.memory_space<hbm>>) dst(%arg9 : memref<512xi32, #tpu.memory_space<vmem>>)
      tpu.yield
    }) : () -> ()
    %run_scoped3A_416 = arith.constant 13 : i32
    "tpu.region"() ({
      %run_scoped3A_528 = tpu.sem_alloc : memref<!tpu.dma_semaphore, #tpu.memory_space<semaphore_mem>>
      %dma_start3A_529 = arith.constant 0 : i32
      %dma_start3A_530 = tpu.memref_slice %arg4[%run_scoped3A_416, %add3A, %dma_start3A_529] : memref<16x32x512xf32, #tpu.memory_space<hbm>> -> memref<1x1x512xf32, #tpu.memory_space<hbm>>
      %dma_start3A_531 = tpu.memref_squeeze %dma_start3A_530 : memref<1x1x512xf32, #tpu.memory_space<hbm>> -> memref<512xf32, #tpu.memory_space<hbm>>
      %dma_start3A_532 = arith.constant 0 : i32
      %dma_start3A_533 = tpu.memref_slice %arg4[%run_scoped3A_416, %add3A, %dma_start3A_532] : memref<16x32x512xf32, #tpu.memory_space<hbm>> -> memref<1x1x512xf32, #tpu.memory_space<hbm>>
      %dma_start3A_534 = tpu.memref_squeeze %dma_start3A_533 : memref<1x1x512xf32, #tpu.memory_space<hbm>> -> memref<512xf32, #tpu.memory_space<hbm>>
      tpu.enqueue_dma source(%dma_start3A_534 : memref<512xf32, #tpu.memory_space<hbm>>) target(%arg11 : memref<512xf32, #tpu.memory_space<vmem>>) target_semaphore(%run_scoped3A_528 : memref<!tpu.dma_semaphore, #tpu.memory_space<semaphore_mem>>)
      %dma_wait3A_535 = arith.constant 0 : i32
      %dma_wait3A_536 = tpu.memref_slice %arg4[%run_scoped3A_416, %add3A, %dma_wait3A_535] : memref<16x32x512xf32, #tpu.memory_space<hbm>> -> memref<1x1x512xf32, #tpu.memory_space<hbm>>
      %dma_wait3A_537 = tpu.memref_squeeze %dma_wait3A_536 : memref<1x1x512xf32, #tpu.memory_space<hbm>> -> memref<512xf32, #tpu.memory_space<hbm>>
      %dma_wait3A_538 = arith.constant 0 : i32
      %dma_wait3A_539 = tpu.memref_slice %arg4[%run_scoped3A_416, %add3A, %dma_wait3A_538] : memref<16x32x512xf32, #tpu.memory_space<hbm>> -> memref<1x1x512xf32, #tpu.memory_space<hbm>>
      %dma_wait3A_540 = tpu.memref_squeeze %dma_wait3A_539 : memref<1x1x512xf32, #tpu.memory_space<hbm>> -> memref<512xf32, #tpu.memory_space<hbm>>
      tpu.wait_dma2 semaphore(%run_scoped3A_528 : memref<!tpu.dma_semaphore, #tpu.memory_space<semaphore_mem>>) src(%dma_wait3A_540 : memref<512xf32, #tpu.memory_space<hbm>>) dst(%arg11 : memref<512xf32, #tpu.memory_space<vmem>>)
      tpu.yield
    }) : () -> ()
    %dma_wait3A_417 = arith.constant 12 : i32
    %dma_wait3A_418 = arith.constant 0 : i32
    %dma_wait3A_419 = arith.constant 0 : i32
    %dma_wait3A_420 = tpu.memref_slice %arg6[%dma_wait3A_417, %add3A_2, %dma_wait3A_418, %dma_wait3A_419] : memref<16x52x256x256xf32, #tpu.memory_space<hbm>> -> memref<1x1x256x256xf32, #tpu.memory_space<hbm>>
    %dma_wait3A_421 = tpu.memref_squeeze %dma_wait3A_420 : memref<1x1x256x256xf32, #tpu.memory_space<hbm>> -> memref<256x256xf32, #tpu.memory_space<hbm>>
    %dma_wait3A_422 = arith.constant 0 : i32
    %dma_wait3A_423 = arith.constant 0 : i32
    %dma_wait3A_424 = tpu.memref_slice %arg6[%dma_wait3A_417, %add3A_2, %dma_wait3A_422, %dma_wait3A_423] : memref<16x52x256x256xf32, #tpu.memory_space<hbm>> -> memref<1x1x256x256xf32, #tpu.memory_space<hbm>>
    %dma_wait3A_425 = tpu.memref_squeeze %dma_wait3A_424 : memref<1x1x256x256xf32, #tpu.memory_space<hbm>> -> memref<256x256xf32, #tpu.memory_space<hbm>>
    tpu.wait_dma2 semaphore(%arg12 : memref<!tpu.dma_semaphore, #tpu.memory_space<semaphore_mem>>) src(%arg7 : memref<256x256xf32, #tpu.memory_space<vmem>>) dst(%dma_wait3A_425 : memref<256x256xf32, #tpu.memory_space<hbm>>)
    %scan3A_426 = arith.constant 0 : i32
    %scan3A_427 = arith.constant 0 : i32
    %scan3A_428 = arith.constant 32 : i32
    %scan3A_429 = arith.addi %scan3A_427, %scan3A_428 : i32
    %scan3A_430 = arith.constant 1 : i32
    scf.for %scan3A_528 = %scan3A_427 to %scan3A_429 step %scan3A_430  : i32 {
      %mul3A_529 = arith.constant 16 : i32
      %mul3A_530 = arith.muli %scan3A_528, %mul3A_529 : i32
      %get3A = arith.index_cast %mul3A_530 : i32 to index
      %get3A_531 = tpu.vector_load %arg8[%get3A] {strides = array<i32>} : memref<512xi32, #tpu.memory_space<vmem>>, vector<16xi32>,
      %shift_right_arithmetic3A = arith.constant 8 : i32
      %shift_right_arithmetic3A_532 = vector.broadcast %shift_right_arithmetic3A : i32 to vector<16xi32>
      %shift_right_arithmetic3A_533 = arith.shrsi %get3A_531, %shift_right_arithmetic3A_532 : vector<16xi32>
      %and3A = arith.constant 255 : i32
      %and3A_534 = vector.broadcast %and3A : i32 to vector<16xi32>
      %and3A_535 = arith.andi %get3A_531, %and3A_534 : vector<16xi32>
      tpu.vector_store_idx %arg7[%shift_right_arithmetic3A_533, %and3A_535], %broadcast_in_dim3A_3 : memref<256x256xf32, #tpu.memory_space<vmem>>[vector<16xi32>, vector<16xi32>], vector<16xf32>,
    }
    %scan3A_431 = arith.constant 32 : i32
    %scan3A_432 = arith.constant 0 : i32
    %scan3A_433 = arith.constant 0 : i32
    %scan3A_434 = arith.constant 32 : i32
    %scan3A_435 = arith.addi %scan3A_433, %scan3A_434 : i32
    %scan3A_436 = arith.constant 1 : i32
    scf.for %scan3A_528 = %scan3A_433 to %scan3A_435 step %scan3A_436  : i32 {
      %mul3A_529 = arith.constant 16 : i32
      %mul3A_530 = arith.muli %scan3A_528, %mul3A_529 : i32
      %get3A = arith.index_cast %mul3A_530 : i32 to index
      %get3A_531 = tpu.vector_load %arg9[%get3A] {strides = array<i32>} : memref<512xi32, #tpu.memory_space<vmem>>, vector<16xi32>,
      %shift_right_arithmetic3A = arith.constant 8 : i32
      %shift_right_arithmetic3A_532 = vector.broadcast %shift_right_arithmetic3A : i32 to vector<16xi32>
      %shift_right_arithmetic3A_533 = arith.shrsi %get3A_531, %shift_right_arithmetic3A_532 : vector<16xi32>
      %and3A = arith.constant 255 : i32
      %and3A_534 = vector.broadcast %and3A : i32 to vector<16xi32>
      %and3A_535 = arith.andi %get3A_531, %and3A_534 : vector<16xi32>
      %get3A_536 = arith.index_cast %mul3A_530 : i32 to index
      %get3A_537 = tpu.vector_load %arg11[%get3A_536] {strides = array<i32>} : memref<512xf32, #tpu.memory_space<vmem>>, vector<16xf32>,
      tpu.vector_store_idx %arg7[%shift_right_arithmetic3A_533, %and3A_535], %get3A_537 : memref<256x256xf32, #tpu.memory_space<vmem>>[vector<16xi32>, vector<16xi32>], vector<16xf32>,
    }
    %scan3A_437 = arith.constant 32 : i32
    %dma_start3A_438 = arith.constant 13 : i32
    %dma_start3A_439 = arith.constant 0 : i32
    %dma_start3A_440 = arith.constant 0 : i32
    %dma_start3A_441 = tpu.memref_slice %arg6[%dma_start3A_438, %add3A_2, %dma_start3A_439, %dma_start3A_440] : memref<16x52x256x256xf32, #tpu.memory_space<hbm>> -> memref<1x1x256x256xf32, #tpu.memory_space<hbm>>
    %dma_start3A_442 = tpu.memref_squeeze %dma_start3A_441 : memref<1x1x256x256xf32, #tpu.memory_space<hbm>> -> memref<256x256xf32, #tpu.memory_space<hbm>>
    %dma_start3A_443 = arith.constant 0 : i32
    %dma_start3A_444 = arith.constant 0 : i32
    %dma_start3A_445 = tpu.memref_slice %arg6[%dma_start3A_438, %add3A_2, %dma_start3A_443, %dma_start3A_444] : memref<16x52x256x256xf32, #tpu.memory_space<hbm>> -> memref<1x1x256x256xf32, #tpu.memory_space<hbm>>
    %dma_start3A_446 = tpu.memref_squeeze %dma_start3A_445 : memref<1x1x256x256xf32, #tpu.memory_space<hbm>> -> memref<256x256xf32, #tpu.memory_space<hbm>>
    tpu.enqueue_dma source(%arg7 : memref<256x256xf32, #tpu.memory_space<vmem>>) target(%dma_start3A_446 : memref<256x256xf32, #tpu.memory_space<hbm>>) target_semaphore(%arg12 : memref<!tpu.dma_semaphore, #tpu.memory_space<semaphore_mem>>)
    %run_scoped3A_447 = arith.constant 14 : i32
    %run_scoped3A_448 = arith.constant 0 : i32
    "tpu.region"() ({
      %run_scoped3A_528 = tpu.sem_alloc : memref<!tpu.dma_semaphore, #tpu.memory_space<semaphore_mem>>
      %dma_start3A_529 = arith.constant 0 : i32
      %dma_start3A_530 = tpu.memref_slice %arg3[%run_scoped3A_447, %run_scoped3A_448, %dma_start3A_529] : memref<16x1x512xi32, #tpu.memory_space<hbm>> -> memref<1x1x512xi32, #tpu.memory_space<hbm>>
      %dma_start3A_531 = tpu.memref_squeeze %dma_start3A_530 : memref<1x1x512xi32, #tpu.memory_space<hbm>> -> memref<512xi32, #tpu.memory_space<hbm>>
      %dma_start3A_532 = arith.constant 0 : i32
      %dma_start3A_533 = tpu.memref_slice %arg3[%run_scoped3A_447, %run_scoped3A_448, %dma_start3A_532] : memref<16x1x512xi32, #tpu.memory_space<hbm>> -> memref<1x1x512xi32, #tpu.memory_space<hbm>>
      %dma_start3A_534 = tpu.memref_squeeze %dma_start3A_533 : memref<1x1x512xi32, #tpu.memory_space<hbm>> -> memref<512xi32, #tpu.memory_space<hbm>>
      tpu.enqueue_dma source(%dma_start3A_534 : memref<512xi32, #tpu.memory_space<hbm>>) target(%arg8 : memref<512xi32, #tpu.memory_space<vmem>>) target_semaphore(%run_scoped3A_528 : memref<!tpu.dma_semaphore, #tpu.memory_space<semaphore_mem>>)
      %dma_wait3A_535 = arith.constant 0 : i32
      %dma_wait3A_536 = tpu.memref_slice %arg3[%run_scoped3A_447, %run_scoped3A_448, %dma_wait3A_535] : memref<16x1x512xi32, #tpu.memory_space<hbm>> -> memref<1x1x512xi32, #tpu.memory_space<hbm>>
      %dma_wait3A_537 = tpu.memref_squeeze %dma_wait3A_536 : memref<1x1x512xi32, #tpu.memory_space<hbm>> -> memref<512xi32, #tpu.memory_space<hbm>>
      %dma_wait3A_538 = arith.constant 0 : i32
      %dma_wait3A_539 = tpu.memref_slice %arg3[%run_scoped3A_447, %run_scoped3A_448, %dma_wait3A_538] : memref<16x1x512xi32, #tpu.memory_space<hbm>> -> memref<1x1x512xi32, #tpu.memory_space<hbm>>
      %dma_wait3A_540 = tpu.memref_squeeze %dma_wait3A_539 : memref<1x1x512xi32, #tpu.memory_space<hbm>> -> memref<512xi32, #tpu.memory_space<hbm>>
      tpu.wait_dma2 semaphore(%run_scoped3A_528 : memref<!tpu.dma_semaphore, #tpu.memory_space<semaphore_mem>>) src(%dma_wait3A_540 : memref<512xi32, #tpu.memory_space<hbm>>) dst(%arg8 : memref<512xi32, #tpu.memory_space<vmem>>)
      tpu.yield
    }) : () -> ()
    %run_scoped3A_449 = arith.constant 14 : i32
    "tpu.region"() ({
      %run_scoped3A_528 = tpu.sem_alloc : memref<!tpu.dma_semaphore, #tpu.memory_space<semaphore_mem>>
      %dma_start3A_529 = arith.constant 0 : i32
      %dma_start3A_530 = tpu.memref_slice %arg4[%run_scoped3A_449, %add3A, %dma_start3A_529] : memref<16x32x512xf32, #tpu.memory_space<hbm>> -> memref<1x1x512xf32, #tpu.memory_space<hbm>>
      %dma_start3A_531 = tpu.memref_squeeze %dma_start3A_530 : memref<1x1x512xf32, #tpu.memory_space<hbm>> -> memref<512xf32, #tpu.memory_space<hbm>>
      %dma_start3A_532 = arith.constant 0 : i32
      %dma_start3A_533 = tpu.memref_slice %arg4[%run_scoped3A_449, %add3A, %dma_start3A_532] : memref<16x32x512xf32, #tpu.memory_space<hbm>> -> memref<1x1x512xf32, #tpu.memory_space<hbm>>
      %dma_start3A_534 = tpu.memref_squeeze %dma_start3A_533 : memref<1x1x512xf32, #tpu.memory_space<hbm>> -> memref<512xf32, #tpu.memory_space<hbm>>
      tpu.enqueue_dma source(%dma_start3A_534 : memref<512xf32, #tpu.memory_space<hbm>>) target(%arg10 : memref<512xf32, #tpu.memory_space<vmem>>) target_semaphore(%run_scoped3A_528 : memref<!tpu.dma_semaphore, #tpu.memory_space<semaphore_mem>>)
      %dma_wait3A_535 = arith.constant 0 : i32
      %dma_wait3A_536 = tpu.memref_slice %arg4[%run_scoped3A_449, %add3A, %dma_wait3A_535] : memref<16x32x512xf32, #tpu.memory_space<hbm>> -> memref<1x1x512xf32, #tpu.memory_space<hbm>>
      %dma_wait3A_537 = tpu.memref_squeeze %dma_wait3A_536 : memref<1x1x512xf32, #tpu.memory_space<hbm>> -> memref<512xf32, #tpu.memory_space<hbm>>
      %dma_wait3A_538 = arith.constant 0 : i32
      %dma_wait3A_539 = tpu.memref_slice %arg4[%run_scoped3A_449, %add3A, %dma_wait3A_538] : memref<16x32x512xf32, #tpu.memory_space<hbm>> -> memref<1x1x512xf32, #tpu.memory_space<hbm>>
      %dma_wait3A_540 = tpu.memref_squeeze %dma_wait3A_539 : memref<1x1x512xf32, #tpu.memory_space<hbm>> -> memref<512xf32, #tpu.memory_space<hbm>>
      tpu.wait_dma2 semaphore(%run_scoped3A_528 : memref<!tpu.dma_semaphore, #tpu.memory_space<semaphore_mem>>) src(%dma_wait3A_540 : memref<512xf32, #tpu.memory_space<hbm>>) dst(%arg10 : memref<512xf32, #tpu.memory_space<vmem>>)
      tpu.yield
    }) : () -> ()
    %dma_wait3A_450 = arith.constant 13 : i32
    %dma_wait3A_451 = arith.constant 0 : i32
    %dma_wait3A_452 = arith.constant 0 : i32
    %dma_wait3A_453 = tpu.memref_slice %arg6[%dma_wait3A_450, %add3A_2, %dma_wait3A_451, %dma_wait3A_452] : memref<16x52x256x256xf32, #tpu.memory_space<hbm>> -> memref<1x1x256x256xf32, #tpu.memory_space<hbm>>
    %dma_wait3A_454 = tpu.memref_squeeze %dma_wait3A_453 : memref<1x1x256x256xf32, #tpu.memory_space<hbm>> -> memref<256x256xf32, #tpu.memory_space<hbm>>
    %dma_wait3A_455 = arith.constant 0 : i32
    %dma_wait3A_456 = arith.constant 0 : i32
    %dma_wait3A_457 = tpu.memref_slice %arg6[%dma_wait3A_450, %add3A_2, %dma_wait3A_455, %dma_wait3A_456] : memref<16x52x256x256xf32, #tpu.memory_space<hbm>> -> memref<1x1x256x256xf32, #tpu.memory_space<hbm>>
    %dma_wait3A_458 = tpu.memref_squeeze %dma_wait3A_457 : memref<1x1x256x256xf32, #tpu.memory_space<hbm>> -> memref<256x256xf32, #tpu.memory_space<hbm>>
    tpu.wait_dma2 semaphore(%arg12 : memref<!tpu.dma_semaphore, #tpu.memory_space<semaphore_mem>>) src(%arg7 : memref<256x256xf32, #tpu.memory_space<vmem>>) dst(%dma_wait3A_458 : memref<256x256xf32, #tpu.memory_space<hbm>>)
    %scan3A_459 = arith.constant 0 : i32
    %scan3A_460 = arith.constant 0 : i32
    %scan3A_461 = arith.constant 32 : i32
    %scan3A_462 = arith.addi %scan3A_460, %scan3A_461 : i32
    %scan3A_463 = arith.constant 1 : i32
    scf.for %scan3A_528 = %scan3A_460 to %scan3A_462 step %scan3A_463  : i32 {
      %mul3A_529 = arith.constant 16 : i32
      %mul3A_530 = arith.muli %scan3A_528, %mul3A_529 : i32
      %get3A = arith.index_cast %mul3A_530 : i32 to index
      %get3A_531 = tpu.vector_load %arg9[%get3A] {strides = array<i32>} : memref<512xi32, #tpu.memory_space<vmem>>, vector<16xi32>,
      %shift_right_arithmetic3A = arith.constant 8 : i32
      %shift_right_arithmetic3A_532 = vector.broadcast %shift_right_arithmetic3A : i32 to vector<16xi32>
      %shift_right_arithmetic3A_533 = arith.shrsi %get3A_531, %shift_right_arithmetic3A_532 : vector<16xi32>
      %and3A = arith.constant 255 : i32
      %and3A_534 = vector.broadcast %and3A : i32 to vector<16xi32>
      %and3A_535 = arith.andi %get3A_531, %and3A_534 : vector<16xi32>
      tpu.vector_store_idx %arg7[%shift_right_arithmetic3A_533, %and3A_535], %broadcast_in_dim3A_3 : memref<256x256xf32, #tpu.memory_space<vmem>>[vector<16xi32>, vector<16xi32>], vector<16xf32>,
    }
    %scan3A_464 = arith.constant 32 : i32
    %scan3A_465 = arith.constant 0 : i32
    %scan3A_466 = arith.constant 0 : i32
    %scan3A_467 = arith.constant 32 : i32
    %scan3A_468 = arith.addi %scan3A_466, %scan3A_467 : i32
    %scan3A_469 = arith.constant 1 : i32
    scf.for %scan3A_528 = %scan3A_466 to %scan3A_468 step %scan3A_469  : i32 {
      %mul3A_529 = arith.constant 16 : i32
      %mul3A_530 = arith.muli %scan3A_528, %mul3A_529 : i32
      %get3A = arith.index_cast %mul3A_530 : i32 to index
      %get3A_531 = tpu.vector_load %arg8[%get3A] {strides = array<i32>} : memref<512xi32, #tpu.memory_space<vmem>>, vector<16xi32>,
      %shift_right_arithmetic3A = arith.constant 8 : i32
      %shift_right_arithmetic3A_532 = vector.broadcast %shift_right_arithmetic3A : i32 to vector<16xi32>
      %shift_right_arithmetic3A_533 = arith.shrsi %get3A_531, %shift_right_arithmetic3A_532 : vector<16xi32>
      %and3A = arith.constant 255 : i32
      %and3A_534 = vector.broadcast %and3A : i32 to vector<16xi32>
      %and3A_535 = arith.andi %get3A_531, %and3A_534 : vector<16xi32>
      %get3A_536 = arith.index_cast %mul3A_530 : i32 to index
      %get3A_537 = tpu.vector_load %arg10[%get3A_536] {strides = array<i32>} : memref<512xf32, #tpu.memory_space<vmem>>, vector<16xf32>,
      tpu.vector_store_idx %arg7[%shift_right_arithmetic3A_533, %and3A_535], %get3A_537 : memref<256x256xf32, #tpu.memory_space<vmem>>[vector<16xi32>, vector<16xi32>], vector<16xf32>,
    }
    %scan3A_470 = arith.constant 32 : i32
    %dma_start3A_471 = arith.constant 14 : i32
    %dma_start3A_472 = arith.constant 0 : i32
    %dma_start3A_473 = arith.constant 0 : i32
    %dma_start3A_474 = tpu.memref_slice %arg6[%dma_start3A_471, %add3A_2, %dma_start3A_472, %dma_start3A_473] : memref<16x52x256x256xf32, #tpu.memory_space<hbm>> -> memref<1x1x256x256xf32, #tpu.memory_space<hbm>>
    %dma_start3A_475 = tpu.memref_squeeze %dma_start3A_474 : memref<1x1x256x256xf32, #tpu.memory_space<hbm>> -> memref<256x256xf32, #tpu.memory_space<hbm>>
    %dma_start3A_476 = arith.constant 0 : i32
    %dma_start3A_477 = arith.constant 0 : i32
    %dma_start3A_478 = tpu.memref_slice %arg6[%dma_start3A_471, %add3A_2, %dma_start3A_476, %dma_start3A_477] : memref<16x52x256x256xf32, #tpu.memory_space<hbm>> -> memref<1x1x256x256xf32, #tpu.memory_space<hbm>>
    %dma_start3A_479 = tpu.memref_squeeze %dma_start3A_478 : memref<1x1x256x256xf32, #tpu.memory_space<hbm>> -> memref<256x256xf32, #tpu.memory_space<hbm>>
    tpu.enqueue_dma source(%arg7 : memref<256x256xf32, #tpu.memory_space<vmem>>) target(%dma_start3A_479 : memref<256x256xf32, #tpu.memory_space<hbm>>) target_semaphore(%arg12 : memref<!tpu.dma_semaphore, #tpu.memory_space<semaphore_mem>>)
    %run_scoped3A_480 = arith.constant 15 : i32
    %run_scoped3A_481 = arith.constant 0 : i32
    "tpu.region"() ({
      %run_scoped3A_528 = tpu.sem_alloc : memref<!tpu.dma_semaphore, #tpu.memory_space<semaphore_mem>>
      %dma_start3A_529 = arith.constant 0 : i32
      %dma_start3A_530 = tpu.memref_slice %arg3[%run_scoped3A_480, %run_scoped3A_481, %dma_start3A_529] : memref<16x1x512xi32, #tpu.memory_space<hbm>> -> memref<1x1x512xi32, #tpu.memory_space<hbm>>
      %dma_start3A_531 = tpu.memref_squeeze %dma_start3A_530 : memref<1x1x512xi32, #tpu.memory_space<hbm>> -> memref<512xi32, #tpu.memory_space<hbm>>
      %dma_start3A_532 = arith.constant 0 : i32
      %dma_start3A_533 = tpu.memref_slice %arg3[%run_scoped3A_480, %run_scoped3A_481, %dma_start3A_532] : memref<16x1x512xi32, #tpu.memory_space<hbm>> -> memref<1x1x512xi32, #tpu.memory_space<hbm>>
      %dma_start3A_534 = tpu.memref_squeeze %dma_start3A_533 : memref<1x1x512xi32, #tpu.memory_space<hbm>> -> memref<512xi32, #tpu.memory_space<hbm>>
      tpu.enqueue_dma source(%dma_start3A_534 : memref<512xi32, #tpu.memory_space<hbm>>) target(%arg9 : memref<512xi32, #tpu.memory_space<vmem>>) target_semaphore(%run_scoped3A_528 : memref<!tpu.dma_semaphore, #tpu.memory_space<semaphore_mem>>)
      %dma_wait3A_535 = arith.constant 0 : i32
      %dma_wait3A_536 = tpu.memref_slice %arg3[%run_scoped3A_480, %run_scoped3A_481, %dma_wait3A_535] : memref<16x1x512xi32, #tpu.memory_space<hbm>> -> memref<1x1x512xi32, #tpu.memory_space<hbm>>
      %dma_wait3A_537 = tpu.memref_squeeze %dma_wait3A_536 : memref<1x1x512xi32, #tpu.memory_space<hbm>> -> memref<512xi32, #tpu.memory_space<hbm>>
      %dma_wait3A_538 = arith.constant 0 : i32
      %dma_wait3A_539 = tpu.memref_slice %arg3[%run_scoped3A_480, %run_scoped3A_481, %dma_wait3A_538] : memref<16x1x512xi32, #tpu.memory_space<hbm>> -> memref<1x1x512xi32, #tpu.memory_space<hbm>>
      %dma_wait3A_540 = tpu.memref_squeeze %dma_wait3A_539 : memref<1x1x512xi32, #tpu.memory_space<hbm>> -> memref<512xi32, #tpu.memory_space<hbm>>
      tpu.wait_dma2 semaphore(%run_scoped3A_528 : memref<!tpu.dma_semaphore, #tpu.memory_space<semaphore_mem>>) src(%dma_wait3A_540 : memref<512xi32, #tpu.memory_space<hbm>>) dst(%arg9 : memref<512xi32, #tpu.memory_space<vmem>>)
      tpu.yield
    }) : () -> ()
    %run_scoped3A_482 = arith.constant 15 : i32
    "tpu.region"() ({
      %run_scoped3A_528 = tpu.sem_alloc : memref<!tpu.dma_semaphore, #tpu.memory_space<semaphore_mem>>
      %dma_start3A_529 = arith.constant 0 : i32
      %dma_start3A_530 = tpu.memref_slice %arg4[%run_scoped3A_482, %add3A, %dma_start3A_529] : memref<16x32x512xf32, #tpu.memory_space<hbm>> -> memref<1x1x512xf32, #tpu.memory_space<hbm>>
      %dma_start3A_531 = tpu.memref_squeeze %dma_start3A_530 : memref<1x1x512xf32, #tpu.memory_space<hbm>> -> memref<512xf32, #tpu.memory_space<hbm>>
      %dma_start3A_532 = arith.constant 0 : i32
      %dma_start3A_533 = tpu.memref_slice %arg4[%run_scoped3A_482, %add3A, %dma_start3A_532] : memref<16x32x512xf32, #tpu.memory_space<hbm>> -> memref<1x1x512xf32, #tpu.memory_space<hbm>>
      %dma_start3A_534 = tpu.memref_squeeze %dma_start3A_533 : memref<1x1x512xf32, #tpu.memory_space<hbm>> -> memref<512xf32, #tpu.memory_space<hbm>>
      tpu.enqueue_dma source(%dma_start3A_534 : memref<512xf32, #tpu.memory_space<hbm>>) target(%arg11 : memref<512xf32, #tpu.memory_space<vmem>>) target_semaphore(%run_scoped3A_528 : memref<!tpu.dma_semaphore, #tpu.memory_space<semaphore_mem>>)
      %dma_wait3A_535 = arith.constant 0 : i32
      %dma_wait3A_536 = tpu.memref_slice %arg4[%run_scoped3A_482, %add3A, %dma_wait3A_535] : memref<16x32x512xf32, #tpu.memory_space<hbm>> -> memref<1x1x512xf32, #tpu.memory_space<hbm>>
      %dma_wait3A_537 = tpu.memref_squeeze %dma_wait3A_536 : memref<1x1x512xf32, #tpu.memory_space<hbm>> -> memref<512xf32, #tpu.memory_space<hbm>>
      %dma_wait3A_538 = arith.constant 0 : i32
      %dma_wait3A_539 = tpu.memref_slice %arg4[%run_scoped3A_482, %add3A, %dma_wait3A_538] : memref<16x32x512xf32, #tpu.memory_space<hbm>> -> memref<1x1x512xf32, #tpu.memory_space<hbm>>
      %dma_wait3A_540 = tpu.memref_squeeze %dma_wait3A_539 : memref<1x1x512xf32, #tpu.memory_space<hbm>> -> memref<512xf32, #tpu.memory_space<hbm>>
      tpu.wait_dma2 semaphore(%run_scoped3A_528 : memref<!tpu.dma_semaphore, #tpu.memory_space<semaphore_mem>>) src(%dma_wait3A_540 : memref<512xf32, #tpu.memory_space<hbm>>) dst(%arg11 : memref<512xf32, #tpu.memory_space<vmem>>)
      tpu.yield
    }) : () -> ()
    %dma_wait3A_483 = arith.constant 14 : i32
    %dma_wait3A_484 = arith.constant 0 : i32
    %dma_wait3A_485 = arith.constant 0 : i32
    %dma_wait3A_486 = tpu.memref_slice %arg6[%dma_wait3A_483, %add3A_2, %dma_wait3A_484, %dma_wait3A_485] : memref<16x52x256x256xf32, #tpu.memory_space<hbm>> -> memref<1x1x256x256xf32, #tpu.memory_space<hbm>>
    %dma_wait3A_487 = tpu.memref_squeeze %dma_wait3A_486 : memref<1x1x256x256xf32, #tpu.memory_space<hbm>> -> memref<256x256xf32, #tpu.memory_space<hbm>>
    %dma_wait3A_488 = arith.constant 0 : i32
    %dma_wait3A_489 = arith.constant 0 : i32
    %dma_wait3A_490 = tpu.memref_slice %arg6[%dma_wait3A_483, %add3A_2, %dma_wait3A_488, %dma_wait3A_489] : memref<16x52x256x256xf32, #tpu.memory_space<hbm>> -> memref<1x1x256x256xf32, #tpu.memory_space<hbm>>
    %dma_wait3A_491 = tpu.memref_squeeze %dma_wait3A_490 : memref<1x1x256x256xf32, #tpu.memory_space<hbm>> -> memref<256x256xf32, #tpu.memory_space<hbm>>
    tpu.wait_dma2 semaphore(%arg12 : memref<!tpu.dma_semaphore, #tpu.memory_space<semaphore_mem>>) src(%arg7 : memref<256x256xf32, #tpu.memory_space<vmem>>) dst(%dma_wait3A_491 : memref<256x256xf32, #tpu.memory_space<hbm>>)
    %scan3A_492 = arith.constant 0 : i32
    %scan3A_493 = arith.constant 0 : i32
    %scan3A_494 = arith.constant 32 : i32
    %scan3A_495 = arith.addi %scan3A_493, %scan3A_494 : i32
    %scan3A_496 = arith.constant 1 : i32
    scf.for %scan3A_528 = %scan3A_493 to %scan3A_495 step %scan3A_496  : i32 {
      %mul3A_529 = arith.constant 16 : i32
      %mul3A_530 = arith.muli %scan3A_528, %mul3A_529 : i32
      %get3A = arith.index_cast %mul3A_530 : i32 to index
      %get3A_531 = tpu.vector_load %arg8[%get3A] {strides = array<i32>} : memref<512xi32, #tpu.memory_space<vmem>>, vector<16xi32>,
      %shift_right_arithmetic3A = arith.constant 8 : i32
      %shift_right_arithmetic3A_532 = vector.broadcast %shift_right_arithmetic3A : i32 to vector<16xi32>
      %shift_right_arithmetic3A_533 = arith.shrsi %get3A_531, %shift_right_arithmetic3A_532 : vector<16xi32>
      %and3A = arith.constant 255 : i32
      %and3A_534 = vector.broadcast %and3A : i32 to vector<16xi32>
      %and3A_535 = arith.andi %get3A_531, %and3A_534 : vector<16xi32>
      tpu.vector_store_idx %arg7[%shift_right_arithmetic3A_533, %and3A_535], %broadcast_in_dim3A_3 : memref<256x256xf32, #tpu.memory_space<vmem>>[vector<16xi32>, vector<16xi32>], vector<16xf32>,
    }
    %scan3A_497 = arith.constant 32 : i32
    %scan3A_498 = arith.constant 0 : i32
    %scan3A_499 = arith.constant 0 : i32
    %scan3A_500 = arith.constant 32 : i32
    %scan3A_501 = arith.addi %scan3A_499, %scan3A_500 : i32
    %scan3A_502 = arith.constant 1 : i32
    scf.for %scan3A_528 = %scan3A_499 to %scan3A_501 step %scan3A_502  : i32 {
      %mul3A_529 = arith.constant 16 : i32
      %mul3A_530 = arith.muli %scan3A_528, %mul3A_529 : i32
      %get3A = arith.index_cast %mul3A_530 : i32 to index
      %get3A_531 = tpu.vector_load %arg9[%get3A] {strides = array<i32>} : memref<512xi32, #tpu.memory_space<vmem>>, vector<16xi32>,
      %shift_right_arithmetic3A = arith.constant 8 : i32
      %shift_right_arithmetic3A_532 = vector.broadcast %shift_right_arithmetic3A : i32 to vector<16xi32>
      %shift_right_arithmetic3A_533 = arith.shrsi %get3A_531, %shift_right_arithmetic3A_532 : vector<16xi32>
      %and3A = arith.constant 255 : i32
      %and3A_534 = vector.broadcast %and3A : i32 to vector<16xi32>
      %and3A_535 = arith.andi %get3A_531, %and3A_534 : vector<16xi32>
      %get3A_536 = arith.index_cast %mul3A_530 : i32 to index
      %get3A_537 = tpu.vector_load %arg11[%get3A_536] {strides = array<i32>} : memref<512xf32, #tpu.memory_space<vmem>>, vector<16xf32>,
      tpu.vector_store_idx %arg7[%shift_right_arithmetic3A_533, %and3A_535], %get3A_537 : memref<256x256xf32, #tpu.memory_space<vmem>>[vector<16xi32>, vector<16xi32>], vector<16xf32>,
    }
    %scan3A_503 = arith.constant 32 : i32
    %dma_start3A_504 = arith.constant 15 : i32
    %dma_start3A_505 = arith.constant 0 : i32
    %dma_start3A_506 = arith.constant 0 : i32
    %dma_start3A_507 = tpu.memref_slice %arg6[%dma_start3A_504, %add3A_2, %dma_start3A_505, %dma_start3A_506] : memref<16x52x256x256xf32, #tpu.memory_space<hbm>> -> memref<1x1x256x256xf32, #tpu.memory_space<hbm>>
    %dma_start3A_508 = tpu.memref_squeeze %dma_start3A_507 : memref<1x1x256x256xf32, #tpu.memory_space<hbm>> -> memref<256x256xf32, #tpu.memory_space<hbm>>
    %dma_start3A_509 = arith.constant 0 : i32
    %dma_start3A_510 = arith.constant 0 : i32
    %dma_start3A_511 = tpu.memref_slice %arg6[%dma_start3A_504, %add3A_2, %dma_start3A_509, %dma_start3A_510] : memref<16x52x256x256xf32, #tpu.memory_space<hbm>> -> memref<1x1x256x256xf32, #tpu.memory_space<hbm>>
    %dma_start3A_512 = tpu.memref_squeeze %dma_start3A_511 : memref<1x1x256x256xf32, #tpu.memory_space<hbm>> -> memref<256x256xf32, #tpu.memory_space<hbm>>
    tpu.enqueue_dma source(%arg7 : memref<256x256xf32, #tpu.memory_space<vmem>>) target(%dma_start3A_512 : memref<256x256xf32, #tpu.memory_space<hbm>>) target_semaphore(%arg12 : memref<!tpu.dma_semaphore, #tpu.memory_space<semaphore_mem>>)
    %dma_wait3A_513 = arith.constant 15 : i32
    %dma_wait3A_514 = arith.constant 0 : i32
    %dma_wait3A_515 = arith.constant 0 : i32
    %dma_wait3A_516 = tpu.memref_slice %arg6[%dma_wait3A_513, %add3A_2, %dma_wait3A_514, %dma_wait3A_515] : memref<16x52x256x256xf32, #tpu.memory_space<hbm>> -> memref<1x1x256x256xf32, #tpu.memory_space<hbm>>
    %dma_wait3A_517 = tpu.memref_squeeze %dma_wait3A_516 : memref<1x1x256x256xf32, #tpu.memory_space<hbm>> -> memref<256x256xf32, #tpu.memory_space<hbm>>
    %dma_wait3A_518 = arith.constant 0 : i32
    %dma_wait3A_519 = arith.constant 0 : i32
    %dma_wait3A_520 = tpu.memref_slice %arg6[%dma_wait3A_513, %add3A_2, %dma_wait3A_518, %dma_wait3A_519] : memref<16x52x256x256xf32, #tpu.memory_space<hbm>> -> memref<1x1x256x256xf32, #tpu.memory_space<hbm>>
    %dma_wait3A_521 = tpu.memref_squeeze %dma_wait3A_520 : memref<1x1x256x256xf32, #tpu.memory_space<hbm>> -> memref<256x256xf32, #tpu.memory_space<hbm>>
    tpu.wait_dma2 semaphore(%arg12 : memref<!tpu.dma_semaphore, #tpu.memory_space<semaphore_mem>>) src(%arg7 : memref<256x256xf32, #tpu.memory_space<vmem>>) dst(%dma_wait3A_521 : memref<256x256xf32, #tpu.memory_space<hbm>>)
    %scan3A_522 = arith.constant 0 : i32
    %scan3A_523 = arith.constant 0 : i32
    %scan3A_524 = arith.constant 32 : i32
    %scan3A_525 = arith.addi %scan3A_523, %scan3A_524 : i32
    %scan3A_526 = arith.constant 1 : i32
    scf.for %scan3A_528 = %scan3A_523 to %scan3A_525 step %scan3A_526  : i32 {
      %mul3A_529 = arith.constant 16 : i32
      %mul3A_530 = arith.muli %scan3A_528, %mul3A_529 : i32
      %get3A = arith.index_cast %mul3A_530 : i32 to index
      %get3A_531 = tpu.vector_load %arg9[%get3A] {strides = array<i32>} : memref<512xi32, #tpu.memory_space<vmem>>, vector<16xi32>,
      %shift_right_arithmetic3A = arith.constant 8 : i32
      %shift_right_arithmetic3A_532 = vector.broadcast %shift_right_arithmetic3A : i32 to vector<16xi32>
      %shift_right_arithmetic3A_533 = arith.shrsi %get3A_531, %shift_right_arithmetic3A_532 : vector<16xi32>
      %and3A = arith.constant 255 : i32
      %and3A_534 = vector.broadcast %and3A : i32 to vector<16xi32>
      %and3A_535 = arith.andi %get3A_531, %and3A_534 : vector<16xi32>
      tpu.vector_store_idx %arg7[%shift_right_arithmetic3A_533, %and3A_535], %broadcast_in_dim3A_3 : memref<256x256xf32, #tpu.memory_space<vmem>>[vector<16xi32>, vector<16xi32>], vector<16xf32>,
    }
    %scan3A_527 = arith.constant 32 : i32
    return
  }
}

module attributes {stable_mosaic.version = 14 : i64} {
  func.func @_tc_body(%arg0: i32, %arg1: memref<1x20x256x256xf32, #tpu.memory_space<vmem>>, %arg2: memref<1x512x256xf32, #tpu.memory_space<vmem>>, %arg3: memref<1x1x512xi32, #tpu.memory_space<vmem>>, %arg4: memref<1x1x512xi32, #tpu.memory_space<vmem>>, %arg5: memref<1x1x512xf32, #tpu.memory_space<vmem>>, %arg6: memref<256x32xf32, #tpu.memory_space<vmem>>, %arg7: memref<1x32xf32, #tpu.memory_space<vmem>>, %arg8: memref<1x20x256x256xf32, #tpu.memory_space<vmem>>, %arg9: memref<1x1x512xi32, #tpu.memory_space<vmem>>, %arg10: memref<1x32x512xf32, #tpu.memory_space<vmem>>) attributes {dimension_semantics = [#tpu.dimension_semantics<arbitrary>], iteration_bounds = array<i64: 16>, scalar_prefetch = 0 : i64, scratch_operands = 0 : i64, tpu.core_type = #tpu.core_type<tc>, window_params = [{transform_indices = @transform_0, window_bounds = array<i64: 1, 20, 256, 256>}, {transform_indices = @transform_1, window_bounds = array<i64: 1, 512, 256>}, {transform_indices = @transform_2, window_bounds = array<i64: 1, 1, 512>}, {transform_indices = @transform_3, window_bounds = array<i64: 1, 1, 512>}, {transform_indices = @transform_4, window_bounds = array<i64: 1, 1, 512>}, {pipeline_mode = #tpu.pipeline_mode<synchronous>, transform_indices = @transform_5, window_bounds = array<i64: 256, 32>}, {pipeline_mode = #tpu.pipeline_mode<synchronous>, transform_indices = @transform_6, window_bounds = array<i64: 1, 32>}, {transform_indices = @transform_7, window_bounds = array<i64: 1, 20, 256, 256>}, {transform_indices = @transform_8, window_bounds = array<i64: 1, 1, 512>}, {transform_indices = @transform_9, window_bounds = array<i64: 1, 32, 512>}]} {
    %get3A = arith.constant 0 : index
    %get3A_0 = arith.constant 0 : index
    %get3A_1 = arith.constant 0 : index
    %get3A_2 = arith.constant 0 : index
    %get3A_3 = vector.load %arg1[%get3A, %get3A_0, %get3A_1, %get3A_2] : memref<1x20x256x256xf32, #tpu.memory_space<vmem>>, vector<1x20x256x256xf32>
    %get3A_4 = vector.shape_cast %get3A_3 : vector<1x20x256x256xf32> to vector<20x256x256xf32>
    %swap3A = arith.constant 0 : index
    %swap3A_5 = arith.constant 0 : index
    %swap3A_6 = arith.constant 0 : index
    %swap3A_7 = arith.constant 0 : index
    %swap3A_8 = vector.load %arg8[%swap3A, %swap3A_5, %swap3A_6, %swap3A_7] : memref<1x20x256x256xf32, #tpu.memory_space<vmem>>, vector<1x20x256x256xf32>
    %swap3A_9 = vector.shape_cast %swap3A_8 : vector<1x20x256x256xf32> to vector<20x256x256xf32>
    %swap3A_10 = vector.shape_cast %get3A_4 : vector<20x256x256xf32> to vector<1x20x256x256xf32>
    tpu.vector_store %arg8[%swap3A, %swap3A_5, %swap3A_6, %swap3A_7], %swap3A_10 {strides = array<i32>} : memref<1x20x256x256xf32, #tpu.memory_space<vmem>>, vector<1x20x256x256xf32>,
    %get3A_11 = arith.constant 0 : index
    %get3A_12 = arith.constant 0 : index
    %get3A_13 = arith.constant 0 : index
    %get3A_14 = vector.load %arg2[%get3A_11, %get3A_12, %get3A_13] : memref<1x512x256xf32, #tpu.memory_space<vmem>>, vector<1x512x256xf32>
    %get3A_15 = vector.shape_cast %get3A_14 : vector<1x512x256xf32> to vector<512x256xf32>
    %get3A_16 = arith.constant 0 : index
    %get3A_17 = arith.constant 0 : index
    %get3A_18 = vector.load %arg6[%get3A_16, %get3A_17] : memref<256x32xf32, #tpu.memory_space<vmem>>, vector<256x32xf32>
    %dot_general3A = arith.constant dense<0.000000e+00> : vector<512x32xf32>
    %dot_general3A_19 = tpu.matmul %get3A_15, %get3A_18, %dot_general3A {dimension_numbers = #tpu.dot_dimension_numbers<[1], [0], [0], [1], [0, 0, 1, 1], [], []>, precision = #tpu.contract_precision<fp32>, transpose_lhs_hint = false} : vector<512x256xf32>, vector<256x32xf32>, vector<512x32xf32> -> vector<512x32xf32>
    %get3A_20 = arith.constant 0 : index
    %get3A_21 = arith.constant 0 : index
    %get3A_22 = vector.load %arg7[%get3A_20, %get3A_21] : memref<1x32xf32, #tpu.memory_space<vmem>>, vector<1x32xf32>
    %add3A = vector.broadcast %get3A_22 : vector<1x32xf32> to vector<512x32xf32>
    %add3A_23 = arith.addf %dot_general3A_19, %add3A : vector<512x32xf32>
    %max3A = arith.constant 0.000000e+00 : f32
    %max3A_24 = vector.broadcast %max3A : f32 to vector<512x32xf32>
    %max3A_25 = arith.maximumf %add3A_23, %max3A_24 : vector<512x32xf32>
    %get3A_26 = arith.constant 0 : index
    %get3A_27 = arith.constant 0 : index
    %get3A_28 = arith.constant 0 : index
    %get3A_29 = vector.load %arg3[%get3A_26, %get3A_27, %get3A_28] : memref<1x1x512xi32, #tpu.memory_space<vmem>>, vector<1x1x512xi32>
    %get3A_30 = vector.shape_cast %get3A_29 : vector<1x1x512xi32> to vector<512xi32>
    %jit3A = arith.constant 0 : i32
    %jit3A_31 = arith.constant 255 : i32
    %max3A_32 = vector.broadcast %jit3A : i32 to vector<512xi32>
    %max3A_33 = arith.maxsi %max3A_32, %get3A_30 : vector<512xi32>
    %min3A = vector.broadcast %jit3A_31 : i32 to vector<512xi32>
    %min3A_34 = arith.minsi %min3A, %max3A_33 : vector<512xi32>
    %get3A_35 = arith.constant 0 : index
    %get3A_36 = arith.constant 0 : index
    %get3A_37 = arith.constant 0 : index
    %get3A_38 = vector.load %arg4[%get3A_35, %get3A_36, %get3A_37] : memref<1x1x512xi32, #tpu.memory_space<vmem>>, vector<1x1x512xi32>
    %get3A_39 = vector.shape_cast %get3A_38 : vector<1x1x512xi32> to vector<512xi32>
    %jit3A_40 = arith.constant 0 : i32
    %jit3A_41 = arith.constant 255 : i32
    %max3A_42 = vector.broadcast %jit3A_40 : i32 to vector<512xi32>
    %max3A_43 = arith.maxsi %max3A_42, %get3A_39 : vector<512xi32>
    %min3A_44 = vector.broadcast %jit3A_41 : i32 to vector<512xi32>
    %min3A_45 = arith.minsi %min3A_44, %max3A_43 : vector<512xi32>
    %mul3A = arith.constant 256 : i32
    %mul3A_46 = vector.broadcast %mul3A : i32 to vector<512xi32>
    %mul3A_47 = arith.muli %min3A_34, %mul3A_46 : vector<512xi32>
    %add3A_48 = arith.addi %mul3A_47, %min3A_45 : vector<512xi32>
    %broadcast_in_dim3A = vector.shape_cast %add3A_48 : vector<512xi32> to vector<512x1xi32>
    %broadcast_in_dim3A_49 = vector.shape_cast %add3A_48 : vector<512xi32> to vector<1x512xi32>
    %eq3A = vector.broadcast %broadcast_in_dim3A : vector<512x1xi32> to vector<512x512xi32>
    %eq3A_50 = vector.broadcast %broadcast_in_dim3A_49 : vector<1x512xi32> to vector<512x512xi32>
    %eq3A_51 = arith.cmpi eq, %eq3A, %eq3A_50 : vector<512x512xi32>
    %convert_element_type3A = arith.extui %eq3A_51 : vector<512x512xi1> to vector<512x512xi32>
    %convert_element_type3A_52 = arith.sitofp %convert_element_type3A : vector<512x512xi32> to vector<512x512xf32>
    %get3A_53 = arith.constant 0 : index
    %get3A_54 = arith.constant 0 : index
    %get3A_55 = arith.constant 0 : index
    %get3A_56 = vector.load %arg5[%get3A_53, %get3A_54, %get3A_55] : memref<1x1x512xf32, #tpu.memory_space<vmem>>, vector<1x1x512xf32>
    %get3A_57 = vector.shape_cast %get3A_56 : vector<1x1x512xf32> to vector<1x512xf32>
    %mul3A_58 = vector.broadcast %get3A_57 : vector<1x512xf32> to vector<512x512xf32>
    %mul3A_59 = arith.mulf %convert_element_type3A_52, %mul3A_58 : vector<512x512xf32>
    %dot_general3A_60 = arith.constant dense<0.000000e+00> : vector<512x32xf32>
    %dot_general3A_61 = tpu.matmul %mul3A_59, %max3A_25, %dot_general3A_60 {dimension_numbers = #tpu.dot_dimension_numbers<[1], [0], [0], [1], [0, 0, 1, 1], [], []>, precision = #tpu.contract_precision<fp32>, transpose_lhs_hint = false} : vector<512x512xf32>, vector<512x32xf32>, vector<512x32xf32> -> vector<512x32xf32>
    %swap3A_62 = arith.constant 0 : index
    %swap3A_63 = arith.constant 0 : index
    %swap3A_64 = arith.constant 0 : index
    %swap3A_65 = vector.load %arg9[%swap3A_62, %swap3A_63, %swap3A_64] : memref<1x1x512xi32, #tpu.memory_space<vmem>>, vector<1x1x512xi32>
    %swap3A_66 = vector.shape_cast %swap3A_65 : vector<1x1x512xi32> to vector<512xi32>
    %swap3A_67 = vector.shape_cast %add3A_48 : vector<512xi32> to vector<1x1x512xi32>
    tpu.vector_store %arg9[%swap3A_62, %swap3A_63, %swap3A_64], %swap3A_67 {strides = array<i32>} : memref<1x1x512xi32, #tpu.memory_space<vmem>>, vector<1x1x512xi32>,
    %transpose3A = tpu.transpose %dot_general3A_61, [1, 0] : vector<512x32xf32> -> vector<32x512xf32>
    %swap3A_68 = arith.constant 0 : index
    %swap3A_69 = arith.constant 0 : index
    %swap3A_70 = arith.constant 0 : index
    %swap3A_71 = vector.load %arg10[%swap3A_68, %swap3A_69, %swap3A_70] : memref<1x32x512xf32, #tpu.memory_space<vmem>>, vector<1x32x512xf32>
    %swap3A_72 = vector.shape_cast %swap3A_71 : vector<1x32x512xf32> to vector<32x512xf32>
    %swap3A_73 = vector.shape_cast %transpose3A : vector<32x512xf32> to vector<1x32x512xf32>
    tpu.vector_store %arg10[%swap3A_68, %swap3A_69, %swap3A_70], %swap3A_73 {strides = array<i32>} : memref<1x32x512xf32, #tpu.memory_space<vmem>>, vector<1x32x512xf32>,
    return
  }
  func.func @transform_0(%arg0: i32) -> (i32, i32, i32, i32) {
    %c0_i32 = arith.constant 0 : i32
    %c0_i32_0 = arith.constant 0 : i32
    %c0_i32_1 = arith.constant 0 : i32
    %c0_i32_2 = arith.constant 0 : i32
    return %arg0, %c0_i32, %c0_i32_0, %c0_i32_1 : i32, i32, i32, i32
  }
  func.func @transform_1(%arg0: i32) -> (i32, i32, i32) {
    %c0_i32 = arith.constant 0 : i32
    %c0_i32_0 = arith.constant 0 : i32
    %c0_i32_1 = arith.constant 0 : i32
    return %arg0, %c0_i32, %c0_i32_0 : i32, i32, i32
  }
  func.func @transform_2(%arg0: i32) -> (i32, i32, i32) {
    %c0_i32 = arith.constant 0 : i32
    %c0_i32_0 = arith.constant 0 : i32
    %c0_i32_1 = arith.constant 0 : i32
    return %arg0, %c0_i32, %c0_i32_0 : i32, i32, i32
  }
  func.func @transform_3(%arg0: i32) -> (i32, i32, i32) {
    %c0_i32 = arith.constant 0 : i32
    %c0_i32_0 = arith.constant 0 : i32
    %c0_i32_1 = arith.constant 0 : i32
    return %arg0, %c0_i32, %c0_i32_0 : i32, i32, i32
  }
  func.func @transform_4(%arg0: i32) -> (i32, i32, i32) {
    %c0_i32 = arith.constant 0 : i32
    %c0_i32_0 = arith.constant 0 : i32
    %c0_i32_1 = arith.constant 0 : i32
    return %arg0, %c0_i32, %c0_i32_0 : i32, i32, i32
  }
  func.func @transform_5(%arg0: i32) -> (i32, i32) {
    %c0_i32 = arith.constant 0 : i32
    %c0_i32_0 = arith.constant 0 : i32
    %c0_i32_1 = arith.constant 0 : i32
    return %c0_i32, %c0_i32_0 : i32, i32
  }
  func.func @transform_6(%arg0: i32) -> (i32, i32) {
    %c0_i32 = arith.constant 0 : i32
    %c0_i32_0 = arith.constant 0 : i32
    %c0_i32_1 = arith.constant 0 : i32
    return %c0_i32, %c0_i32_0 : i32, i32
  }
  func.func @transform_7(%arg0: i32) -> (i32, i32, i32, i32) {
    %c0_i32 = arith.constant 0 : i32
    %c0_i32_0 = arith.constant 0 : i32
    %c0_i32_1 = arith.constant 0 : i32
    %c0_i32_2 = arith.constant 0 : i32
    return %arg0, %c0_i32, %c0_i32_0, %c0_i32_1 : i32, i32, i32, i32
  }
  func.func @transform_8(%arg0: i32) -> (i32, i32, i32) {
    %c0_i32 = arith.constant 0 : i32
    %c0_i32_0 = arith.constant 0 : i32
    %c0_i32_1 = arith.constant 0 : i32
    return %arg0, %c0_i32, %c0_i32_0 : i32, i32, i32
  }
  func.func @transform_9(%arg0: i32) -> (i32, i32, i32) {
    %c0_i32 = arith.constant 0 : i32
    %c0_i32_0 = arith.constant 0 : i32
    %c0_i32_1 = arith.constant 0 : i32
    return %arg0, %c0_i32, %c0_i32_0 : i32, i32, i32
  }
}

</mosaic_0001>

<sc_bundles>
// kernel: kernel.4.cloned.1.call-start
scs
__scs_entry_jumppad:
0x0: {  	(pc) =	sbr.rel $0x88, $3  }
0x1: {  	(tag) =	ssettag $0x0;
	lr =	simm.s32 $0x1  }
0x2: {  	[smem:$0x3F9B] =	sst lr;
	_ =	strace $0xD0000000  }
0x3: {  	_ = 	snop  }
0x4: {  	_ = 	snop  }
0x5: {  	_ = 	snop  }
0x6: {  	_ = 	snop  }
0x7: {  	_ = 	snop  }
__scs_overlays_trampoline_lowered:
0x8: {  	[smem:$0x3FAA] =	sst s0  }
0x9: {  	[smem:$0x3FAB] =	sst s1  }
0xa: {  	[smem:$0x3FAC] =	sst s2  }
0xb: {  	[smem:$0x3FAD] =	sst s3  }
0xc: {  	[smem:$0x3FAE] =	sst s4  }
0xd: {  	[smem:$0x3FAF] =	sst s5  }
0xe: {  	[smem:$0x3FB0] =	sst s6  }
0xf: {  	[smem:$0x3FB1] =	sst s7  }
0x10: {  	[smem:$0x3FB2] =	sst s8  }
0x11: {  	[smem:$0x3FB3] =	sst s9;
	s0 =	simm.s32 @!p0 $0x0  }
0x12: {  	s1 =	sld [smem:$0x3F99];
	s0 =	simm.s32 @p0 $0x1  }
0x13: {  	[smem:$0x3FB4] =	sst s0;
	s0 =	simm.s32 @!p1 $0x0  }
0x14: {  	s2 =	sld [smem:$0x3F98];
	s0 =	simm.s32 @p1 $0x1  }
0x15: {  	[smem:$0x3FB5] =	sst s0;
	s0 =	simm.s32 @!p2 $0x0  }
0x16: {  	s3 =	sld [smem:$0x3FDB];
	s0 =	simm.s32 @p2 $0x1  }
0x17: {  	s4 =	simm.s32 $0x1BF5;
	[smem:$0x3FB7] =	sst s0  }
0x18: {  	s0 =	sld [smem:$0x3F9A];
	_ =	swait.ge [sflag:s4], $0x0  }
0x19: {  	s7 =	sld [smem:$0x3F9B]  }
0x1a: {  	s8 =	sadd.s32 $0xFFFFE003, lr  }
0x1b: {  	s9 =	sadd.s32 $0xFFFFFEF7, lr;
	s5 =	simm.s32 $0xFFFFFFFF;
	p2 =	slt.u32 s8, $0xFFFFF086  }
0x1c: {  	p1 =	slt.u32 s9, $0xF7A;
	s5 =	simm.s32 @!p2 $0x0  }
0x1d: {  	s5 =	simm.s32 @p1 $0x1;
	p0 =	seq.s32 s7, s2  }
0x1e: {  	s7 =	smul.u32 @!p0 $0xF7A, s2;
	p2 =	seq.s32 @!p0 s5, $0x0  }
0x1f: {  	s9 =	smul.u32 $0xF7A, s1;
	s8 =	simm.s32 @!p0 $0x1BF5;
	p2 =	por !p2, p0  }
0x20: {  	[sflag:s8] =	ssyncset.s32 @!p0 $0xFFFFF086;
	s6 =	sadd.s32 @!p0 s3, s7;
	s7 =	simm.s32 @!p0 $0x108  }
0x21: {  	s3 =	sadd.s32 s3, s9;
	s6 =	sadd.s32 @!p0 $0x88, s6;
	s7 =	simm.s32 @p2 $0x1082  }
0x22: {  	[simem:s7], [sflag:s8] =	dma.local @!p0 [hbm:s6], $0xF7A  }
0x23: {  	s9 =	sor.u32 $0xD0000000, s2;
	s6 =	simm.s32 $0x108;
	_ =	swait.ge @!p0 [sflag:s8], $0x0  }
0x24: {  	s3 =	sadd.s32 $0x88, s3;
	s6 =	simm.s32 @!p1 $0x1082;
	[sflag:s4] =	ssyncset.s32 $0xFFFFF086  }
0x25: {  	[simem:s6], [sflag:s4] =	dma.local [hbm:s3], $0xF7A  }
0x26: {  	[smem:$0x3F9B] =	sst s1;
	(tag) =	ssettag s2;
	_ =	strace s9  }
0x27: {  	s1 =	sld [smem:$0x3FAB]  }
0x28: {  	s2 =	sld [smem:$0x3FAC]  }
0x29: {  	s4 =	sld [smem:$0x3FAE]  }
0x2a: {  	p0 =	seq.s32 s5, $0x0;
	s5 =	sld [smem:$0x3FAF]  }
0x2b: {  	s6 =	sld [smem:$0x3FB0]  }
0x2c: {  	s7 =	sld [smem:$0x3FB1]  }
0x2d: {  	s3 =	simm.s32 $0x108;
	s8 =	sld [smem:$0x3FB2]  }
0x2e: {  	s3 =	simm.s32 @!p0 $0x1082;
	s9 =	sld [smem:$0x3FB3]  }
0x2f: {  	lr =	sadd.s32 s0, s3;
	s0 =	sld [smem:$0x3FAA]  }
0x30: {  	s3 =	sld [smem:$0x3FAD]  }
0x31: {  	[smem:$0x3FB6] =	sst s10  }
0x32: {  	s10 =	sld [smem:$0x3FB4];
	_ =	sdelay $0x3  }
0x33: {  	p0 =	seq.s32 s10, $0x1;
	s10 =	sld [smem:$0x3FB6];
	_ =	sdelay $0x3  }
0x34: {  	[smem:$0x3FB6] =	sst s10  }
0x35: {  	s10 =	sld [smem:$0x3FB5];
	_ =	sdelay $0x3  }
0x36: {  	p1 =	seq.s32 s10, $0x1;
	s10 =	sld [smem:$0x3FB6];
	_ =	sdelay $0x3  }
0x37: {  	[smem:$0x3FB6] =	sst s10  }
0x38: {  	s10 =	sld [smem:$0x3FB7]  }
0x39: {  	_ = 	snop;
	(pc) =	sbr.ind lr, $3  }
0x3a: {  	_ = 	snop  }
0x3b: {  	_ = 	snop  }
0x3c: {  	p2 =	seq.s32 s10, $0x1;
	s10 =	sld [smem:$0x3FB6]  }
0x3d: {  	_ =	shalt  }
0x3e: {  	_ =	shalt  }
0x3f: {  	_ =	shalt  }
0x40: {  	_ =	shalt  }
0x41: {  	_ =	shalt  }
0x42: {  	_ =	shalt  }
0x43: {  	_ =	shalt  }
0x44: {  	_ =	shalt  }
0x45: {  	_ =	shalt  }
0x46: {  	_ =	shalt  }
0x47: {  	_ =	shalt  }
0x48: {  	_ =	shalt  }
0x49: {  	_ =	shalt  }
0x4a: {  	_ =	shalt  }
0x4b: {  	_ =	shalt  }
0x4c: {  	_ =	shalt  }
0x4d: {  	_ =	shalt  }
0x4e: {  	_ =	shalt  }
0x4f: {  	_ =	shalt  }
0x50: {  	_ =	shalt  }
0x51: {  	_ =	shalt  }
0x52: {  	_ =	shalt  }
0x53: {  	_ =	shalt  }
0x54: {  	_ =	shalt  }
0x55: {  	_ =	shalt  }
0x56: {  	_ =	shalt  }
0x57: {  	_ =	shalt  }
0x58: {  	_ =	shalt  }
0x59: {  	_ =	shalt  }
0x5a: {  	_ =	shalt  }
0x5b: {  	_ =	shalt  }
0x5c: {  	_ =	shalt  }
0x5d: {  	_ =	shalt  }
0x5e: {  	_ =	shalt  }
0x5f: {  	_ =	shalt  }
0x60: {  	_ =	shalt  }
0x61: {  	_ =	shalt  }
0x62: {  	_ =	shalt  }
0x63: {  	_ =	shalt  }
0x64: {  	_ =	shalt  }
0x65: {  	_ =	shalt  }
0x66: {  	_ =	shalt  }
0x67: {  	_ =	shalt  }
0x68: {  	_ =	shalt  }
0x69: {  	_ =	shalt  }
0x6a: {  	_ =	shalt  }
0x6b: {  	_ =	shalt  }
0x6c: {  	_ =	shalt  }
0x6d: {  	_ =	shalt  }
0x6e: {  	_ =	shalt  }
0x6f: {  	_ =	shalt  }
0x70: {  	_ =	shalt  }
0x71: {  	_ =	shalt  }
0x72: {  	_ =	shalt  }
0x73: {  	_ =	shalt  }
0x74: {  	_ =	shalt  }
0x75: {  	_ =	shalt  }
0x76: {  	_ =	shalt  }
0x77: {  	_ =	shalt  }
0x78: {  	_ =	shalt  }
0x79: {  	_ =	shalt  }
0x7a: {  	_ =	shalt  }
0x7b: {  	_ =	shalt  }
0x7c: {  	_ =	shalt  }
0x7d: {  	_ =	shalt  }
0x7e: {  	_ =	shalt  }
0x7f: {  	_ =	shalt  }
0x80: {  	_ =	shalt  }
0x81: {  	_ =	shalt  }
0x82: {  	_ =	shalt  }
0x83: {  	_ =	shalt  }
0x84: {  	_ =	shalt  }
0x85: {  	_ =	shalt  }
0x86: {  	_ =	shalt  }
0x87: {  	_ =	shalt  }
.Lfunc_end0:
.L_simem_size_0:
called_computation_lowered:
.L_overlay_start_0:
0x88: {  	s2 =	sld [smem:$0x3FD9]  }
0x89: {  	s3 =	sld [smem:$0x3FFE];
	_ =	sdelay $0x1  }
0x8a: {  	s1 =	srdreg.scid  }
0x8b: {  	s0 =	sand.u32 $0x1, s1  }
0x8c: {  	s17 =	sshll.u32 s0, $0xA;
	s2 =	sadd.s32 s3, s2  }
0x8d: {  	s2 =	sadd.s32 s2, s17  }
0x8e: {  	[smem:$0x3FC2] =	sst s2  }
0x8f: {  	_ = 	snop  }
0x90: {  	s2 =	sld [smem:$0x3FD0];
	(tm) =	ssettm $0x1  }
0x91: {  	s18 =	sld [smem:$0x3FFB];
	_ =	sdelay $0x3  }
0x92: {  	_ =	strace s18  }
0x93: {  	s3 =	sld [smem:$0x3FFC];
	_ =	sdelay $0x3  }
0x94: {  	_ =	strace s3  }
0x95: {  	s3 =	sld [smem:$0x3FFD];
	_ =	sdelay $0x3  }
0x96: {  	_ =	strace s3  }
0x97: {  	_ =	strace $0x8FFFFFFF  }
0x98: {  	s19 =	sld [smem:$0x3FDB];
	_ =	sdelay $0x1  }
0x99: {  	s4 =	simm.s32 $_scs_section_size  }
0x9a: {  	s5 =	simm.s32 $_size__tile_overlayer_lowered;
	s6 =	simm.s32 $_tile_overlayer_lowered  }
0x9b: {  	s22 =	simm.s32 $0x1BFF;
	s21 =	sshll.u32 s6, $0x1;
	s3 =	sadd.s32 s4, s19  }
0x9c: {  	s7 =	simm.s32 $0x0;
	s20 =	sshll.u32 s5, $0x1;
	s5 =	sadd.s32 s21, s3  }
0x9d: {  	[timem:s7], [sflag:s22] =	dma.local [hbm:s5], s20  }
0x9e: {  	_ =	swait.ge [sflag:s22], s20  }
0x9f: {  	s4 =	ssub.s32 $0x0, s20;
	[sflag:s22] =	ssyncset.done $0x0  }
0xa0: {  	[sflag:s22] =	ssyncadd.s32 s4;
	_ =	sdelay $0x1  }
0xa1: {  	s23 =	simm.s32 $0x1B8B  }
0xa2: {  	_ =	swait.ge [sflag:s23], $0x1  }
0xa3: {  	[sflag:s23] =	ssyncset.done $0x0  }
0xa4: {  	s25 =	simm.s32 $0x1B8E;
	s24 =	sld [smem:$0x3FFE];
	[sflag:s23] =	ssyncadd.s32 $0xFFFFFFFF  }
0xa5: {  	s26 =	simm.s32 $execute0_lowered;
	[smem:$0x3FD2] =	sst s25  }
0xa6: {  	s5 =	sshll.u32 s26, $0x1;
	_ =	strace $0x80000046;
	[dreg:$0x1] =	wrdreg $0xFFFFFFFF  }
0xa7: {  	s28 =	simm.s32 $_size_execute0_lowered;
	s3 =	sadd.s32 s3, s5;
	[dreg:$0x0] =	wrdreg $0x0  }
0xa8: {  	s5 =	sshll.u32 s28, $0x1;
	[dreg:$0x2] =	wrdreg s3  }
0xa9: {  	[dreg:$0x3] =	wrdreg s5  }
0xaa: {  	[dreg:$0x4] =	wrdreg $0xC0  }
0xab: {  	_ =	task [dreg:s7], $0x5FFFF  }
0xac: {  	[dreg:$0x1] =	wrdreg $0xFFFFFFFF  }
0xad: {  	[dreg:$0x0] =	wrdreg $0x60  }
0xae: {  	[dreg:$0x2] =	wrdreg s24  }
0xaf: {  	[dreg:$0x3] =	wrdreg s2  }
0xb0: {  	[dreg:$0x4] =	wrdreg $0x9  }
0xb1: {  	_ =	task.clear_ibuf [dreg:s7], $0x5FFFF;
	_ =	strace $0x90000046  }
0xb2: {  	s29 =	simm.s32 $0x9;
	_ =	strace $0x80000048  }
0xb3: {  	_ =	swait.ge [sflag:s29], $0x1  }
0xb4: {  	[sflag:s29] =	ssyncadd.s32 $0xFFFFFFFF  }
0xb5: {  	_ =	strace $0x90000048  }
0xb6: {  	_ =	sfence  }
0xb7: {  	s30 =	sld [smem:$0x0];
	_ =	sdelay $0x2  }
0xb8: {  	s31 =	sshll.u32 s1, $0xD;
	s1 =	sshrl.u32 s1, $0x2  }
0xb9: {  	s3 =	sand.u32 $0x4000, s31;
	s1 =	sadd.s32 s1, s30  }
0xba: {  	s0 =	sor.u32 s3, s0;
	s1 =	sshll.u32 s1, $0x11  }
0xbb: {  	s0 =	sor.u32 s1, s0  }
0xbc: {  	s0 =	sadd.s32 $0x8F2B, s0  }
0xbd: {  	[sflag:s0] =	ssyncadd.remote.s32 $0x1  }
0xbe: {  	_ =	sfence.sel $0xFFFF  }
0xbf: {  	[dreg:$0x0] =	wrdreg $0xFFFFFFFF;
	(pc) =	sbr.abs _section_cstart, $3  }
0xc0: {  	[dreg:$0x1] =	wrdreg $0xFFFFFFFF  }
0xc1: {  	_ =	task.clear_ibuf [dreg:s7], $0x2FFFF;
	_ =	strace $0x9FFFFFFF  }
0xc2: {  	(tm) =	ssettm $0x7FFFFFFF  }
0xc3: {  	_ =	shalt  }
tec
execute0_lowered:
.L_overlay_start_1:
0x0: {  	(tag) =	ssettag $0x1  }
0x1: {  	s0 =	rddreg [dreg:$0x0]  }
0x2: {  	s3 =	rddreg [dreg:$0x1];
	s2 =	simm.s32 $0x0  }
0x3: {  	[smem:$0x7FF] =	sst s2;
	s16 =	sadd.s32 $0x9000, s0  }
0x4: {  	s17 =	sadd.s32 $0x9400, s0;
	_ =	strace $0x80000047;
	[dreg:$0x3] =	wrdreg s16  }
0x5: {  	s20 =	sadd.s32 $0x9040, s0;
	[dreg:$0x4] =	wrdreg s17  }
0x6: {  	s22 =	sadd.s32 $0x9080, s0;
	[dreg:$0x6] =	wrdreg s20  }
0x7: {  	s1 =	srdreg.scid;
	s24 =	sadd.s32 $0x90C0, s0;
	[dreg:$0x8] =	wrdreg s22  }
0x8: {  	s5 =	stileid.u32;
	s25 =	sadd.s32 $0x9100, s0;
	[dreg:$0xa] =	wrdreg s24  }
0x9: {  	s28 =	simm.s32 $0x10400;
	s26 =	sadd.s32 $0x9140, s0;
	[dreg:$0xb] =	wrdreg s25  }
0xa: {  	s29 =	simm.s32 $0x10200;
	s7 =	sadd.s32 $0x91C0, s0;
	[dreg:$0xc] =	wrdreg s26  }
0xb: {  	s30 =	simm.s32 $0x10600;
	s8 =	sadd.s32 $0x9200, s0;
	[dreg:$0xe] =	wrdreg s7  }
0xc: {  	s31 =	simm.s32 $0x1;
	s9 =	sadd.s32 $0x9240, s0;
	[dreg:$0xf] =	wrdreg s8  }
0xd: {  	s1 =	sand.u32 $0x1, s1;
	s10 =	sadd.s32 $0x9280, s0;
	[dreg:$0x10] =	wrdreg s9  }
0xe: {  	s4 =	sshll.u32 s5, $0x1;
	s11 =	sadd.s32 $0x92C0, s0;
	[dreg:$0x11] =	wrdreg s10  }
0xf: {  	s5 =	sshll.u32 s5, $0x7;
	s12 =	sadd.s32 $0x9300, s0;
	[dreg:$0x12] =	wrdreg s11  }
0x10: {  	s13 =	sadd.s32 $0x9340, s0;
	s14 =	sadd.s32 $0x9380, s0;
	[dreg:$0x13] =	wrdreg s12  }
0x11: {  	s4 =	sor.u32 s1, s4;
	s1 =	ssub.s32 $0x2, s1;
	[dreg:$0x14] =	wrdreg s13  }
0x12: {  	[dreg:$0x15] =	wrdreg s14;
	s6 =	sshll.u32 s4, $0x4;
	s18 =	sshrl.u32 s1, $0x1  }
0x13: {  	s4 =	sshll.u32 s4, $0xD;
	s5 =	sor.u32 s5, s6;
	s1 =	ssub.s32 s1, s18  }
0x14: {  	s3 =	sadd.s32 s3, s4;
	s6 =	sadd.s32 $0x9180, s0;
	s5 =	sand.u32 $0x670, s5  }
0x15: {  	[dreg:$0xd] =	wrdreg s6;
	s5 =	sadd.s32 s5, s0;
	s0 =	sadd.s32 $0x93C0, s0  }
0x16: {  	s6 =	sadd.s32 $0x28000, s3;
	s19 =	sadd.s32 $0x1000, s5;
	[dreg:$0x16] =	wrdreg s0  }
0x17: {  	s7 =	sadd.s32 $0x90000, s3;
	s21 =	sadd.s32 $0x1800, s5;
	[dreg:$0x5] =	wrdreg s19  }
0x18: {  	s8 =	sadd.s32 $0xF8000, s3;
	s23 =	sadd.s32 $0x2000, s5;
	[dreg:$0x7] =	wrdreg s21  }
0x19: {  	s9 =	sadd.s32 $0x160000, s3;
	s15 =	sadd.s32 $0x2800, s5;
	[dreg:$0x9] =	wrdreg s23  }
0x1a: {  	s10 =	sadd.s32 $0x1C8000, s3;
	s16 =	sadd.s32 $0x3000, s5;
	[dreg:$0x17] =	wrdreg s15  }
0x1b: {  	s11 =	sadd.s32 $0x230000, s3;
	s17 =	sadd.s32 $0x3800, s5;
	[dreg:$0x18] =	wrdreg s16  }
0x1c: {  	s12 =	sadd.s32 $0x298000, s3;
	s18 =	sadd.s32 $0x4000, s5;
	[dreg:$0x19] =	wrdreg s17  }
0x1d: {  	s13 =	sadd.s32 $0x300000, s3;
	s20 =	sadd.s32 $0x5000, s5;
	[dreg:$0x1a] =	wrdreg s18  }
0x1e: {  	s14 =	sadd.s32 $0x368000, s3;
	s22 =	sadd.s32 $0x6000, s5;
	[dreg:$0x1c] =	wrdreg s20  }
0x1f: {  	s24 =	sadd.s32 $0x7000, s5;
	s25 =	sadd.s32 $0x7800, s5;
	[dreg:$0x1e] =	wrdreg s22  }
0x20: {  	s26 =	sadd.s32 $0x8000, s5;
	s19 =	sadd.s32 $0x4800, s5;
	[smem:$0x7FB] =	sst s24  }
0x21: {  	s21 =	sadd.s32 $0x5800, s5;
	s23 =	sadd.s32 $0x6800, s5;
	[smem:$0x7FC] =	sst s25  }
0x22: {  	[smem:$0x7FD] =	sst s26;
	s5 =	sadd.s32 $0x8800, s5;
	s15 =	sadd.s32 $0x3D0000, s3  }
0x23: {  	s16 =	sadd.s32 $0x438000, s3;
	s17 =	sadd.s32 $0x4A0000, s3;
	s18 =	sadd.s32 $0x508000, s3  }
0x24: {  	s20 =	sadd.s32 $0x5D8000, s3;
	s22 =	smax.u32 s1, $0x1;
	[dreg:$0x1b] =	wrdreg s19  }
0x25: {  	s24 =	simm.s32 $0x10000;
	s25 =	simm.s32 $0x80;
	[dreg:$0x1d] =	wrdreg s21  }
0x26: {  	s26 =	simm.s32 $0x400;
	s1 =	simm.s32 $0x0;
	[dreg:$0x1f] =	wrdreg s23  }
0x27: {  	v0 =	vimm.f32 $0.0e+00;
	s19 =	sadd.s32 $0x570000, s3;
	s21 =	sadd.s32 $0x640000, s3;
	s23 =	simm.s32 $0x2  }
.LBB2_1:
0x28: {  	s0 =	rddreg [dreg:$0x4]  }
0x29: {  	[tilespmem:s2], [sflag:$0x2] =	stream.linear.gather [hbm4b:s0+s2], $0x10000, $0x38;
	[tilespmem:$0x10800] =	vst v63  }
0x2a: {  	_ =	swait.ge [sflag:s23], $0x10000  }
0x2b: {  	[sflag:s23] =	ssyncset.done $0x0  }
0x2c: {  	s3 =	rddreg [dreg:$0x3];
	[sflag:s23] =	ssyncadd.s32 $0xFFFF0000  }
0x2d: {  	[tilespmem:s24], [sflag:$0x2] =	stream.linear.gather [hbm4b:s3+s2], $0x200, $0x38;
	[tilespmem:$0x10800] =	vst v63  }
0x2e: {  	_ =	swait.ge [sflag:s23], $0x200  }
0x2f: {  	[sflag:s23] =	ssyncset.done $0x0  }
0x30: {  	s4 =	rddreg [dreg:$0x5];
	[sflag:s23] =	ssyncadd.s32 $0xFFFFFE00  }
0x31: {  	[tilespmem:s28], [sflag:$0x2] =	stream.strided.gather [hbm4b:s4+s25], $0x200, s26, s25, $0x38;
	[tilespmem:$0x10800] =	vst v63  }
0x32: {  	_ =	swait.ge [sflag:s23], $0x200  }
0x33: {  	[sflag:s23] =	ssyncset.done $0x0  }
0x34: {  	s0 =	simm.s32 $0x0;
	s3 =	simm.s32 $0x40;
	[sflag:s23] =	ssyncadd.s32 $0xFFFFFE00  }
.LBB2_2:
0x35: {  	p0 =	sne.s32 s3, $0x7C0;
	v1 =	vld [tilespmem:s0+$0x10000];
	_ =	sdelay $0x4  }
0x36: {  	v2 =	vshll.u32 v1, $0x3  }
0x37: {  	v3 =	vshrl.u32 v1, $0x1;
	v1 =	vand.u32 $0xFFFFF87F, v1;
	v2 =	vand.u32 $0x400, v2  }
0x38: {  	v3 =	vand.u32 $0x380, v3;
	v1 =	vor.u32 v2, v1  }
0x39: {  	v2 =	vld [tilespmem:s0+$0x10400];
	v1 =	vor.u32 v3, v1  }
.Ltmp0:
0x3a: {  	(pc) =	sbr.rel @p0 .LBB2_2-.Ltmp0, $2  }
0x3b: {  	_ =	sdelay $0x2  }
0x3c: {  	s0 =	sshra.s32 s3, $0x2;
	s3 =	sadd.s32 $0x40, s3;
	[tilespmem:v1+s2+$0x0] =	vst.idx.msk $0xffff, v2  }
0x3d: {  	v1 =	vld [tilespmem:s0+$0x10000];
	_ =	sdelay $0x4  }
0x3e: {  	v2 =	vshll.u32 v1, $0x3  }
0x3f: {  	v3 =	vshrl.u32 v1, $0x1;
	v1 =	vand.u32 $0xFFFFF87F, v1;
	v2 =	vand.u32 $0x400, v2  }
0x40: {  	v3 =	vand.u32 $0x380, v3;
	v1 =	vor.u32 v2, v1  }
0x41: {  	v2 =	vld [tilespmem:s0+$0x10400];
	v1 =	vor.u32 v3, v1;
	_ =	sdelay $0x4  }
0x42: {  	s0 =	simm.s32 $0x0;
	[tilespmem:v1+s2+$0x0] =	vst.idx.msk $0xffff, v2  }
0x43: {  	[hbm4b:s6+s0] =	stream.linear.scatter [tilespmem:s0], [sflag:$0x1], $0x10000, $0x38;
	[tilespmem:$0x10800] =	vst v63  }
0x44: {  	s3 =	rddreg [dreg:$0x6]  }
0x45: {  	[tilespmem:s29], [sflag:$0x2] =	stream.linear.gather [hbm4b:s3+s0], $0x200, $0x38;
	[tilespmem:$0x10800] =	vst v63  }
0x46: {  	_ =	swait.ge [sflag:s23], $0x200  }
0x47: {  	[sflag:s23] =	ssyncset.done $0x0  }
0x48: {  	s4 =	rddreg [dreg:$0x7];
	[sflag:s23] =	ssyncadd.s32 $0xFFFFFE00  }
0x49: {  	[tilespmem:s30], [sflag:$0x2] =	stream.strided.gather [hbm4b:s4+s25], $0x200, s26, s25, $0x38;
	[tilespmem:$0x10800] =	vst v63  }
0x4a: {  	_ =	swait.ge [sflag:s23], $0x200  }
0x4b: {  	[sflag:s23] =	ssyncset.done $0x0  }
0x4c: {  	[sflag:s23] =	ssyncadd.s32 $0xFFFFFE00  }
0x4d: {  	_ =	swait.ge [sflag:s31], $0x10000  }
0x4e: {  	[sflag:s31] =	ssyncset.done $0x0  }
0x4f: {  	s3 =	simm.s32 $0x40;
	s4 =	simm.s32 $0x0;
	[sflag:s31] =	ssyncadd.s32 $0xFFFF0000  }
.LBB2_4:
0x50: {  	p0 =	sne.s32 s3, $0x7C0;
	v1 =	vld [tilespmem:s4+$0x10000];
	_ =	sdelay $0x4  }
0x51: {  	v2 =	vshll.u32 v1, $0x3  }
0x52: {  	v3 =	vshrl.u32 v1, $0x1;
	v1 =	vand.u32 $0xFFFFF87F, v1;
	v2 =	vand.u32 $0x400, v2  }
0x53: {  	v3 =	vand.u32 $0x380, v3;
	v1 =	vor.u32 v2, v1  }
0x54: {  	v1 =	vor.u32 v3, v1  }
.Ltmp1:
0x55: {  	(pc) =	sbr.rel @p0 .LBB2_4-.Ltmp1, $2  }
0x56: {  	_ =	sdelay $0x2  }
0x57: {  	s4 =	sshra.s32 s3, $0x2;
	s3 =	sadd.s32 $0x40, s3;
	[tilespmem:v1+s0+$0x0] =	vst.idx.msk $0xffff, v0  }
0x58: {  	v1 =	vld [tilespmem:s4+$0x10000];
	_ =	sdelay $0x4  }
0x59: {  	v2 =	vshll.u32 v1, $0x3  }
0x5a: {  	v3 =	vshrl.u32 v1, $0x1;
	v1 =	vand.u32 $0xFFFFF87F, v1;
	v2 =	vand.u32 $0x400, v2  }
0x5b: {  	v3 =	vand.u32 $0x380, v3;
	v1 =	vor.u32 v2, v1  }
0x5c: {  	v1 =	vor.u32 v3, v1;
	_ =	sdelay $0x4  }
0x5d: {  	s3 =	simm.s32 $0x40;
	[tilespmem:v1+s0+$0x0] =	vst.idx.msk $0xffff, v0;
	s0 =	simm.s32 $0x0  }
.LBB2_6:
0x5e: {  	p0 =	sne.s32 s3, $0x7C0;
	v1 =	vld [tilespmem:s0+$0x10200];
	_ =	sdelay $0x4  }
0x5f: {  	v2 =	vshll.u32 v1, $0x3  }
0x60: {  	v3 =	vshrl.u32 v1, $0x1;
	v1 =	vand.u32 $0xFFFFF87F, v1;
	v2 =	vand.u32 $0x400, v2  }
0x61: {  	v3 =	vand.u32 $0x380, v3;
	v1 =	vor.u32 v2, v1  }
0x62: {  	v2 =	vld [tilespmem:s0+$0x10600];
	v1 =	vor.u32 v3, v1  }
.Ltmp2:
0x63: {  	(pc) =	sbr.rel @p0 .LBB2_6-.Ltmp2, $2  }
0x64: {  	_ =	sdelay $0x2  }
0x65: {  	s0 =	sshra.s32 s3, $0x2;
	s3 =	sadd.s32 $0x40, s3;
	[tilespmem:v1+s2+$0x0] =	vst.idx.msk $0xffff, v2  }
0x66: {  	v1 =	vld [tilespmem:s0+$0x10200];
	_ =	sdelay $0x4  }
0x67: {  	v2 =	vshll.u32 v1, $0x3  }
0x68: {  	v3 =	vshrl.u32 v1, $0x1;
	v1 =	vand.u32 $0xFFFFF87F, v1;
	v2 =	vand.u32 $0x400, v2  }
0x69: {  	v3 =	vand.u32 $0x380, v3;
	v1 =	vor.u32 v2, v1  }
0x6a: {  	v2 =	vld [tilespmem:s0+$0x10600];
	v1 =	vor.u32 v3, v1;
	_ =	sdelay $0x4  }
0x6b: {  	s0 =	simm.s32 $0x0;
	[tilespmem:v1+s2+$0x0] =	vst.idx.msk $0xffff, v2  }
0x6c: {  	[hbm4b:s7+s0] =	stream.linear.scatter [tilespmem:s0], [sflag:$0x1], $0x10000, $0x38;
	[tilespmem:$0x10800] =	vst v63  }
0x6d: {  	s3 =	rddreg [dreg:$0x8]  }
0x6e: {  	[tilespmem:s24], [sflag:$0x2] =	stream.linear.gather [hbm4b:s3+s0], $0x200, $0x38;
	[tilespmem:$0x10800] =	vst v63  }
0x6f: {  	_ =	swait.ge [sflag:s23], $0x200  }
0x70: {  	[sflag:s23] =	ssyncset.done $0x0  }
0x71: {  	s4 =	rddreg [dreg:$0x9];
	[sflag:s23] =	ssyncadd.s32 $0xFFFFFE00  }
0x72: {  	[tilespmem:s28], [sflag:$0x2] =	stream.strided.gather [hbm4b:s4+s25], $0x200, s26, s25, $0x38;
	[tilespmem:$0x10800] =	vst v63  }
0x73: {  	_ =	swait.ge [sflag:s23], $0x200  }
0x74: {  	[sflag:s23] =	ssyncset.done $0x0  }
0x75: {  	[sflag:s23] =	ssyncadd.s32 $0xFFFFFE00  }
0x76: {  	_ =	swait.ge [sflag:s31], $0x10000  }
0x77: {  	[sflag:s31] =	ssyncset.done $0x0  }
0x78: {  	s3 =	simm.s32 $0x40;
	s4 =	simm.s32 $0x0;
	[sflag:s31] =	ssyncadd.s32 $0xFFFF0000  }
.LBB2_8:
0x79: {  	p0 =	sne.s32 s3, $0x7C0;
	v1 =	vld [tilespmem:s4+$0x10200];
	_ =	sdelay $0x4  }
0x7a: {  	v2 =	vshll.u32 v1, $0x3  }
0x7b: {  	v3 =	vshrl.u32 v1, $0x1;
	v1 =	vand.u32 $0xFFFFF87F, v1;
	v2 =	vand.u32 $0x400, v2  }
0x7c: {  	v3 =	vand.u32 $0x380, v3;
	v1 =	vor.u32 v2, v1  }
0x7d: {  	v1 =	vor.u32 v3, v1  }
.Ltmp3:
0x7e: {  	(pc) =	sbr.rel @p0 .LBB2_8-.Ltmp3, $2  }
0x7f: {  	_ =	sdelay $0x2  }
0x80: {  	s4 =	sshra.s32 s3, $0x2;
	s3 =	sadd.s32 $0x40, s3;
	[tilespmem:v1+s0+$0x0] =	vst.idx.msk $0xffff, v0  }
0x81: {  	v1 =	vld [tilespmem:s4+$0x10200];
	_ =	sdelay $0x4  }
0x82: {  	v2 =	vshll.u32 v1, $0x3  }
0x83: {  	v3 =	vshrl.u32 v1, $0x1;
	v1 =	vand.u32 $0xFFFFF87F, v1;
	v2 =	vand.u32 $0x400, v2  }
0x84: {  	v3 =	vand.u32 $0x380, v3;
	v1 =	vor.u32 v2, v1  }
0x85: {  	v1 =	vor.u32 v3, v1;
	_ =	sdelay $0x4  }
0x86: {  	s3 =	simm.s32 $0x40;
	[tilespmem:v1+s0+$0x0] =	vst.idx.msk $0xffff, v0;
	s0 =	simm.s32 $0x0  }
.LBB2_10:
0x87: {  	p0 =	sne.s32 s3, $0x7C0;
	v1 =	vld [tilespmem:s0+$0x10000];
	_ =	sdelay $0x4  }
0x88: {  	v2 =	vshll.u32 v1, $0x3  }
0x89: {  	v3 =	vshrl.u32 v1, $0x1;
	v1 =	vand.u32 $0xFFFFF87F, v1;
	v2 =	vand.u32 $0x400, v2  }
0x8a: {  	v3 =	vand.u32 $0x380, v3;
	v1 =	vor.u32 v2, v1  }
0x8b: {  	v2 =	vld [tilespmem:s0+$0x10400];
	v1 =	vor.u32 v3, v1  }
.Ltmp4:
0x8c: {  	(pc) =	sbr.rel @p0 .LBB2_10-.Ltmp4, $2  }
0x8d: {  	_ =	sdelay $0x2  }
0x8e: {  	s0 =	sshra.s32 s3, $0x2;
	s3 =	sadd.s32 $0x40, s3;
	[tilespmem:v1+s2+$0x0] =	vst.idx.msk $0xffff, v2  }
0x8f: {  	v1 =	vld [tilespmem:s0+$0x10000];
	_ =	sdelay $0x4  }
0x90: {  	v2 =	vshll.u32 v1, $0x3  }
0x91: {  	v3 =	vshrl.u32 v1, $0x1;
	v1 =	vand.u32 $0xFFFFF87F, v1;
	v2 =	vand.u32 $0x400, v2  }
0x92: {  	v3 =	vand.u32 $0x380, v3;
	v1 =	vor.u32 v2, v1  }
0x93: {  	v2 =	vld [tilespmem:s0+$0x10400];
	v1 =	vor.u32 v3, v1;
	_ =	sdelay $0x4  }
0x94: {  	s0 =	simm.s32 $0x0;
	[tilespmem:v1+s2+$0x0] =	vst.idx.msk $0xffff, v2  }
0x95: {  	[hbm4b:s8+s0] =	stream.linear.scatter [tilespmem:s0], [sflag:$0x1], $0x10000, $0x38;
	[tilespmem:$0x10800] =	vst v63  }
0x96: {  	s3 =	rddreg [dreg:$0xa]  }
0x97: {  	[tilespmem:s29], [sflag:$0x2] =	stream.linear.gather [hbm4b:s3+s0], $0x200, $0x38;
	[tilespmem:$0x10800] =	vst v63  }
0x98: {  	_ =	swait.ge [sflag:s23], $0x200  }
0x99: {  	[sflag:s23] =	ssyncset.done $0x0  }
0x9a: {  	s4 =	rddreg [dreg:$0x17];
	[sflag:s23] =	ssyncadd.s32 $0xFFFFFE00  }
0x9b: {  	[tilespmem:s30], [sflag:$0x2] =	stream.strided.gather [hbm4b:s4+s25], $0x200, s26, s25, $0x38;
	[tilespmem:$0x10800] =	vst v63  }
0x9c: {  	_ =	swait.ge [sflag:s23], $0x200  }
0x9d: {  	[sflag:s23] =	ssyncset.done $0x0  }
0x9e: {  	[sflag:s23] =	ssyncadd.s32 $0xFFFFFE00  }
0x9f: {  	_ =	swait.ge [sflag:s31], $0x10000  }
0xa0: {  	[sflag:s31] =	ssyncset.done $0x0  }
0xa1: {  	s3 =	simm.s32 $0x40;
	s4 =	simm.s32 $0x0;
	[sflag:s31] =	ssyncadd.s32 $0xFFFF0000  }
.LBB2_12:
0xa2: {  	p0 =	sne.s32 s3, $0x7C0;
	v1 =	vld [tilespmem:s4+$0x10000];
	_ =	sdelay $0x4  }
0xa3: {  	v2 =	vshll.u32 v1, $0x3  }
0xa4: {  	v3 =	vshrl.u32 v1, $0x1;
	v1 =	vand.u32 $0xFFFFF87F, v1;
	v2 =	vand.u32 $0x400, v2  }
0xa5: {  	v3 =	vand.u32 $0x380, v3;
	v1 =	vor.u32 v2, v1  }
0xa6: {  	v1 =	vor.u32 v3, v1  }
.Ltmp5:
0xa7: {  	(pc) =	sbr.rel @p0 .LBB2_12-.Ltmp5, $2  }
0xa8: {  	_ =	sdelay $0x2  }
0xa9: {  	s4 =	sshra.s32 s3, $0x2;
	s3 =	sadd.s32 $0x40, s3;
	[tilespmem:v1+s0+$0x0] =	vst.idx.msk $0xffff, v0  }
0xaa: {  	v1 =	vld [tilespmem:s4+$0x10000];
	_ =	sdelay $0x4  }
0xab: {  	v2 =	vshll.u32 v1, $0x3  }
0xac: {  	v3 =	vshrl.u32 v1, $0x1;
	v1 =	vand.u32 $0xFFFFF87F, v1;
	v2 =	vand.u32 $0x400, v2  }
0xad: {  	v3 =	vand.u32 $0x380, v3;
	v1 =	vor.u32 v2, v1  }
0xae: {  	v1 =	vor.u32 v3, v1;
	_ =	sdelay $0x4  }
0xaf: {  	s3 =	simm.s32 $0x40;
	[tilespmem:v1+s0+$0x0] =	vst.idx.msk $0xffff, v0;
	s0 =	simm.s32 $0x0  }
.LBB2_14:
0xb0: {  	p0 =	sne.s32 s3, $0x7C0;
	v1 =	vld [tilespmem:s0+$0x10200];
	_ =	sdelay $0x4  }
0xb1: {  	v2 =	vshll.u32 v1, $0x3  }
0xb2: {  	v3 =	vshrl.u32 v1, $0x1;
	v1 =	vand.u32 $0xFFFFF87F, v1;
	v2 =	vand.u32 $0x400, v2  }
0xb3: {  	v3 =	vand.u32 $0x380, v3;
	v1 =	vor.u32 v2, v1  }
0xb4: {  	v2 =	vld [tilespmem:s0+$0x10600];
	v1 =	vor.u32 v3, v1  }
.Ltmp6:
0xb5: {  	(pc) =	sbr.rel @p0 .LBB2_14-.Ltmp6, $2  }
0xb6: {  	_ =	sdelay $0x2  }
0xb7: {  	s0 =	sshra.s32 s3, $0x2;
	s3 =	sadd.s32 $0x40, s3;
	[tilespmem:v1+s2+$0x0] =	vst.idx.msk $0xffff, v2  }
0xb8: {  	v1 =	vld [tilespmem:s0+$0x10200];
	_ =	sdelay $0x4  }
0xb9: {  	v2 =	vshll.u32 v1, $0x3  }
0xba: {  	v3 =	vshrl.u32 v1, $0x1;
	v1 =	vand.u32 $0xFFFFF87F, v1;
	v2 =	vand.u32 $0x400, v2  }
0xbb: {  	v3 =	vand.u32 $0x380, v3;
	v1 =	vor.u32 v2, v1  }
0xbc: {  	v2 =	vld [tilespmem:s0+$0x10600];
	v1 =	vor.u32 v3, v1;
	_ =	sdelay $0x4  }
0xbd: {  	s0 =	simm.s32 $0x0;
	[tilespmem:v1+s2+$0x0] =	vst.idx.msk $0xffff, v2  }
0xbe: {  	[hbm4b:s9+s0] =	stream.linear.scatter [tilespmem:s0], [sflag:$0x1], $0x10000, $0x38;
	[tilespmem:$0x10800] =	vst v63  }
0xbf: {  	s3 =	rddreg [dreg:$0xb]  }
0xc0: {  	[tilespmem:s24], [sflag:$0x2] =	stream.linear.gather [hbm4b:s3+s0], $0x200, $0x38;
	[tilespmem:$0x10800] =	vst v63  }
0xc1: {  	_ =	swait.ge [sflag:s23], $0x200  }
0xc2: {  	[sflag:s23] =	ssyncset.done $0x0  }
0xc3: {  	s4 =	rddreg [dreg:$0x18];
	[sflag:s23] =	ssyncadd.s32 $0xFFFFFE00  }
0xc4: {  	[tilespmem:s28], [sflag:$0x2] =	stream.strided.gather [hbm4b:s4+s25], $0x200, s26, s25, $0x38;
	[tilespmem:$0x10800] =	vst v63  }
0xc5: {  	_ =	swait.ge [sflag:s23], $0x200  }
0xc6: {  	[sflag:s23] =	ssyncset.done $0x0  }
0xc7: {  	[sflag:s23] =	ssyncadd.s32 $0xFFFFFE00  }
0xc8: {  	_ =	swait.ge [sflag:s31], $0x10000  }
0xc9: {  	[sflag:s31] =	ssyncset.done $0x0  }
0xca: {  	s3 =	simm.s32 $0x40;
	s4 =	simm.s32 $0x0;
	[sflag:s31] =	ssyncadd.s32 $0xFFFF0000  }
.LBB2_16:
0xcb: {  	p0 =	sne.s32 s3, $0x7C0;
	v1 =	vld [tilespmem:s4+$0x10200];
	_ =	sdelay $0x4  }
0xcc: {  	v2 =	vshll.u32 v1, $0x3  }
0xcd: {  	v3 =	vshrl.u32 v1, $0x1;
	v1 =	vand.u32 $0xFFFFF87F, v1;
	v2 =	vand.u32 $0x400, v2  }
0xce: {  	v3 =	vand.u32 $0x380, v3;
	v1 =	vor.u32 v2, v1  }
0xcf: {  	v1 =	vor.u32 v3, v1  }
.Ltmp7:
0xd0: {  	(pc) =	sbr.rel @p0 .LBB2_16-.Ltmp7, $2  }
0xd1: {  	_ =	sdelay $0x2  }
0xd2: {  	s4 =	sshra.s32 s3, $0x2;
	s3 =	sadd.s32 $0x40, s3;
	[tilespmem:v1+s0+$0x0] =	vst.idx.msk $0xffff, v0  }
0xd3: {  	v1 =	vld [tilespmem:s4+$0x10200];
	_ =	sdelay $0x4  }
0xd4: {  	v2 =	vshll.u32 v1, $0x3  }
0xd5: {  	v3 =	vshrl.u32 v1, $0x1;
	v1 =	vand.u32 $0xFFFFF87F, v1;
	v2 =	vand.u32 $0x400, v2  }
0xd6: {  	v3 =	vand.u32 $0x380, v3;
	v1 =	vor.u32 v2, v1  }
0xd7: {  	v1 =	vor.u32 v3, v1;
	_ =	sdelay $0x4  }
0xd8: {  	s3 =	simm.s32 $0x40;
	[tilespmem:v1+s0+$0x0] =	vst.idx.msk $0xffff, v0;
	s0 =	simm.s32 $0x0  }
.LBB2_18:
0xd9: {  	p0 =	sne.s32 s3, $0x7C0;
	v1 =	vld [tilespmem:s0+$0x10000];
	_ =	sdelay $0x4  }
0xda: {  	v2 =	vshll.u32 v1, $0x3  }
0xdb: {  	v3 =	vshrl.u32 v1, $0x1;
	v1 =	vand.u32 $0xFFFFF87F, v1;
	v2 =	vand.u32 $0x400, v2  }
0xdc: {  	v3 =	vand.u32 $0x380, v3;
	v1 =	vor.u32 v2, v1  }
0xdd: {  	v2 =	vld [tilespmem:s0+$0x10400];
	v1 =	vor.u32 v3, v1  }
.Ltmp8:
0xde: {  	(pc) =	sbr.rel @p0 .LBB2_18-.Ltmp8, $2  }
0xdf: {  	_ =	sdelay $0x2  }
0xe0: {  	s0 =	sshra.s32 s3, $0x2;
	s3 =	sadd.s32 $0x40, s3;
	[tilespmem:v1+s2+$0x0] =	vst.idx.msk $0xffff, v2  }
0xe1: {  	v1 =	vld [tilespmem:s0+$0x10000];
	_ =	sdelay $0x4  }
0xe2: {  	v2 =	vshll.u32 v1, $0x3  }
0xe3: {  	v3 =	vshrl.u32 v1, $0x1;
	v1 =	vand.u32 $0xFFFFF87F, v1;
	v2 =	vand.u32 $0x400, v2  }
0xe4: {  	v3 =	vand.u32 $0x380, v3;
	v1 =	vor.u32 v2, v1  }
0xe5: {  	v2 =	vld [tilespmem:s0+$0x10400];
	v1 =	vor.u32 v3, v1;
	_ =	sdelay $0x4  }
0xe6: {  	s0 =	simm.s32 $0x0;
	[tilespmem:v1+s2+$0x0] =	vst.idx.msk $0xffff, v2  }
0xe7: {  	[hbm4b:s10+s0] =	stream.linear.scatter [tilespmem:s0], [sflag:$0x1], $0x10000, $0x38;
	[tilespmem:$0x10800] =	vst v63  }
0xe8: {  	s3 =	rddreg [dreg:$0xc]  }
0xe9: {  	[tilespmem:s29], [sflag:$0x2] =	stream.linear.gather [hbm4b:s3+s0], $0x200, $0x38;
	[tilespmem:$0x10800] =	vst v63  }
0xea: {  	_ =	swait.ge [sflag:s23], $0x200  }
0xeb: {  	[sflag:s23] =	ssyncset.done $0x0  }
0xec: {  	s4 =	rddreg [dreg:$0x19];
	[sflag:s23] =	ssyncadd.s32 $0xFFFFFE00  }
0xed: {  	[tilespmem:s30], [sflag:$0x2] =	stream.strided.gather [hbm4b:s4+s25], $0x200, s26, s25, $0x38;
	[tilespmem:$0x10800] =	vst v63  }
0xee: {  	_ =	swait.ge [sflag:s23], $0x200  }
0xef: {  	[sflag:s23] =	ssyncset.done $0x0  }
0xf0: {  	[sflag:s23] =	ssyncadd.s32 $0xFFFFFE00  }
0xf1: {  	_ =	swait.ge [sflag:s31], $0x10000  }
0xf2: {  	[sflag:s31] =	ssyncset.done $0x0  }
0xf3: {  	s3 =	simm.s32 $0x40;
	s4 =	simm.s32 $0x0;
	[sflag:s31] =	ssyncadd.s32 $0xFFFF0000  }
.LBB2_20:
0xf4: {  	p0 =	sne.s32 s3, $0x7C0;
	v1 =	vld [tilespmem:s4+$0x10000];
	_ =	sdelay $0x4  }
0xf5: {  	v2 =	vshll.u32 v1, $0x3  }
0xf6: {  	v3 =	vshrl.u32 v1, $0x1;
	v1 =	vand.u32 $0xFFFFF87F, v1;
	v2 =	vand.u32 $0x400, v2  }
0xf7: {  	v3 =	vand.u32 $0x380, v3;
	v1 =	vor.u32 v2, v1  }
0xf8: {  	v1 =	vor.u32 v3, v1  }
.Ltmp9:
0xf9: {  	(pc) =	sbr.rel @p0 .LBB2_20-.Ltmp9, $2  }
0xfa: {  	_ =	sdelay $0x2  }
0xfb: {  	s4 =	sshra.s32 s3, $0x2;
	s3 =	sadd.s32 $0x40, s3;
	[tilespmem:v1+s0+$0x0] =	vst.idx.msk $0xffff, v0  }
0xfc: {  	v1 =	vld [tilespmem:s4+$0x10000];
	_ =	sdelay $0x4  }
0xfd: {  	v2 =	vshll.u32 v1, $0x3  }
0xfe: {  	v3 =	vshrl.u32 v1, $0x1;
	v1 =	vand.u32 $0xFFFFF87F, v1;
	v2 =	vand.u32 $0x400, v2  }
0xff: {  	v3 =	vand.u32 $0x380, v3;
	v1 =	vor.u32 v2, v1  }
0x100: {  	v1 =	vor.u32 v3, v1;
	_ =	sdelay $0x4  }
0x101: {  	s3 =	simm.s32 $0x40;
	[tilespmem:v1+s0+$0x0] =	vst.idx.msk $0xffff, v0;
	s0 =	simm.s32 $0x0  }
.LBB2_22:
0x102: {  	p0 =	sne.s32 s3, $0x7C0;
	v1 =	vld [tilespmem:s0+$0x10200];
	_ =	sdelay $0x4  }
0x103: {  	v2 =	vshll.u32 v1, $0x3  }
0x104: {  	v3 =	vshrl.u32 v1, $0x1;
	v1 =	vand.u32 $0xFFFFF87F, v1;
	v2 =	vand.u32 $0x400, v2  }
0x105: {  	v3 =	vand.u32 $0x380, v3;
	v1 =	vor.u32 v2, v1  }
0x106: {  	v2 =	vld [tilespmem:s0+$0x10600];
	v1 =	vor.u32 v3, v1  }
.Ltmp10:
0x107: {  	(pc) =	sbr.rel @p0 .LBB2_22-.Ltmp10, $2  }
0x108: {  	_ =	sdelay $0x2  }
0x109: {  	s0 =	sshra.s32 s3, $0x2;
	s3 =	sadd.s32 $0x40, s3;
	[tilespmem:v1+s2+$0x0] =	vst.idx.msk $0xffff, v2  }
0x10a: {  	v1 =	vld [tilespmem:s0+$0x10200];
	_ =	sdelay $0x4  }
0x10b: {  	v2 =	vshll.u32 v1, $0x3  }
0x10c: {  	v3 =	vshrl.u32 v1, $0x1;
	v1 =	vand.u32 $0xFFFFF87F, v1;
	v2 =	vand.u32 $0x400, v2  }
0x10d: {  	v3 =	vand.u32 $0x380, v3;
	v1 =	vor.u32 v2, v1  }
0x10e: {  	v2 =	vld [tilespmem:s0+$0x10600];
	v1 =	vor.u32 v3, v1;
	_ =	sdelay $0x4  }
0x10f: {  	s0 =	simm.s32 $0x0;
	[tilespmem:v1+s2+$0x0] =	vst.idx.msk $0xffff, v2  }
0x110: {  	[hbm4b:s11+s0] =	stream.linear.scatter [tilespmem:s0], [sflag:$0x1], $0x10000, $0x38;
	[tilespmem:$0x10800] =	vst v63  }
0x111: {  	s3 =	rddreg [dreg:$0xd]  }
0x112: {  	[tilespmem:s24], [sflag:$0x2] =	stream.linear.gather [hbm4b:s3+s0], $0x200, $0x38;
	[tilespmem:$0x10800] =	vst v63  }
0x113: {  	_ =	swait.ge [sflag:s23], $0x200  }
0x114: {  	[sflag:s23] =	ssyncset.done $0x0  }
0x115: {  	s4 =	rddreg [dreg:$0x1a];
	[sflag:s23] =	ssyncadd.s32 $0xFFFFFE00  }
0x116: {  	[tilespmem:s28], [sflag:$0x2] =	stream.strided.gather [hbm4b:s4+s25], $0x200, s26, s25, $0x38;
	[tilespmem:$0x10800] =	vst v63  }
0x117: {  	_ =	swait.ge [sflag:s23], $0x200  }
0x118: {  	[sflag:s23] =	ssyncset.done $0x0  }
0x119: {  	[sflag:s23] =	ssyncadd.s32 $0xFFFFFE00  }
0x11a: {  	_ =	swait.ge [sflag:s31], $0x10000  }
0x11b: {  	[sflag:s31] =	ssyncset.done $0x0  }
0x11c: {  	s3 =	simm.s32 $0x40;
	s4 =	simm.s32 $0x0;
	[sflag:s31] =	ssyncadd.s32 $0xFFFF0000  }
.LBB2_24:
0x11d: {  	p0 =	sne.s32 s3, $0x7C0;
	v1 =	vld [tilespmem:s4+$0x10200];
	_ =	sdelay $0x4  }
0x11e: {  	v2 =	vshll.u32 v1, $0x3  }
0x11f: {  	v3 =	vshrl.u32 v1, $0x1;
	v1 =	vand.u32 $0xFFFFF87F, v1;
	v2 =	vand.u32 $0x400, v2  }
0x120: {  	v3 =	vand.u32 $0x380, v3;
	v1 =	vor.u32 v2, v1  }
0x121: {  	v1 =	vor.u32 v3, v1  }
.Ltmp11:
0x122: {  	(pc) =	sbr.rel @p0 .LBB2_24-.Ltmp11, $2  }
0x123: {  	_ =	sdelay $0x2  }
0x124: {  	s4 =	sshra.s32 s3, $0x2;
	s3 =	sadd.s32 $0x40, s3;
	[tilespmem:v1+s0+$0x0] =	vst.idx.msk $0xffff, v0  }
0x125: {  	v1 =	vld [tilespmem:s4+$0x10200];
	_ =	sdelay $0x4  }
0x126: {  	v2 =	vshll.u32 v1, $0x3  }
0x127: {  	v3 =	vshrl.u32 v1, $0x1;
	v1 =	vand.u32 $0xFFFFF87F, v1;
	v2 =	vand.u32 $0x400, v2  }
0x128: {  	v3 =	vand.u32 $0x380, v3;
	v1 =	vor.u32 v2, v1  }
0x129: {  	v1 =	vor.u32 v3, v1;
	_ =	sdelay $0x4  }
0x12a: {  	s3 =	simm.s32 $0x40;
	[tilespmem:v1+s0+$0x0] =	vst.idx.msk $0xffff, v0;
	s0 =	simm.s32 $0x0  }
.LBB2_26:
0x12b: {  	p0 =	sne.s32 s3, $0x7C0;
	v1 =	vld [tilespmem:s0+$0x10000];
	_ =	sdelay $0x4  }
0x12c: {  	v2 =	vshll.u32 v1, $0x3  }
0x12d: {  	v3 =	vshrl.u32 v1, $0x1;
	v1 =	vand.u32 $0xFFFFF87F, v1;
	v2 =	vand.u32 $0x400, v2  }
0x12e: {  	v3 =	vand.u32 $0x380, v3;
	v1 =	vor.u32 v2, v1  }
0x12f: {  	v2 =	vld [tilespmem:s0+$0x10400];
	v1 =	vor.u32 v3, v1  }
.Ltmp12:
0x130: {  	(pc) =	sbr.rel @p0 .LBB2_26-.Ltmp12, $2  }
0x131: {  	_ =	sdelay $0x2  }
0x132: {  	s0 =	sshra.s32 s3, $0x2;
	s3 =	sadd.s32 $0x40, s3;
	[tilespmem:v1+s2+$0x0] =	vst.idx.msk $0xffff, v2  }
0x133: {  	v1 =	vld [tilespmem:s0+$0x10000];
	_ =	sdelay $0x4  }
0x134: {  	v2 =	vshll.u32 v1, $0x3  }
0x135: {  	v3 =	vshrl.u32 v1, $0x1;
	v1 =	vand.u32 $0xFFFFF87F, v1;
	v2 =	vand.u32 $0x400, v2  }
0x136: {  	v3 =	vand.u32 $0x380, v3;
	v1 =	vor.u32 v2, v1  }
0x137: {  	v2 =	vld [tilespmem:s0+$0x10400];
	v1 =	vor.u32 v3, v1;
	_ =	sdelay $0x4  }
0x138: {  	s0 =	simm.s32 $0x0;
	[tilespmem:v1+s2+$0x0] =	vst.idx.msk $0xffff, v2  }
0x139: {  	[hbm4b:s12+s0] =	stream.linear.scatter [tilespmem:s0], [sflag:$0x1], $0x10000, $0x38;
	[tilespmem:$0x10800] =	vst v63  }
0x13a: {  	s3 =	rddreg [dreg:$0xe]  }
0x13b: {  	[tilespmem:s29], [sflag:$0x2] =	stream.linear.gather [hbm4b:s3+s0], $0x200, $0x38;
	[tilespmem:$0x10800] =	vst v63  }
0x13c: {  	_ =	swait.ge [sflag:s23], $0x200  }
0x13d: {  	[sflag:s23] =	ssyncset.done $0x0  }
0x13e: {  	s4 =	rddreg [dreg:$0x1b];
	[sflag:s23] =	ssyncadd.s32 $0xFFFFFE00  }
0x13f: {  	[tilespmem:s30], [sflag:$0x2] =	stream.strided.gather [hbm4b:s4+s25], $0x200, s26, s25, $0x38;
	[tilespmem:$0x10800] =	vst v63  }
0x140: {  	_ =	swait.ge [sflag:s23], $0x200  }
0x141: {  	[sflag:s23] =	ssyncset.done $0x0  }
0x142: {  	[sflag:s23] =	ssyncadd.s32 $0xFFFFFE00  }
0x143: {  	_ =	swait.ge [sflag:s31], $0x10000  }
0x144: {  	[sflag:s31] =	ssyncset.done $0x0  }
0x145: {  	s3 =	simm.s32 $0x40;
	s4 =	simm.s32 $0x0;
	[sflag:s31] =	ssyncadd.s32 $0xFFFF0000  }
.LBB2_28:
0x146: {  	p0 =	sne.s32 s3, $0x7C0;
	v1 =	vld [tilespmem:s4+$0x10000];
	_ =	sdelay $0x4  }
0x147: {  	v2 =	vshll.u32 v1, $0x3  }
0x148: {  	v3 =	vshrl.u32 v1, $0x1;
	v1 =	vand.u32 $0xFFFFF87F, v1;
	v2 =	vand.u32 $0x400, v2  }
0x149: {  	v3 =	vand.u32 $0x380, v3;
	v1 =	vor.u32 v2, v1  }
0x14a: {  	v1 =	vor.u32 v3, v1  }
.Ltmp13:
0x14b: {  	(pc) =	sbr.rel @p0 .LBB2_28-.Ltmp13, $2  }
0x14c: {  	_ =	sdelay $0x2  }
0x14d: {  	s4 =	sshra.s32 s3, $0x2;
	s3 =	sadd.s32 $0x40, s3;
	[tilespmem:v1+s0+$0x0] =	vst.idx.msk $0xffff, v0  }
0x14e: {  	v1 =	vld [tilespmem:s4+$0x10000];
	_ =	sdelay $0x4  }
0x14f: {  	v2 =	vshll.u32 v1, $0x3  }
0x150: {  	v3 =	vshrl.u32 v1, $0x1;
	v1 =	vand.u32 $0xFFFFF87F, v1;
	v2 =	vand.u32 $0x400, v2  }
0x151: {  	v3 =	vand.u32 $0x380, v3;
	v1 =	vor.u32 v2, v1  }
0x152: {  	v1 =	vor.u32 v3, v1;
	_ =	sdelay $0x4  }
0x153: {  	s3 =	simm.s32 $0x40;
	[tilespmem:v1+s0+$0x0] =	vst.idx.msk $0xffff, v0;
	s0 =	simm.s32 $0x0  }
.LBB2_30:
0x154: {  	p0 =	sne.s32 s3, $0x7C0;
	v1 =	vld [tilespmem:s0+$0x10200];
	_ =	sdelay $0x4  }
0x155: {  	v2 =	vshll.u32 v1, $0x3  }
0x156: {  	v3 =	vshrl.u32 v1, $0x1;
	v1 =	vand.u32 $0xFFFFF87F, v1;
	v2 =	vand.u32 $0x400, v2  }
0x157: {  	v3 =	vand.u32 $0x380, v3;
	v1 =	vor.u32 v2, v1  }
0x158: {  	v2 =	vld [tilespmem:s0+$0x10600];
	v1 =	vor.u32 v3, v1  }
.Ltmp14:
0x159: {  	(pc) =	sbr.rel @p0 .LBB2_30-.Ltmp14, $2  }
0x15a: {  	_ =	sdelay $0x2  }
0x15b: {  	s0 =	sshra.s32 s3, $0x2;
	s3 =	sadd.s32 $0x40, s3;
	[tilespmem:v1+s2+$0x0] =	vst.idx.msk $0xffff, v2  }
0x15c: {  	v1 =	vld [tilespmem:s0+$0x10200];
	_ =	sdelay $0x4  }
0x15d: {  	v2 =	vshll.u32 v1, $0x3  }
0x15e: {  	v3 =	vshrl.u32 v1, $0x1;
	v1 =	vand.u32 $0xFFFFF87F, v1;
	v2 =	vand.u32 $0x400, v2  }
0x15f: {  	v3 =	vand.u32 $0x380, v3;
	v1 =	vor.u32 v2, v1  }
0x160: {  	v2 =	vld [tilespmem:s0+$0x10600];
	v1 =	vor.u32 v3, v1;
	_ =	sdelay $0x4  }
0x161: {  	s0 =	simm.s32 $0x0;
	[tilespmem:v1+s2+$0x0] =	vst.idx.msk $0xffff, v2  }
0x162: {  	[hbm4b:s13+s0] =	stream.linear.scatter [tilespmem:s0], [sflag:$0x1], $0x10000, $0x38;
	[tilespmem:$0x10800] =	vst v63  }
0x163: {  	s3 =	rddreg [dreg:$0xf]  }
0x164: {  	[tilespmem:s24], [sflag:$0x2] =	stream.linear.gather [hbm4b:s3+s0], $0x200, $0x38;
	[tilespmem:$0x10800] =	vst v63  }
0x165: {  	_ =	swait.ge [sflag:s23], $0x200  }
0x166: {  	[sflag:s23] =	ssyncset.done $0x0  }
0x167: {  	s4 =	rddreg [dreg:$0x1c];
	[sflag:s23] =	ssyncadd.s32 $0xFFFFFE00  }
0x168: {  	[tilespmem:s28], [sflag:$0x2] =	stream.strided.gather [hbm4b:s4+s25], $0x200, s26, s25, $0x38;
	[tilespmem:$0x10800] =	vst v63  }
0x169: {  	_ =	swait.ge [sflag:s23], $0x200  }
0x16a: {  	[sflag:s23] =	ssyncset.done $0x0  }
0x16b: {  	[sflag:s23] =	ssyncadd.s32 $0xFFFFFE00  }
0x16c: {  	_ =	swait.ge [sflag:s31], $0x10000  }
0x16d: {  	[sflag:s31] =	ssyncset.done $0x0  }
0x16e: {  	s3 =	simm.s32 $0x40;
	s4 =	simm.s32 $0x0;
	[sflag:s31] =	ssyncadd.s32 $0xFFFF0000  }
.LBB2_32:
0x16f: {  	p0 =	sne.s32 s3, $0x7C0;
	v1 =	vld [tilespmem:s4+$0x10200];
	_ =	sdelay $0x4  }
0x170: {  	v2 =	vshll.u32 v1, $0x3  }
0x171: {  	v3 =	vshrl.u32 v1, $0x1;
	v1 =	vand.u32 $0xFFFFF87F, v1;
	v2 =	vand.u32 $0x400, v2  }
0x172: {  	v3 =	vand.u32 $0x380, v3;
	v1 =	vor.u32 v2, v1  }
0x173: {  	v1 =	vor.u32 v3, v1  }
.Ltmp15:
0x174: {  	(pc) =	sbr.rel @p0 .LBB2_32-.Ltmp15, $2  }
0x175: {  	_ =	sdelay $0x2  }
0x176: {  	s4 =	sshra.s32 s3, $0x2;
	s3 =	sadd.s32 $0x40, s3;
	[tilespmem:v1+s0+$0x0] =	vst.idx.msk $0xffff, v0  }
0x177: {  	v1 =	vld [tilespmem:s4+$0x10200];
	_ =	sdelay $0x4  }
0x178: {  	v2 =	vshll.u32 v1, $0x3  }
0x179: {  	v3 =	vshrl.u32 v1, $0x1;
	v1 =	vand.u32 $0xFFFFF87F, v1;
	v2 =	vand.u32 $0x400, v2  }
0x17a: {  	v3 =	vand.u32 $0x380, v3;
	v1 =	vor.u32 v2, v1  }
0x17b: {  	v1 =	vor.u32 v3, v1;
	_ =	sdelay $0x4  }
0x17c: {  	s3 =	simm.s32 $0x40;
	[tilespmem:v1+s0+$0x0] =	vst.idx.msk $0xffff, v0;
	s0 =	simm.s32 $0x0  }
.LBB2_34:
0x17d: {  	p0 =	sne.s32 s3, $0x7C0;
	v1 =	vld [tilespmem:s0+$0x10000];
	_ =	sdelay $0x4  }
0x17e: {  	v2 =	vshll.u32 v1, $0x3  }
0x17f: {  	v3 =	vshrl.u32 v1, $0x1;
	v1 =	vand.u32 $0xFFFFF87F, v1;
	v2 =	vand.u32 $0x400, v2  }
0x180: {  	v3 =	vand.u32 $0x380, v3;
	v1 =	vor.u32 v2, v1  }
0x181: {  	v2 =	vld [tilespmem:s0+$0x10400];
	v1 =	vor.u32 v3, v1  }
.Ltmp16:
0x182: {  	(pc) =	sbr.rel @p0 .LBB2_34-.Ltmp16, $2  }
0x183: {  	_ =	sdelay $0x2  }
0x184: {  	s0 =	sshra.s32 s3, $0x2;
	s3 =	sadd.s32 $0x40, s3;
	[tilespmem:v1+s2+$0x0] =	vst.idx.msk $0xffff, v2  }
0x185: {  	v1 =	vld [tilespmem:s0+$0x10000];
	_ =	sdelay $0x4  }
0x186: {  	v2 =	vshll.u32 v1, $0x3  }
0x187: {  	v3 =	vshrl.u32 v1, $0x1;
	v1 =	vand.u32 $0xFFFFF87F, v1;
	v2 =	vand.u32 $0x400, v2  }
0x188: {  	v3 =	vand.u32 $0x380, v3;
	v1 =	vor.u32 v2, v1  }
0x189: {  	v2 =	vld [tilespmem:s0+$0x10400];
	v1 =	vor.u32 v3, v1;
	_ =	sdelay $0x4  }
0x18a: {  	s0 =	simm.s32 $0x0;
	[tilespmem:v1+s2+$0x0] =	vst.idx.msk $0xffff, v2  }
0x18b: {  	[hbm4b:s14+s0] =	stream.linear.scatter [tilespmem:s0], [sflag:$0x1], $0x10000, $0x38;
	[tilespmem:$0x10800] =	vst v63  }
0x18c: {  	s3 =	rddreg [dreg:$0x10]  }
0x18d: {  	[tilespmem:s29], [sflag:$0x2] =	stream.linear.gather [hbm4b:s3+s0], $0x200, $0x38;
	[tilespmem:$0x10800] =	vst v63  }
0x18e: {  	_ =	swait.ge [sflag:s23], $0x200  }
0x18f: {  	[sflag:s23] =	ssyncset.done $0x0  }
0x190: {  	s4 =	rddreg [dreg:$0x1d];
	[sflag:s23] =	ssyncadd.s32 $0xFFFFFE00  }
0x191: {  	[tilespmem:s30], [sflag:$0x2] =	stream.strided.gather [hbm4b:s4+s25], $0x200, s26, s25, $0x38;
	[tilespmem:$0x10800] =	vst v63  }
0x192: {  	_ =	swait.ge [sflag:s23], $0x200  }
0x193: {  	[sflag:s23] =	ssyncset.done $0x0  }
0x194: {  	[sflag:s23] =	ssyncadd.s32 $0xFFFFFE00  }
0x195: {  	_ =	swait.ge [sflag:s31], $0x10000  }
0x196: {  	[sflag:s31] =	ssyncset.done $0x0  }
0x197: {  	s3 =	simm.s32 $0x40;
	s4 =	simm.s32 $0x0;
	[sflag:s31] =	ssyncadd.s32 $0xFFFF0000  }
.LBB2_36:
0x198: {  	p0 =	sne.s32 s3, $0x7C0;
	v1 =	vld [tilespmem:s4+$0x10000];
	_ =	sdelay $0x4  }
0x199: {  	v2 =	vshll.u32 v1, $0x3  }
0x19a: {  	v3 =	vshrl.u32 v1, $0x1;
	v1 =	vand.u32 $0xFFFFF87F, v1;
	v2 =	vand.u32 $0x400, v2  }
0x19b: {  	v3 =	vand.u32 $0x380, v3;
	v1 =	vor.u32 v2, v1  }
0x19c: {  	v1 =	vor.u32 v3, v1  }
.Ltmp17:
0x19d: {  	(pc) =	sbr.rel @p0 .LBB2_36-.Ltmp17, $2  }
0x19e: {  	_ =	sdelay $0x2  }
0x19f: {  	s4 =	sshra.s32 s3, $0x2;
	s3 =	sadd.s32 $0x40, s3;
	[tilespmem:v1+s0+$0x0] =	vst.idx.msk $0xffff, v0  }
0x1a0: {  	v1 =	vld [tilespmem:s4+$0x10000];
	_ =	sdelay $0x4  }
0x1a1: {  	v2 =	vshll.u32 v1, $0x3  }
0x1a2: {  	v3 =	vshrl.u32 v1, $0x1;
	v1 =	vand.u32 $0xFFFFF87F, v1;
	v2 =	vand.u32 $0x400, v2  }
0x1a3: {  	v3 =	vand.u32 $0x380, v3;
	v1 =	vor.u32 v2, v1  }
0x1a4: {  	v1 =	vor.u32 v3, v1;
	_ =	sdelay $0x4  }
0x1a5: {  	s3 =	simm.s32 $0x40;
	[tilespmem:v1+s0+$0x0] =	vst.idx.msk $0xffff, v0;
	s0 =	simm.s32 $0x0  }
.LBB2_38:
0x1a6: {  	p0 =	sne.s32 s3, $0x7C0;
	v1 =	vld [tilespmem:s0+$0x10200];
	_ =	sdelay $0x4  }
0x1a7: {  	v2 =	vshll.u32 v1, $0x3  }
0x1a8: {  	v3 =	vshrl.u32 v1, $0x1;
	v1 =	vand.u32 $0xFFFFF87F, v1;
	v2 =	vand.u32 $0x400, v2  }
0x1a9: {  	v3 =	vand.u32 $0x380, v3;
	v1 =	vor.u32 v2, v1  }
0x1aa: {  	v2 =	vld [tilespmem:s0+$0x10600];
	v1 =	vor.u32 v3, v1  }
.Ltmp18:
0x1ab: {  	(pc) =	sbr.rel @p0 .LBB2_38-.Ltmp18, $2  }
0x1ac: {  	_ =	sdelay $0x2  }
0x1ad: {  	s0 =	sshra.s32 s3, $0x2;
	s3 =	sadd.s32 $0x40, s3;
	[tilespmem:v1+s2+$0x0] =	vst.idx.msk $0xffff, v2  }
0x1ae: {  	v1 =	vld [tilespmem:s0+$0x10200];
	_ =	sdelay $0x4  }
0x1af: {  	v2 =	vshll.u32 v1, $0x3  }
0x1b0: {  	v3 =	vshrl.u32 v1, $0x1;
	v1 =	vand.u32 $0xFFFFF87F, v1;
	v2 =	vand.u32 $0x400, v2  }
0x1b1: {  	v3 =	vand.u32 $0x380, v3;
	v1 =	vor.u32 v2, v1  }
0x1b2: {  	v2 =	vld [tilespmem:s0+$0x10600];
	v1 =	vor.u32 v3, v1;
	_ =	sdelay $0x4  }
0x1b3: {  	s0 =	simm.s32 $0x0;
	[tilespmem:v1+s2+$0x0] =	vst.idx.msk $0xffff, v2  }
0x1b4: {  	[hbm4b:s15+s0] =	stream.linear.scatter [tilespmem:s0], [sflag:$0x1], $0x10000, $0x38;
	[tilespmem:$0x10800] =	vst v63  }
0x1b5: {  	s3 =	rddreg [dreg:$0x11]  }
0x1b6: {  	[tilespmem:s24], [sflag:$0x2] =	stream.linear.gather [hbm4b:s3+s0], $0x200, $0x38;
	[tilespmem:$0x10800] =	vst v63  }
0x1b7: {  	_ =	swait.ge [sflag:s23], $0x200  }
0x1b8: {  	[sflag:s23] =	ssyncset.done $0x0  }
0x1b9: {  	s4 =	rddreg [dreg:$0x1e];
	[sflag:s23] =	ssyncadd.s32 $0xFFFFFE00  }
0x1ba: {  	[tilespmem:s28], [sflag:$0x2] =	stream.strided.gather [hbm4b:s4+s25], $0x200, s26, s25, $0x38;
	[tilespmem:$0x10800] =	vst v63  }
0x1bb: {  	_ =	swait.ge [sflag:s23], $0x200  }
0x1bc: {  	[sflag:s23] =	ssyncset.done $0x0  }
0x1bd: {  	[sflag:s23] =	ssyncadd.s32 $0xFFFFFE00  }
0x1be: {  	_ =	swait.ge [sflag:s31], $0x10000  }
0x1bf: {  	[sflag:s31] =	ssyncset.done $0x0  }
0x1c0: {  	s3 =	simm.s32 $0x40;
	s4 =	simm.s32 $0x0;
	[sflag:s31] =	ssyncadd.s32 $0xFFFF0000  }
.LBB2_40:
0x1c1: {  	p0 =	sne.s32 s3, $0x7C0;
	v1 =	vld [tilespmem:s4+$0x10200];
	_ =	sdelay $0x4  }
0x1c2: {  	v2 =	vshll.u32 v1, $0x3  }
0x1c3: {  	v3 =	vshrl.u32 v1, $0x1;
	v1 =	vand.u32 $0xFFFFF87F, v1;
	v2 =	vand.u32 $0x400, v2  }
0x1c4: {  	v3 =	vand.u32 $0x380, v3;
	v1 =	vor.u32 v2, v1  }
0x1c5: {  	v1 =	vor.u32 v3, v1  }
.Ltmp19:
0x1c6: {  	(pc) =	sbr.rel @p0 .LBB2_40-.Ltmp19, $2  }
0x1c7: {  	_ =	sdelay $0x2  }
0x1c8: {  	s4 =	sshra.s32 s3, $0x2;
	s3 =	sadd.s32 $0x40, s3;
	[tilespmem:v1+s0+$0x0] =	vst.idx.msk $0xffff, v0  }
0x1c9: {  	v1 =	vld [tilespmem:s4+$0x10200];
	_ =	sdelay $0x4  }
0x1ca: {  	v2 =	vshll.u32 v1, $0x3  }
0x1cb: {  	v3 =	vshrl.u32 v1, $0x1;
	v1 =	vand.u32 $0xFFFFF87F, v1;
	v2 =	vand.u32 $0x400, v2  }
0x1cc: {  	v3 =	vand.u32 $0x380, v3;
	v1 =	vor.u32 v2, v1  }
0x1cd: {  	v1 =	vor.u32 v3, v1;
	_ =	sdelay $0x4  }
0x1ce: {  	s3 =	simm.s32 $0x40;
	[tilespmem:v1+s0+$0x0] =	vst.idx.msk $0xffff, v0;
	s0 =	simm.s32 $0x0  }
.LBB2_42:
0x1cf: {  	p0 =	sne.s32 s3, $0x7C0;
	v1 =	vld [tilespmem:s0+$0x10000];
	_ =	sdelay $0x4  }
0x1d0: {  	v2 =	vshll.u32 v1, $0x3  }
0x1d1: {  	v3 =	vshrl.u32 v1, $0x1;
	v1 =	vand.u32 $0xFFFFF87F, v1;
	v2 =	vand.u32 $0x400, v2  }
0x1d2: {  	v3 =	vand.u32 $0x380, v3;
	v1 =	vor.u32 v2, v1  }
0x1d3: {  	v2 =	vld [tilespmem:s0+$0x10400];
	v1 =	vor.u32 v3, v1  }
.Ltmp20:
0x1d4: {  	(pc) =	sbr.rel @p0 .LBB2_42-.Ltmp20, $2  }
0x1d5: {  	_ =	sdelay $0x2  }
0x1d6: {  	s0 =	sshra.s32 s3, $0x2;
	s3 =	sadd.s32 $0x40, s3;
	[tilespmem:v1+s2+$0x0] =	vst.idx.msk $0xffff, v2  }
0x1d7: {  	v1 =	vld [tilespmem:s0+$0x10000];
	_ =	sdelay $0x4  }
0x1d8: {  	v2 =	vshll.u32 v1, $0x3  }
0x1d9: {  	v3 =	vshrl.u32 v1, $0x1;
	v1 =	vand.u32 $0xFFFFF87F, v1;
	v2 =	vand.u32 $0x400, v2  }
0x1da: {  	v3 =	vand.u32 $0x380, v3;
	v1 =	vor.u32 v2, v1  }
0x1db: {  	v2 =	vld [tilespmem:s0+$0x10400];
	v1 =	vor.u32 v3, v1;
	_ =	sdelay $0x4  }
0x1dc: {  	s0 =	simm.s32 $0x0;
	[tilespmem:v1+s2+$0x0] =	vst.idx.msk $0xffff, v2  }
0x1dd: {  	[hbm4b:s16+s0] =	stream.linear.scatter [tilespmem:s0], [sflag:$0x1], $0x10000, $0x38;
	[tilespmem:$0x10800] =	vst v63  }
0x1de: {  	s3 =	rddreg [dreg:$0x12]  }
0x1df: {  	[tilespmem:s29], [sflag:$0x2] =	stream.linear.gather [hbm4b:s3+s0], $0x200, $0x38;
	[tilespmem:$0x10800] =	vst v63  }
0x1e0: {  	_ =	swait.ge [sflag:s23], $0x200  }
0x1e1: {  	[sflag:s23] =	ssyncset.done $0x0  }
0x1e2: {  	s4 =	rddreg [dreg:$0x1f];
	[sflag:s23] =	ssyncadd.s32 $0xFFFFFE00  }
0x1e3: {  	[tilespmem:s30], [sflag:$0x2] =	stream.strided.gather [hbm4b:s4+s25], $0x200, s26, s25, $0x38;
	[tilespmem:$0x10800] =	vst v63  }
0x1e4: {  	_ =	swait.ge [sflag:s23], $0x200  }
0x1e5: {  	[sflag:s23] =	ssyncset.done $0x0  }
0x1e6: {  	[sflag:s23] =	ssyncadd.s32 $0xFFFFFE00  }
0x1e7: {  	_ =	swait.ge [sflag:s31], $0x10000  }
0x1e8: {  	[sflag:s31] =	ssyncset.done $0x0  }
0x1e9: {  	s3 =	simm.s32 $0x40;
	s4 =	simm.s32 $0x0;
	[sflag:s31] =	ssyncadd.s32 $0xFFFF0000  }
.LBB2_44:
0x1ea: {  	p0 =	sne.s32 s3, $0x7C0;
	v1 =	vld [tilespmem:s4+$0x10000];
	_ =	sdelay $0x4  }
0x1eb: {  	v2 =	vshll.u32 v1, $0x3  }
0x1ec: {  	v3 =	vshrl.u32 v1, $0x1;
	v1 =	vand.u32 $0xFFFFF87F, v1;
	v2 =	vand.u32 $0x400, v2  }
0x1ed: {  	v3 =	vand.u32 $0x380, v3;
	v1 =	vor.u32 v2, v1  }
0x1ee: {  	v1 =	vor.u32 v3, v1  }
.Ltmp21:
0x1ef: {  	(pc) =	sbr.rel @p0 .LBB2_44-.Ltmp21, $2  }
0x1f0: {  	_ =	sdelay $0x2  }
0x1f1: {  	s4 =	sshra.s32 s3, $0x2;
	s3 =	sadd.s32 $0x40, s3;
	[tilespmem:v1+s0+$0x0] =	vst.idx.msk $0xffff, v0  }
0x1f2: {  	v1 =	vld [tilespmem:s4+$0x10000];
	_ =	sdelay $0x4  }
0x1f3: {  	v2 =	vshll.u32 v1, $0x3  }
0x1f4: {  	v3 =	vshrl.u32 v1, $0x1;
	v1 =	vand.u32 $0xFFFFF87F, v1;
	v2 =	vand.u32 $0x400, v2  }
0x1f5: {  	v3 =	vand.u32 $0x380, v3;
	v1 =	vor.u32 v2, v1  }
0x1f6: {  	v1 =	vor.u32 v3, v1;
	_ =	sdelay $0x4  }
0x1f7: {  	s3 =	simm.s32 $0x40;
	[tilespmem:v1+s0+$0x0] =	vst.idx.msk $0xffff, v0;
	s0 =	simm.s32 $0x0  }
.LBB2_46:
0x1f8: {  	p0 =	sne.s32 s3, $0x7C0;
	v1 =	vld [tilespmem:s0+$0x10200];
	_ =	sdelay $0x4  }
0x1f9: {  	v2 =	vshll.u32 v1, $0x3  }
0x1fa: {  	v3 =	vshrl.u32 v1, $0x1;
	v1 =	vand.u32 $0xFFFFF87F, v1;
	v2 =	vand.u32 $0x400, v2  }
0x1fb: {  	v3 =	vand.u32 $0x380, v3;
	v1 =	vor.u32 v2, v1  }
0x1fc: {  	v2 =	vld [tilespmem:s0+$0x10600];
	v1 =	vor.u32 v3, v1  }
.Ltmp22:
0x1fd: {  	(pc) =	sbr.rel @p0 .LBB2_46-.Ltmp22, $2  }
0x1fe: {  	_ =	sdelay $0x2  }
0x1ff: {  	s0 =	sshra.s32 s3, $0x2;
	s3 =	sadd.s32 $0x40, s3;
	[tilespmem:v1+s2+$0x0] =	vst.idx.msk $0xffff, v2  }
0x200: {  	v1 =	vld [tilespmem:s0+$0x10200];
	_ =	sdelay $0x4  }
0x201: {  	v2 =	vshll.u32 v1, $0x3  }
0x202: {  	v3 =	vshrl.u32 v1, $0x1;
	v1 =	vand.u32 $0xFFFFF87F, v1;
	v2 =	vand.u32 $0x400, v2  }
0x203: {  	v3 =	vand.u32 $0x380, v3;
	v1 =	vor.u32 v2, v1  }
0x204: {  	v2 =	vld [tilespmem:s0+$0x10600];
	v1 =	vor.u32 v3, v1;
	_ =	sdelay $0x4  }
0x205: {  	s0 =	simm.s32 $0x0;
	[tilespmem:v1+s2+$0x0] =	vst.idx.msk $0xffff, v2  }
0x206: {  	[hbm4b:s17+s0] =	stream.linear.scatter [tilespmem:s0], [sflag:$0x1], $0x10000, $0x38;
	[tilespmem:$0x10800] =	vst v63  }
0x207: {  	s3 =	rddreg [dreg:$0x13]  }
0x208: {  	[tilespmem:s24], [sflag:$0x2] =	stream.linear.gather [hbm4b:s3+s0], $0x200, $0x38;
	[tilespmem:$0x10800] =	vst v63  }
0x209: {  	_ =	swait.ge [sflag:s23], $0x200  }
0x20a: {  	s4 =	sld [smem:$0x7FB]  }
0x20b: {  	[sflag:s23] =	ssyncset.done $0x0  }
0x20c: {  	[sflag:s23] =	ssyncadd.s32 $0xFFFFFE00  }
0x20d: {  	[tilespmem:s28], [sflag:$0x2] =	stream.strided.gather [hbm4b:s4+s25], $0x200, s26, s25, $0x38;
	[tilespmem:$0x10800] =	vst v63  }
0x20e: {  	_ =	swait.ge [sflag:s23], $0x200  }
0x20f: {  	[sflag:s23] =	ssyncset.done $0x0  }
0x210: {  	[sflag:s23] =	ssyncadd.s32 $0xFFFFFE00  }
0x211: {  	_ =	swait.ge [sflag:s31], $0x10000  }
0x212: {  	[sflag:s31] =	ssyncset.done $0x0  }
0x213: {  	s3 =	simm.s32 $0x40;
	s4 =	simm.s32 $0x0;
	[sflag:s31] =	ssyncadd.s32 $0xFFFF0000  }
.LBB2_48:
0x214: {  	p0 =	sne.s32 s3, $0x7C0;
	v1 =	vld [tilespmem:s4+$0x10200];
	_ =	sdelay $0x4  }
0x215: {  	v2 =	vshll.u32 v1, $0x3  }
0x216: {  	v3 =	vshrl.u32 v1, $0x1;
	v1 =	vand.u32 $0xFFFFF87F, v1;
	v2 =	vand.u32 $0x400, v2  }
0x217: {  	v3 =	vand.u32 $0x380, v3;
	v1 =	vor.u32 v2, v1  }
0x218: {  	v1 =	vor.u32 v3, v1  }
.Ltmp23:
0x219: {  	(pc) =	sbr.rel @p0 .LBB2_48-.Ltmp23, $2  }
0x21a: {  	_ =	sdelay $0x2  }
0x21b: {  	s4 =	sshra.s32 s3, $0x2;
	s3 =	sadd.s32 $0x40, s3;
	[tilespmem:v1+s0+$0x0] =	vst.idx.msk $0xffff, v0  }
0x21c: {  	v1 =	vld [tilespmem:s4+$0x10200];
	_ =	sdelay $0x4  }
0x21d: {  	v2 =	vshll.u32 v1, $0x3  }
0x21e: {  	v3 =	vshrl.u32 v1, $0x1;
	v1 =	vand.u32 $0xFFFFF87F, v1;
	v2 =	vand.u32 $0x400, v2  }
0x21f: {  	v3 =	vand.u32 $0x380, v3;
	v1 =	vor.u32 v2, v1  }
0x220: {  	v1 =	vor.u32 v3, v1;
	_ =	sdelay $0x4  }
0x221: {  	s3 =	simm.s32 $0x40;
	[tilespmem:v1+s0+$0x0] =	vst.idx.msk $0xffff, v0;
	s0 =	simm.s32 $0x0  }
.LBB2_50:
0x222: {  	p0 =	sne.s32 s3, $0x7C0;
	v1 =	vld [tilespmem:s0+$0x10000];
	_ =	sdelay $0x4  }
0x223: {  	v2 =	vshll.u32 v1, $0x3  }
0x224: {  	v3 =	vshrl.u32 v1, $0x1;
	v1 =	vand.u32 $0xFFFFF87F, v1;
	v2 =	vand.u32 $0x400, v2  }
0x225: {  	v3 =	vand.u32 $0x380, v3;
	v1 =	vor.u32 v2, v1  }
0x226: {  	v2 =	vld [tilespmem:s0+$0x10400];
	v1 =	vor.u32 v3, v1  }
.Ltmp24:
0x227: {  	(pc) =	sbr.rel @p0 .LBB2_50-.Ltmp24, $2  }
0x228: {  	_ =	sdelay $0x2  }
0x229: {  	s0 =	sshra.s32 s3, $0x2;
	s3 =	sadd.s32 $0x40, s3;
	[tilespmem:v1+s2+$0x0] =	vst.idx.msk $0xffff, v2  }
0x22a: {  	v1 =	vld [tilespmem:s0+$0x10000];
	_ =	sdelay $0x4  }
0x22b: {  	v2 =	vshll.u32 v1, $0x3  }
0x22c: {  	v3 =	vshrl.u32 v1, $0x1;
	v1 =	vand.u32 $0xFFFFF87F, v1;
	v2 =	vand.u32 $0x400, v2  }
0x22d: {  	v3 =	vand.u32 $0x380, v3;
	v1 =	vor.u32 v2, v1  }
0x22e: {  	v2 =	vld [tilespmem:s0+$0x10400];
	v1 =	vor.u32 v3, v1;
	_ =	sdelay $0x4  }
0x22f: {  	s0 =	simm.s32 $0x0;
	[tilespmem:v1+s2+$0x0] =	vst.idx.msk $0xffff, v2  }
0x230: {  	[hbm4b:s18+s0] =	stream.linear.scatter [tilespmem:s0], [sflag:$0x1], $0x10000, $0x38;
	[tilespmem:$0x10800] =	vst v63  }
0x231: {  	s3 =	rddreg [dreg:$0x14]  }
0x232: {  	[tilespmem:s29], [sflag:$0x2] =	stream.linear.gather [hbm4b:s3+s0], $0x200, $0x38;
	[tilespmem:$0x10800] =	vst v63  }
0x233: {  	_ =	swait.ge [sflag:s23], $0x200  }
0x234: {  	s4 =	sld [smem:$0x7FC]  }
0x235: {  	[sflag:s23] =	ssyncset.done $0x0  }
0x236: {  	[sflag:s23] =	ssyncadd.s32 $0xFFFFFE00  }
0x237: {  	[tilespmem:s30], [sflag:$0x2] =	stream.strided.gather [hbm4b:s4+s25], $0x200, s26, s25, $0x38;
	[tilespmem:$0x10800] =	vst v63  }
0x238: {  	_ =	swait.ge [sflag:s23], $0x200  }
0x239: {  	[sflag:s23] =	ssyncset.done $0x0  }
0x23a: {  	[sflag:s23] =	ssyncadd.s32 $0xFFFFFE00  }
0x23b: {  	_ =	swait.ge [sflag:s31], $0x10000  }
0x23c: {  	[sflag:s31] =	ssyncset.done $0x0  }
0x23d: {  	s3 =	simm.s32 $0x40;
	s4 =	simm.s32 $0x0;
	[sflag:s31] =	ssyncadd.s32 $0xFFFF0000  }
.LBB2_52:
0x23e: {  	p0 =	sne.s32 s3, $0x7C0;
	v1 =	vld [tilespmem:s4+$0x10000];
	_ =	sdelay $0x4  }
0x23f: {  	v2 =	vshll.u32 v1, $0x3  }
0x240: {  	v3 =	vshrl.u32 v1, $0x1;
	v1 =	vand.u32 $0xFFFFF87F, v1;
	v2 =	vand.u32 $0x400, v2  }
0x241: {  	v3 =	vand.u32 $0x380, v3;
	v1 =	vor.u32 v2, v1  }
0x242: {  	v1 =	vor.u32 v3, v1  }
.Ltmp25:
0x243: {  	(pc) =	sbr.rel @p0 .LBB2_52-.Ltmp25, $2  }
0x244: {  	_ =	sdelay $0x2  }
0x245: {  	s4 =	sshra.s32 s3, $0x2;
	s3 =	sadd.s32 $0x40, s3;
	[tilespmem:v1+s0+$0x0] =	vst.idx.msk $0xffff, v0  }
0x246: {  	v1 =	vld [tilespmem:s4+$0x10000];
	_ =	sdelay $0x4  }
0x247: {  	v2 =	vshll.u32 v1, $0x3  }
0x248: {  	v3 =	vshrl.u32 v1, $0x1;
	v1 =	vand.u32 $0xFFFFF87F, v1;
	v2 =	vand.u32 $0x400, v2  }
0x249: {  	v3 =	vand.u32 $0x380, v3;
	v1 =	vor.u32 v2, v1  }
0x24a: {  	v1 =	vor.u32 v3, v1;
	_ =	sdelay $0x4  }
0x24b: {  	s3 =	simm.s32 $0x40;
	[tilespmem:v1+s0+$0x0] =	vst.idx.msk $0xffff, v0;
	s0 =	simm.s32 $0x0  }
.LBB2_54:
0x24c: {  	p0 =	sne.s32 s3, $0x7C0;
	v1 =	vld [tilespmem:s0+$0x10200];
	_ =	sdelay $0x4  }
0x24d: {  	v2 =	vshll.u32 v1, $0x3  }
0x24e: {  	v3 =	vshrl.u32 v1, $0x1;
	v1 =	vand.u32 $0xFFFFF87F, v1;
	v2 =	vand.u32 $0x400, v2  }
0x24f: {  	v3 =	vand.u32 $0x380, v3;
	v1 =	vor.u32 v2, v1  }
0x250: {  	v2 =	vld [tilespmem:s0+$0x10600];
	v1 =	vor.u32 v3, v1  }
.Ltmp26:
0x251: {  	(pc) =	sbr.rel @p0 .LBB2_54-.Ltmp26, $2  }
0x252: {  	_ =	sdelay $0x2  }
0x253: {  	s0 =	sshra.s32 s3, $0x2;
	s3 =	sadd.s32 $0x40, s3;
	[tilespmem:v1+s2+$0x0] =	vst.idx.msk $0xffff, v2  }
0x254: {  	v1 =	vld [tilespmem:s0+$0x10200];
	_ =	sdelay $0x4  }
0x255: {  	v2 =	vshll.u32 v1, $0x3  }
0x256: {  	v3 =	vshrl.u32 v1, $0x1;
	v1 =	vand.u32 $0xFFFFF87F, v1;
	v2 =	vand.u32 $0x400, v2  }
0x257: {  	v3 =	vand.u32 $0x380, v3;
	v1 =	vor.u32 v2, v1  }
0x258: {  	v2 =	vld [tilespmem:s0+$0x10600];
	v1 =	vor.u32 v3, v1;
	_ =	sdelay $0x4  }
0x259: {  	s0 =	simm.s32 $0x0;
	[tilespmem:v1+s2+$0x0] =	vst.idx.msk $0xffff, v2  }
0x25a: {  	[hbm4b:s19+s0] =	stream.linear.scatter [tilespmem:s0], [sflag:$0x1], $0x10000, $0x38;
	[tilespmem:$0x10800] =	vst v63  }
0x25b: {  	s3 =	rddreg [dreg:$0x15]  }
0x25c: {  	[tilespmem:s24], [sflag:$0x2] =	stream.linear.gather [hbm4b:s3+s0], $0x200, $0x38;
	[tilespmem:$0x10800] =	vst v63  }
0x25d: {  	_ =	swait.ge [sflag:s23], $0x200  }
0x25e: {  	s4 =	sld [smem:$0x7FD]  }
0x25f: {  	[sflag:s23] =	ssyncset.done $0x0  }
0x260: {  	[sflag:s23] =	ssyncadd.s32 $0xFFFFFE00  }
0x261: {  	[tilespmem:s28], [sflag:$0x2] =	stream.strided.gather [hbm4b:s4+s25], $0x200, s26, s25, $0x38;
	[tilespmem:$0x10800] =	vst v63  }
0x262: {  	_ =	swait.ge [sflag:s23], $0x200  }
0x263: {  	[sflag:s23] =	ssyncset.done $0x0  }
0x264: {  	[sflag:s23] =	ssyncadd.s32 $0xFFFFFE00  }
0x265: {  	_ =	swait.ge [sflag:s31], $0x10000  }
0x266: {  	[sflag:s31] =	ssyncset.done $0x0  }
0x267: {  	s3 =	simm.s32 $0x40;
	s4 =	simm.s32 $0x0;
	[sflag:s31] =	ssyncadd.s32 $0xFFFF0000  }
.LBB2_56:
0x268: {  	p0 =	sne.s32 s3, $0x7C0;
	v1 =	vld [tilespmem:s4+$0x10200];
	_ =	sdelay $0x4  }
0x269: {  	v2 =	vshll.u32 v1, $0x3  }
0x26a: {  	v3 =	vshrl.u32 v1, $0x1;
	v1 =	vand.u32 $0xFFFFF87F, v1;
	v2 =	vand.u32 $0x400, v2  }
0x26b: {  	v3 =	vand.u32 $0x380, v3;
	v1 =	vor.u32 v2, v1  }
0x26c: {  	v1 =	vor.u32 v3, v1  }
.Ltmp27:
0x26d: {  	(pc) =	sbr.rel @p0 .LBB2_56-.Ltmp27, $2  }
0x26e: {  	_ =	sdelay $0x2  }
0x26f: {  	s4 =	sshra.s32 s3, $0x2;
	s3 =	sadd.s32 $0x40, s3;
	[tilespmem:v1+s0+$0x0] =	vst.idx.msk $0xffff, v0  }
0x270: {  	v1 =	vld [tilespmem:s4+$0x10200];
	_ =	sdelay $0x4  }
0x271: {  	v2 =	vshll.u32 v1, $0x3  }
0x272: {  	v3 =	vshrl.u32 v1, $0x1;
	v1 =	vand.u32 $0xFFFFF87F, v1;
	v2 =	vand.u32 $0x400, v2  }
0x273: {  	v3 =	vand.u32 $0x380, v3;
	v1 =	vor.u32 v2, v1  }
0x274: {  	v1 =	vor.u32 v3, v1;
	_ =	sdelay $0x4  }
0x275: {  	s3 =	simm.s32 $0x40;
	[tilespmem:v1+s0+$0x0] =	vst.idx.msk $0xffff, v0;
	s0 =	simm.s32 $0x0  }
.LBB2_58:
0x276: {  	p0 =	sne.s32 s3, $0x7C0;
	v1 =	vld [tilespmem:s0+$0x10000];
	_ =	sdelay $0x4  }
0x277: {  	v2 =	vshll.u32 v1, $0x3  }
0x278: {  	v3 =	vshrl.u32 v1, $0x1;
	v1 =	vand.u32 $0xFFFFF87F, v1;
	v2 =	vand.u32 $0x400, v2  }
0x279: {  	v3 =	vand.u32 $0x380, v3;
	v1 =	vor.u32 v2, v1  }
0x27a: {  	v2 =	vld [tilespmem:s0+$0x10400];
	v1 =	vor.u32 v3, v1  }
.Ltmp28:
0x27b: {  	(pc) =	sbr.rel @p0 .LBB2_58-.Ltmp28, $2  }
0x27c: {  	_ =	sdelay $0x2  }
0x27d: {  	s0 =	sshra.s32 s3, $0x2;
	s3 =	sadd.s32 $0x40, s3;
	[tilespmem:v1+s2+$0x0] =	vst.idx.msk $0xffff, v2  }
0x27e: {  	v1 =	vld [tilespmem:s0+$0x10000];
	_ =	sdelay $0x4  }
0x27f: {  	v2 =	vshll.u32 v1, $0x3  }
0x280: {  	v3 =	vshrl.u32 v1, $0x1;
	v1 =	vand.u32 $0xFFFFF87F, v1;
	v2 =	vand.u32 $0x400, v2  }
0x281: {  	v3 =	vand.u32 $0x380, v3;
	v1 =	vor.u32 v2, v1  }
0x282: {  	v2 =	vld [tilespmem:s0+$0x10400];
	v1 =	vor.u32 v3, v1;
	_ =	sdelay $0x4  }
0x283: {  	s0 =	simm.s32 $0x0;
	[tilespmem:v1+s2+$0x0] =	vst.idx.msk $0xffff, v2  }
0x284: {  	[hbm4b:s20+s0] =	stream.linear.scatter [tilespmem:s0], [sflag:$0x1], $0x10000, $0x38;
	[tilespmem:$0x10800] =	vst v63  }
0x285: {  	s3 =	rddreg [dreg:$0x16]  }
0x286: {  	[tilespmem:s29], [sflag:$0x2] =	stream.linear.gather [hbm4b:s3+s0], $0x200, $0x38;
	[tilespmem:$0x10800] =	vst v63  }
0x287: {  	_ =	swait.ge [sflag:s23], $0x200  }
0x288: {  	[sflag:s23] =	ssyncset.done $0x0  }
0x289: {  	[sflag:s23] =	ssyncadd.s32 $0xFFFFFE00  }
0x28a: {  	[tilespmem:s30], [sflag:$0x2] =	stream.strided.gather [hbm4b:s5+s25], $0x200, s26, s25, $0x38;
	[tilespmem:$0x10800] =	vst v63  }
0x28b: {  	_ =	swait.ge [sflag:s23], $0x200  }
0x28c: {  	[sflag:s23] =	ssyncset.done $0x0  }
0x28d: {  	[sflag:s23] =	ssyncadd.s32 $0xFFFFFE00  }
0x28e: {  	_ =	swait.ge [sflag:s31], $0x10000  }
0x28f: {  	[sflag:s31] =	ssyncset.done $0x0  }
0x290: {  	s4 =	simm.s32 $0x0;
	s3 =	simm.s32 $0x40;
	[sflag:s31] =	ssyncadd.s32 $0xFFFF0000  }
.LBB2_60:
0x291: {  	p0 =	sne.s32 s3, $0x7C0;
	v1 =	vld [tilespmem:s4+$0x10000];
	_ =	sdelay $0x4  }
0x292: {  	v2 =	vshll.u32 v1, $0x3  }
0x293: {  	v3 =	vshrl.u32 v1, $0x1;
	v1 =	vand.u32 $0xFFFFF87F, v1;
	v2 =	vand.u32 $0x400, v2  }
0x294: {  	v3 =	vand.u32 $0x380, v3;
	v1 =	vor.u32 v2, v1  }
0x295: {  	v1 =	vor.u32 v3, v1  }
.Ltmp29:
0x296: {  	(pc) =	sbr.rel @p0 .LBB2_60-.Ltmp29, $2  }
0x297: {  	_ =	sdelay $0x2  }
0x298: {  	s4 =	sshra.s32 s3, $0x2;
	s3 =	sadd.s32 $0x40, s3;
	[tilespmem:v1+s0+$0x0] =	vst.idx.msk $0xffff, v0  }
0x299: {  	v1 =	vld [tilespmem:s4+$0x10000];
	_ =	sdelay $0x4  }
0x29a: {  	v2 =	vshll.u32 v1, $0x3  }
0x29b: {  	v3 =	vshrl.u32 v1, $0x1;
	v1 =	vand.u32 $0xFFFFF87F, v1;
	v2 =	vand.u32 $0x400, v2  }
0x29c: {  	v3 =	vand.u32 $0x380, v3;
	v1 =	vor.u32 v2, v1  }
0x29d: {  	v1 =	vor.u32 v3, v1;
	_ =	sdelay $0x4  }
0x29e: {  	s3 =	simm.s32 $0x40;
	[tilespmem:v1+s0+$0x0] =	vst.idx.msk $0xffff, v0;
	s0 =	simm.s32 $0x0  }
.LBB2_62:
0x29f: {  	p0 =	sne.s32 s3, $0x7C0;
	v1 =	vld [tilespmem:s0+$0x10200];
	_ =	sdelay $0x4  }
0x2a0: {  	v2 =	vshll.u32 v1, $0x3  }
0x2a1: {  	v3 =	vshrl.u32 v1, $0x1;
	v1 =	vand.u32 $0xFFFFF87F, v1;
	v2 =	vand.u32 $0x400, v2  }
0x2a2: {  	v3 =	vand.u32 $0x380, v3;
	v1 =	vor.u32 v2, v1  }
0x2a3: {  	v2 =	vld [tilespmem:s0+$0x10600];
	v1 =	vor.u32 v3, v1  }
.Ltmp30:
0x2a4: {  	(pc) =	sbr.rel @p0 .LBB2_62-.Ltmp30, $2  }
0x2a5: {  	_ =	sdelay $0x2  }
0x2a6: {  	s0 =	sshra.s32 s3, $0x2;
	s3 =	sadd.s32 $0x40, s3;
	[tilespmem:v1+s2+$0x0] =	vst.idx.msk $0xffff, v2  }
0x2a7: {  	v1 =	vld [tilespmem:s0+$0x10200];
	_ =	sdelay $0x4  }
0x2a8: {  	v2 =	vshll.u32 v1, $0x3  }
0x2a9: {  	v3 =	vshrl.u32 v1, $0x1;
	v1 =	vand.u32 $0xFFFFF87F, v1;
	v2 =	vand.u32 $0x400, v2  }
0x2aa: {  	v3 =	vand.u32 $0x380, v3;
	v1 =	vor.u32 v2, v1  }
0x2ab: {  	v2 =	vld [tilespmem:s0+$0x10600];
	v1 =	vor.u32 v3, v1;
	_ =	sdelay $0x4  }
0x2ac: {  	s4 =	simm.s32 $0x0;
	[tilespmem:v1+s2+$0x0] =	vst.idx.msk $0xffff, v2  }
0x2ad: {  	[hbm4b:s21+s4] =	stream.linear.scatter [tilespmem:s4], [sflag:$0x1], $0x10000, $0x38;
	[tilespmem:$0x10800] =	vst v63  }
0x2ae: {  	_ =	swait.ge [sflag:s31], $0x10000  }
0x2af: {  	[sflag:s31] =	ssyncset.done $0x0  }
0x2b0: {  	s3 =	simm.s32 $0x0;
	s0 =	simm.s32 $0x40;
	[sflag:s31] =	ssyncadd.s32 $0xFFFF0000  }
.LBB2_64:
0x2b1: {  	p0 =	sne.s32 s0, $0x7C0;
	v1 =	vld [tilespmem:s3+$0x10200];
	_ =	sdelay $0x4  }
0x2b2: {  	v2 =	vshll.u32 v1, $0x3  }
0x2b3: {  	v3 =	vshrl.u32 v1, $0x1;
	v1 =	vand.u32 $0xFFFFF87F, v1;
	v2 =	vand.u32 $0x400, v2  }
0x2b4: {  	v3 =	vand.u32 $0x380, v3;
	v1 =	vor.u32 v2, v1  }
0x2b5: {  	v1 =	vor.u32 v3, v1  }
.Ltmp31:
0x2b6: {  	(pc) =	sbr.rel @p0 .LBB2_64-.Ltmp31, $2  }
0x2b7: {  	_ =	sdelay $0x2  }
0x2b8: {  	s3 =	sshra.s32 s0, $0x2;
	s0 =	sadd.s32 $0x40, s0;
	[tilespmem:v1+s2+$0x0] =	vst.idx.msk $0xffff, v0  }
0x2b9: {  	v1 =	vld [tilespmem:s3+$0x10200];
	_ =	sdelay $0x4  }
0x2ba: {  	v2 =	vshll.u32 v1, $0x3  }
0x2bb: {  	v3 =	vshrl.u32 v1, $0x1;
	v1 =	vand.u32 $0xFFFFF87F, v1;
	v2 =	vand.u32 $0x400, v2  }
0x2bc: {  	s1 =	sadd.s32 $0x1, s1;
	v3 =	vand.u32 $0x380, v3;
	v1 =	vor.u32 v2, v1  }
0x2bd: {  	p0 =	sne.s32 s1, s22;
	v1 =	vor.u32 v3, v1  }
.Ltmp32:
0x2be: {  	_ = 	snop;
	(pc) =	sbr.rel @p0 .LBB2_1-.Ltmp32, $2  }
0x2bf: {  	_ =	sdelay $0x2  }
0x2c0: {  	[tilespmem:v1+s2+$0x0] =	vst.idx.msk $0xffff, v0  }
0x2c1: {  	_ =	sfence.sel $0x180000  }
0x2c2: {  	[bflag:$0x0] =	sbarrier.arrive $0xFFFF  }
0x2c3: {  	_ =	strace $0x90000047  }
0x2c4: {  	s0 =	stileid.u32;
	[bflag:$0x2] =	sbarrier.arrive $0xFFFF  }
0x2c5: {  	p0 =	sne.s32 s0, $0x0;
	s0 =	rddreg [dreg:$0x2]  }
0x2c6: {  	s0 =	sadd.s32 @!p0 $0x100000, s0  }
0x2c7: {  	[sflag:s0] =	ssyncadd.tile.s32 @!p0 $0x1;
	_ =	shalt  }
.Lfunc_end2:
_tile_overlayer_lowered:
.L_overlay_start_2:
0x2c8: {  	(tag) =	ssettag $0x2  }
0x2c9: {  	s0 =	rddreg [dreg:$0x0];
	s2 =	stileid.u32  }
0x2ca: {  	s1 =	rddreg [dreg:$0x1];
	p0 =	sne.s32 s2, $0x0  }
0x2cb: {  	s3 =	rddreg [dreg:$0x2];
	[bflag:$0x3] =	sbarrier.arrive $0xFFFF;
	s2 =	simm.s32 @!p0 $0x1C02  }
0x2cc: {  	[timem:s3], [sflag:s2] =	dma.local @!p0 [hbm:s0], s1  }
0x2cd: {  	s0 =	simm.s32 @!p0 $0x2  }
0x2ce: {  	_ =	swait.ge @!p0 [sflag:s0], s1  }
0x2cf: {  	s1 =	ssub.s32 @!p0 $0x0, s1;
	[sflag:s0] =	ssyncset.done @!p0 $0x0  }
0x2d0: {  	[sflag:s0] =	ssyncadd.s32 @!p0 s1  }
0x2d1: {  	[bflag:$0x3] =	sbarrier.arrive $0xFFFF  }
0x2d2: {  	_ =	shalt  }

</sc_bundles>
